<compile_context>
chip_gen: v7x
topology: tpu7x:2x2x1
jax: 0.10.2.dev20260603
libtpu: 0.0.44.dev20260713+nightly
codegen_flags: <defaults>
</compile_context>

<pallas_src>
import dataclasses
import functools

import jax
import jax.numpy as jnp
import numpy as np
from jax import lax
from jax.experimental import pallas as pl
from jax.experimental.pallas import tpu as pltpu
from jax.experimental.pallas import tpu_sc as plsc

NC = 2
NS = 16
NW = NC * NS
L = 16
CH = 128


def _trig_body(t_ref, cos_ref, sin_ref):
    x = t_ref[...]
    cos_ref[...] = jnp.cos(x)
    sin_ref[...] = jnp.sin(x)


def kernel(X, E_real, E_img, R_real, R_img, T_emb):
    B = X.shape[0]
    dim = E_real.shape[1]
    h_idx = X[:, 0]
    t_idx = X[:, 1]
    r_idx = X[:, 2]
    d_idx = X[:, 3]

    cosT, sinT = pl.pallas_call(
        _trig_body,
        out_shape=[jax.ShapeDtypeStruct(T_emb.shape, jnp.float32)] * 2,
    )(T_emb)

    b_per_w = B // NW
    mesh = plsc.VectorSubcoreMesh(core_axis_name="c", subcore_axis_name="s")

    cp = pltpu.CompilerParams()
    fields = pltpu.CompilerParams.__dataclass_fields__
    if "needs_layout_passes" in fields:
        cp = dataclasses.replace(cp, needs_layout_passes=False)
    if "use_tc_tiling_on_sc" in fields:
        cp = dataclasses.replace(cp, use_tc_tiling_on_sc=False)

    @functools.partial(
        pl.kernel,
        out_type=jax.ShapeDtypeStruct((B,), jnp.float32),
        mesh=mesh,
        compiler_params=cp,
        scratch_types=[
            pltpu.VMEM((b_per_w,), jnp.int32),
            pltpu.VMEM((b_per_w,), jnp.int32),
            pltpu.VMEM((b_per_w,), jnp.int32),
            pltpu.VMEM((b_per_w,), jnp.int32),
            pltpu.VMEM((CH, dim), jnp.float32),
            pltpu.VMEM((CH, dim), jnp.float32),
            pltpu.VMEM((CH, dim), jnp.float32),
            pltpu.VMEM((CH, dim), jnp.float32),
            pltpu.VMEM((CH, dim), jnp.float32),
            pltpu.VMEM((CH, dim), jnp.float32),
            pltpu.VMEM((CH, dim), jnp.float32),
            pltpu.VMEM((CH, dim), jnp.float32),
            pltpu.VMEM((b_per_w,), jnp.float32),
            pltpu.SemaphoreType.DMA,
        ],
    )
    def sc_score(h_hbm, t_hbm, r_hbm, d_hbm, er_hbm, ei_hbm, rr_hbm, ri_hbm,
                 ct_hbm, st_hbm, out_hbm,
                 hi_v, ti_v, ri_v, di_v,
                 hre_v, him_v, tre_v, tim_v, rre_v, rim_v, cos_v, sin_v,
                 out_v, sem):
        iota = lax.iota(jnp.int32, L)
        wid = lax.axis_index("s") * NC + lax.axis_index("c")
        base = wid * b_per_w
        pltpu.sync_copy(h_hbm.at[pl.ds(base, b_per_w)], hi_v)
        pltpu.sync_copy(t_hbm.at[pl.ds(base, b_per_w)], ti_v)
        pltpu.sync_copy(r_hbm.at[pl.ds(base, b_per_w)], ri_v)
        pltpu.sync_copy(d_hbm.at[pl.ds(base, b_per_w)], di_v)

        @pl.loop(0, b_per_w // CH)
        def _chunk(ci):
            off = ci * CH
            copies = [
                pltpu.async_copy(er_hbm.at[hi_v.at[pl.ds(off, CH)]], hre_v, sem),
                pltpu.async_copy(ei_hbm.at[hi_v.at[pl.ds(off, CH)]], him_v, sem),
                pltpu.async_copy(er_hbm.at[ti_v.at[pl.ds(off, CH)]], tre_v, sem),
                pltpu.async_copy(ei_hbm.at[ti_v.at[pl.ds(off, CH)]], tim_v, sem),
                pltpu.async_copy(rr_hbm.at[ri_v.at[pl.ds(off, CH)]], rre_v, sem),
                pltpu.async_copy(ri_hbm.at[ri_v.at[pl.ds(off, CH)]], rim_v, sem),
                pltpu.async_copy(ct_hbm.at[di_v.at[pl.ds(off, CH)]], cos_v, sem),
                pltpu.async_copy(st_hbm.at[di_v.at[pl.ds(off, CH)]], sin_v, sem),
            ]
            for c in copies:
                c.wait()

            @pl.loop(0, CH // L)
            def _group(g):
                acc = jnp.zeros((L,), jnp.float32)
                for l in range(L):
                    w = g * L + l
                    s = jnp.zeros((L,), jnp.float32)
                    for half in range(dim // L):
                        sl = pl.ds(half * L, L)
                        hre = hre_v[w, sl]
                        him = him_v[w, sl]
                        tre = tre_v[w, sl]
                        tim = tim_v[w, sl]
                        c = cos_v[w, sl]
                        sn = sin_v[w, sl]
                        real = (hre - tre) * c - (him - tim) * sn + rre_v[w, sl]
                        imag = (hre + tre) * sn + (him + tim) * c + rim_v[w, sl]
                        s = s + jnp.abs(real) + jnp.abs(imag)
                    tot = jnp.sum(s)
                    acc = jnp.where(iota == l, tot, acc)
                out_v[pl.ds(off + g * L, L)] = acc

        pltpu.sync_copy(out_v, out_hbm.at[pl.ds(base, b_per_w)])

    return sc_score(h_idx, t_idx, r_idx, d_idx, E_real, E_img,
                    R_real, R_img, cosT, sinT)

# --- scband reference (transcript-rebuilt; emitter-appended) ---
"""Pipeline reference for scband-te-ro-34522947125668 (READ-ONLY COPY).

The authoritative reference and input builder live on the scoring server;
editing this copy changes nothing except your own understanding.
"""

import jax, jax.numpy as jnp
import numpy as np

N_ENTITY = 100000
N_RELATION = 2000
N_DAY = 5000
DIM = 32
B = 16384
GRAN = 1


def setup_inputs(seed: int = 0) -> dict:
    key = jax.random.key(seed)
    k1, k2, k3, k4, k5, k6, k7, k8, k9 = jax.random.split(key, 9)
    r = 6.0 / np.sqrt(DIM)
    h = jax.random.randint(k1, (B,), 0, N_ENTITY)
    t = jax.random.randint(k2, (B,), 0, N_ENTITY)
    rel = jax.random.randint(k3, (B,), 0, 2 * N_RELATION)
    d = jax.random.randint(k4, (B,), 0, N_DAY * GRAN)
    X = jnp.stack([h, t, rel, d], axis=1)
    E_real = jax.random.uniform(k5, (N_ENTITY, DIM), minval=-r, maxval=r, dtype=jnp.float32)
    E_img = jax.random.uniform(k6, (N_ENTITY, DIM), minval=-r, maxval=r, dtype=jnp.float32)
    R_real = jax.random.uniform(k7, (2 * N_RELATION, DIM), minval=-r, maxval=r, dtype=jnp.float32)
    R_img = jax.random.uniform(k8, (2 * N_RELATION, DIM), minval=-r, maxval=r, dtype=jnp.float32)
    T_emb = jax.random.uniform(k9, (N_DAY, DIM), minval=-r, maxval=r, dtype=jnp.float32)
    return {"X": X, "E_real": E_real, "E_img": E_img, "R_real": R_real, "R_img": R_img, "T_emb": T_emb}


def reference(X, E_real, E_img, R_real, R_img, T_emb):
    h_i = X[:, 0]
    t_i = X[:, 1]
    r_i = X[:, 2]
    d_i = X[:, 3] // GRAN
    # time rotation
    t_row = jnp.take(T_emb, d_i, axis=0)
    d_img = jnp.sin(t_row)
    d_real = jnp.cos(t_row)
    h_re = jnp.take(E_real, h_i, axis=0)
    h_im = jnp.take(E_img, h_i, axis=0)
    t_re = jnp.take(E_real, t_i, axis=0)
    t_im = jnp.take(E_img, t_i, axis=0)
    h_real = h_re * d_real - h_im * d_img
    t_real = t_re * d_real - t_im * d_img
    h_img = h_re * d_img + h_im * d_real
    t_img = t_re * d_img + t_im * d_real
    r_real = jnp.take(R_real, r_i, axis=0)
    r_img = jnp.take(R_img, r_i, axis=0)
    out_real = jnp.sum(jnp.abs(h_real + r_real - t_real), axis=1)
    out_img = jnp.sum(jnp.abs(h_img + r_img + t_img), axis=1)
    return out_real + out_img

if __name__ == "__main__":
    import jax
    _d = setup_inputs()
    print(jax.jit(kernel)(*tuple(_d.values())))

</pallas_src>

<mosaic_0001>
#map = affine_map<(d0, d1) -> (0)>
#map1 = affine_map<(d0, d1) -> (0, 0)>
module attributes {stable_mosaic.version = 14 : i64} {
  func.func @sc_score(%arg0: i32, %arg1: i32, %arg2: memref<16384xi32, #tpu.memory_space<hbm>>, %arg3: memref<16384xi32, #tpu.memory_space<hbm>>, %arg4: memref<16384xi32, #tpu.memory_space<hbm>>, %arg5: memref<16384xi32, #tpu.memory_space<hbm>>, %arg6: memref<100000x32xf32, #tpu.memory_space<hbm>>, %arg7: memref<100000x32xf32, #tpu.memory_space<hbm>>, %arg8: memref<4000x32xf32, #tpu.memory_space<hbm>>, %arg9: memref<4000x32xf32, #tpu.memory_space<hbm>>, %arg10: memref<5000x32xf32, #tpu.memory_space<hbm>>, %arg11: memref<5000x32xf32, #tpu.memory_space<hbm>>, %arg12: memref<16384xf32, #tpu.memory_space<hbm>>, %arg13: memref<512xi32, #tpu.memory_space<vmem>>, %arg14: memref<512xi32, #tpu.memory_space<vmem>>, %arg15: memref<512xi32, #tpu.memory_space<vmem>>, %arg16: memref<512xi32, #tpu.memory_space<vmem>>, %arg17: memref<128x32xf32, #tpu.memory_space<vmem>>, %arg18: memref<128x32xf32, #tpu.memory_space<vmem>>, %arg19: memref<128x32xf32, #tpu.memory_space<vmem>>, %arg20: memref<128x32xf32, #tpu.memory_space<vmem>>, %arg21: memref<128x32xf32, #tpu.memory_space<vmem>>, %arg22: memref<128x32xf32, #tpu.memory_space<vmem>>, %arg23: memref<128x32xf32, #tpu.memory_space<vmem>>, %arg24: memref<128x32xf32, #tpu.memory_space<vmem>>, %arg25: memref<512xf32, #tpu.memory_space<vmem>>, %arg26: memref<!tpu.dma_semaphore, #tpu.memory_space<semaphore_mem>>) attributes {dimension_semantics = [#tpu.dimension_semantics<core_parallel>, #tpu.dimension_semantics<subcore_parallel>], iteration_bounds = array<i64: 2, 16>, scalar_prefetch = 0 : i64, scratch_operands = 14 : i64, tpu.core_type = #tpu.core_type<sc_vector_subcore>, window_params = [{transform_indices = #map}, {transform_indices = #map}, {transform_indices = #map}, {transform_indices = #map}, {transform_indices = #map1}, {transform_indices = #map1}, {transform_indices = #map1}, {transform_indices = #map1}, {transform_indices = #map1}, {transform_indices = #map1}, {transform_indices = #map}]} {
    %iota3A = tpu.iota {dimensions = array<i32: 0>} : vector<16xi32>
    %mul3A = arith.constant 2 : i32
    %mul3A_0 = arith.muli %arg1, %mul3A : i32
    %add3A = arith.addi %mul3A_0, %arg0 : i32
    %mul3A_1 = arith.constant 512 : i32
    %mul3A_2 = arith.muli %add3A, %mul3A_1 : i32
    "tpu.region"() ({
      %run_scoped3A = tpu.sem_alloc : memref<!tpu.dma_semaphore, #tpu.memory_space<semaphore_mem>>
      %dma_start3A = tpu.memref_slice %arg2[%mul3A_2] : memref<16384xi32, #tpu.memory_space<hbm>> -> memref<512xi32, #tpu.memory_space<hbm>>
      %dma_start3A_7 = tpu.memref_slice %arg2[%mul3A_2] : memref<16384xi32, #tpu.memory_space<hbm>> -> memref<512xi32, #tpu.memory_space<hbm>>
      tpu.enqueue_dma source(%dma_start3A_7 : memref<512xi32, #tpu.memory_space<hbm>>) target(%arg13 : memref<512xi32, #tpu.memory_space<vmem>>) target_semaphore(%run_scoped3A : memref<!tpu.dma_semaphore, #tpu.memory_space<semaphore_mem>>)
      %dma_wait3A = tpu.memref_slice %arg2[%mul3A_2] : memref<16384xi32, #tpu.memory_space<hbm>> -> memref<512xi32, #tpu.memory_space<hbm>>
      %dma_wait3A_8 = tpu.memref_slice %arg2[%mul3A_2] : memref<16384xi32, #tpu.memory_space<hbm>> -> memref<512xi32, #tpu.memory_space<hbm>>
      tpu.wait_dma2 semaphore(%run_scoped3A : memref<!tpu.dma_semaphore, #tpu.memory_space<semaphore_mem>>) src(%dma_wait3A_8 : memref<512xi32, #tpu.memory_space<hbm>>) dst(%arg13 : memref<512xi32, #tpu.memory_space<vmem>>)
      tpu.yield
    }) : () -> ()
    "tpu.region"() ({
      %run_scoped3A = tpu.sem_alloc : memref<!tpu.dma_semaphore, #tpu.memory_space<semaphore_mem>>
      %dma_start3A = tpu.memref_slice %arg3[%mul3A_2] : memref<16384xi32, #tpu.memory_space<hbm>> -> memref<512xi32, #tpu.memory_space<hbm>>
      %dma_start3A_7 = tpu.memref_slice %arg3[%mul3A_2] : memref<16384xi32, #tpu.memory_space<hbm>> -> memref<512xi32, #tpu.memory_space<hbm>>
      tpu.enqueue_dma source(%dma_start3A_7 : memref<512xi32, #tpu.memory_space<hbm>>) target(%arg14 : memref<512xi32, #tpu.memory_space<vmem>>) target_semaphore(%run_scoped3A : memref<!tpu.dma_semaphore, #tpu.memory_space<semaphore_mem>>)
      %dma_wait3A = tpu.memref_slice %arg3[%mul3A_2] : memref<16384xi32, #tpu.memory_space<hbm>> -> memref<512xi32, #tpu.memory_space<hbm>>
      %dma_wait3A_8 = tpu.memref_slice %arg3[%mul3A_2] : memref<16384xi32, #tpu.memory_space<hbm>> -> memref<512xi32, #tpu.memory_space<hbm>>
      tpu.wait_dma2 semaphore(%run_scoped3A : memref<!tpu.dma_semaphore, #tpu.memory_space<semaphore_mem>>) src(%dma_wait3A_8 : memref<512xi32, #tpu.memory_space<hbm>>) dst(%arg14 : memref<512xi32, #tpu.memory_space<vmem>>)
      tpu.yield
    }) : () -> ()
    "tpu.region"() ({
      %run_scoped3A = tpu.sem_alloc : memref<!tpu.dma_semaphore, #tpu.memory_space<semaphore_mem>>
      %dma_start3A = tpu.memref_slice %arg4[%mul3A_2] : memref<16384xi32, #tpu.memory_space<hbm>> -> memref<512xi32, #tpu.memory_space<hbm>>
      %dma_start3A_7 = tpu.memref_slice %arg4[%mul3A_2] : memref<16384xi32, #tpu.memory_space<hbm>> -> memref<512xi32, #tpu.memory_space<hbm>>
      tpu.enqueue_dma source(%dma_start3A_7 : memref<512xi32, #tpu.memory_space<hbm>>) target(%arg15 : memref<512xi32, #tpu.memory_space<vmem>>) target_semaphore(%run_scoped3A : memref<!tpu.dma_semaphore, #tpu.memory_space<semaphore_mem>>)
      %dma_wait3A = tpu.memref_slice %arg4[%mul3A_2] : memref<16384xi32, #tpu.memory_space<hbm>> -> memref<512xi32, #tpu.memory_space<hbm>>
      %dma_wait3A_8 = tpu.memref_slice %arg4[%mul3A_2] : memref<16384xi32, #tpu.memory_space<hbm>> -> memref<512xi32, #tpu.memory_space<hbm>>
      tpu.wait_dma2 semaphore(%run_scoped3A : memref<!tpu.dma_semaphore, #tpu.memory_space<semaphore_mem>>) src(%dma_wait3A_8 : memref<512xi32, #tpu.memory_space<hbm>>) dst(%arg15 : memref<512xi32, #tpu.memory_space<vmem>>)
      tpu.yield
    }) : () -> ()
    "tpu.region"() ({
      %run_scoped3A = tpu.sem_alloc : memref<!tpu.dma_semaphore, #tpu.memory_space<semaphore_mem>>
      %dma_start3A = tpu.memref_slice %arg5[%mul3A_2] : memref<16384xi32, #tpu.memory_space<hbm>> -> memref<512xi32, #tpu.memory_space<hbm>>
      %dma_start3A_7 = tpu.memref_slice %arg5[%mul3A_2] : memref<16384xi32, #tpu.memory_space<hbm>> -> memref<512xi32, #tpu.memory_space<hbm>>
      tpu.enqueue_dma source(%dma_start3A_7 : memref<512xi32, #tpu.memory_space<hbm>>) target(%arg16 : memref<512xi32, #tpu.memory_space<vmem>>) target_semaphore(%run_scoped3A : memref<!tpu.dma_semaphore, #tpu.memory_space<semaphore_mem>>)
      %dma_wait3A = tpu.memref_slice %arg5[%mul3A_2] : memref<16384xi32, #tpu.memory_space<hbm>> -> memref<512xi32, #tpu.memory_space<hbm>>
      %dma_wait3A_8 = tpu.memref_slice %arg5[%mul3A_2] : memref<16384xi32, #tpu.memory_space<hbm>> -> memref<512xi32, #tpu.memory_space<hbm>>
      tpu.wait_dma2 semaphore(%run_scoped3A : memref<!tpu.dma_semaphore, #tpu.memory_space<semaphore_mem>>) src(%dma_wait3A_8 : memref<512xi32, #tpu.memory_space<hbm>>) dst(%arg16 : memref<512xi32, #tpu.memory_space<vmem>>)
      tpu.yield
    }) : () -> ()
    %scan3A = arith.constant 0 : i32
    %scan3A_3 = arith.constant 4 : i32
    %scan3A_4 = arith.addi %scan3A, %scan3A_3 : i32
    %scan3A_5 = arith.constant 1 : i32
    scf.for %scan3A_7 = %scan3A to %scan3A_4 step %scan3A_5  : i32 {
      %mul3A_8 = arith.constant 1 : i32
      %mul3A_9 = arith.muli %scan3A_7, %mul3A_8 : i32
      %add3A_10 = arith.constant 0 : i32
      %add3A_11 = arith.addi %add3A_10, %mul3A_9 : i32
      %mul3A_12 = arith.constant 128 : i32
      %mul3A_13 = arith.muli %add3A_11, %mul3A_12 : i32
      %dma_start3A = tpu.memref_slice %arg13[%mul3A_13] : memref<512xi32, #tpu.memory_space<vmem>> -> memref<128xi32, #tpu.memory_space<vmem>>
      %dma_start3A_14 = arith.constant 0 : i32
      %dma_start3A_15 = arith.constant 0 : i32
      %dma_start3A_16 = tpu.memref_slice %arg6[%dma_start3A_14, %dma_start3A_15] : memref<100000x32xf32, #tpu.memory_space<hbm>> -> memref<100000x32xf32, #tpu.memory_space<hbm>>
      tpu.enqueue_indirect_dma source(%dma_start3A_16 : memref<100000x32xf32, #tpu.memory_space<hbm>>) target(%arg17 : memref<128x32xf32, #tpu.memory_space<vmem>>) offsets(%dma_start3A : memref<128xi32, #tpu.memory_space<vmem>>) semaphore(%arg26 : memref<!tpu.dma_semaphore, #tpu.memory_space<semaphore_mem>>)
      %dma_start3A_17 = tpu.memref_slice %arg13[%mul3A_13] : memref<512xi32, #tpu.memory_space<vmem>> -> memref<128xi32, #tpu.memory_space<vmem>>
      %dma_start3A_18 = arith.constant 0 : i32
      %dma_start3A_19 = arith.constant 0 : i32
      %dma_start3A_20 = tpu.memref_slice %arg7[%dma_start3A_18, %dma_start3A_19] : memref<100000x32xf32, #tpu.memory_space<hbm>> -> memref<100000x32xf32, #tpu.memory_space<hbm>>
      tpu.enqueue_indirect_dma source(%dma_start3A_20 : memref<100000x32xf32, #tpu.memory_space<hbm>>) target(%arg18 : memref<128x32xf32, #tpu.memory_space<vmem>>) offsets(%dma_start3A_17 : memref<128xi32, #tpu.memory_space<vmem>>) semaphore(%arg26 : memref<!tpu.dma_semaphore, #tpu.memory_space<semaphore_mem>>)
      %dma_start3A_21 = tpu.memref_slice %arg14[%mul3A_13] : memref<512xi32, #tpu.memory_space<vmem>> -> memref<128xi32, #tpu.memory_space<vmem>>
      %dma_start3A_22 = arith.constant 0 : i32
      %dma_start3A_23 = arith.constant 0 : i32
      %dma_start3A_24 = tpu.memref_slice %arg6[%dma_start3A_22, %dma_start3A_23] : memref<100000x32xf32, #tpu.memory_space<hbm>> -> memref<100000x32xf32, #tpu.memory_space<hbm>>
      tpu.enqueue_indirect_dma source(%dma_start3A_24 : memref<100000x32xf32, #tpu.memory_space<hbm>>) target(%arg19 : memref<128x32xf32, #tpu.memory_space<vmem>>) offsets(%dma_start3A_21 : memref<128xi32, #tpu.memory_space<vmem>>) semaphore(%arg26 : memref<!tpu.dma_semaphore, #tpu.memory_space<semaphore_mem>>)
      %dma_start3A_25 = tpu.memref_slice %arg14[%mul3A_13] : memref<512xi32, #tpu.memory_space<vmem>> -> memref<128xi32, #tpu.memory_space<vmem>>
      %dma_start3A_26 = arith.constant 0 : i32
      %dma_start3A_27 = arith.constant 0 : i32
      %dma_start3A_28 = tpu.memref_slice %arg7[%dma_start3A_26, %dma_start3A_27] : memref<100000x32xf32, #tpu.memory_space<hbm>> -> memref<100000x32xf32, #tpu.memory_space<hbm>>
      tpu.enqueue_indirect_dma source(%dma_start3A_28 : memref<100000x32xf32, #tpu.memory_space<hbm>>) target(%arg20 : memref<128x32xf32, #tpu.memory_space<vmem>>) offsets(%dma_start3A_25 : memref<128xi32, #tpu.memory_space<vmem>>) semaphore(%arg26 : memref<!tpu.dma_semaphore, #tpu.memory_space<semaphore_mem>>)
      %dma_start3A_29 = tpu.memref_slice %arg15[%mul3A_13] : memref<512xi32, #tpu.memory_space<vmem>> -> memref<128xi32, #tpu.memory_space<vmem>>
      %dma_start3A_30 = arith.constant 0 : i32
      %dma_start3A_31 = arith.constant 0 : i32
      %dma_start3A_32 = tpu.memref_slice %arg8[%dma_start3A_30, %dma_start3A_31] : memref<4000x32xf32, #tpu.memory_space<hbm>> -> memref<4000x32xf32, #tpu.memory_space<hbm>>
      tpu.enqueue_indirect_dma source(%dma_start3A_32 : memref<4000x32xf32, #tpu.memory_space<hbm>>) target(%arg21 : memref<128x32xf32, #tpu.memory_space<vmem>>) offsets(%dma_start3A_29 : memref<128xi32, #tpu.memory_space<vmem>>) semaphore(%arg26 : memref<!tpu.dma_semaphore, #tpu.memory_space<semaphore_mem>>)
      %dma_start3A_33 = tpu.memref_slice %arg15[%mul3A_13] : memref<512xi32, #tpu.memory_space<vmem>> -> memref<128xi32, #tpu.memory_space<vmem>>
      %dma_start3A_34 = arith.constant 0 : i32
      %dma_start3A_35 = arith.constant 0 : i32
      %dma_start3A_36 = tpu.memref_slice %arg9[%dma_start3A_34, %dma_start3A_35] : memref<4000x32xf32, #tpu.memory_space<hbm>> -> memref<4000x32xf32, #tpu.memory_space<hbm>>
      tpu.enqueue_indirect_dma source(%dma_start3A_36 : memref<4000x32xf32, #tpu.memory_space<hbm>>) target(%arg22 : memref<128x32xf32, #tpu.memory_space<vmem>>) offsets(%dma_start3A_33 : memref<128xi32, #tpu.memory_space<vmem>>) semaphore(%arg26 : memref<!tpu.dma_semaphore, #tpu.memory_space<semaphore_mem>>)
      %dma_start3A_37 = tpu.memref_slice %arg16[%mul3A_13] : memref<512xi32, #tpu.memory_space<vmem>> -> memref<128xi32, #tpu.memory_space<vmem>>
      %dma_start3A_38 = arith.constant 0 : i32
      %dma_start3A_39 = arith.constant 0 : i32
      %dma_start3A_40 = tpu.memref_slice %arg10[%dma_start3A_38, %dma_start3A_39] : memref<5000x32xf32, #tpu.memory_space<hbm>> -> memref<5000x32xf32, #tpu.memory_space<hbm>>
      tpu.enqueue_indirect_dma source(%dma_start3A_40 : memref<5000x32xf32, #tpu.memory_space<hbm>>) target(%arg23 : memref<128x32xf32, #tpu.memory_space<vmem>>) offsets(%dma_start3A_37 : memref<128xi32, #tpu.memory_space<vmem>>) semaphore(%arg26 : memref<!tpu.dma_semaphore, #tpu.memory_space<semaphore_mem>>)
      %dma_start3A_41 = tpu.memref_slice %arg16[%mul3A_13] : memref<512xi32, #tpu.memory_space<vmem>> -> memref<128xi32, #tpu.memory_space<vmem>>
      %dma_start3A_42 = arith.constant 0 : i32
      %dma_start3A_43 = arith.constant 0 : i32
      %dma_start3A_44 = tpu.memref_slice %arg11[%dma_start3A_42, %dma_start3A_43] : memref<5000x32xf32, #tpu.memory_space<hbm>> -> memref<5000x32xf32, #tpu.memory_space<hbm>>
      tpu.enqueue_indirect_dma source(%dma_start3A_44 : memref<5000x32xf32, #tpu.memory_space<hbm>>) target(%arg24 : memref<128x32xf32, #tpu.memory_space<vmem>>) offsets(%dma_start3A_41 : memref<128xi32, #tpu.memory_space<vmem>>) semaphore(%arg26 : memref<!tpu.dma_semaphore, #tpu.memory_space<semaphore_mem>>)
      %dma_wait3A = tpu.memref_slice %arg13[%mul3A_13] : memref<512xi32, #tpu.memory_space<vmem>> -> memref<128xi32, #tpu.memory_space<vmem>>
      %dma_wait3A_45 = arith.constant 0 : i32
      %dma_wait3A_46 = arith.constant 0 : i32
      %dma_wait3A_47 = tpu.memref_slice %arg6[%dma_wait3A_45, %dma_wait3A_46] : memref<100000x32xf32, #tpu.memory_space<hbm>> -> memref<100000x32xf32, #tpu.memory_space<hbm>>
      tpu.wait_indirect_dma semaphore(%arg26 : memref<!tpu.dma_semaphore, #tpu.memory_space<semaphore_mem>>) src(%dma_wait3A_47 : memref<100000x32xf32, #tpu.memory_space<hbm>>) dst(%arg17 : memref<128x32xf32, #tpu.memory_space<vmem>>)
      %dma_wait3A_48 = tpu.memref_slice %arg13[%mul3A_13] : memref<512xi32, #tpu.memory_space<vmem>> -> memref<128xi32, #tpu.memory_space<vmem>>
      %dma_wait3A_49 = arith.constant 0 : i32
      %dma_wait3A_50 = arith.constant 0 : i32
      %dma_wait3A_51 = tpu.memref_slice %arg7[%dma_wait3A_49, %dma_wait3A_50] : memref<100000x32xf32, #tpu.memory_space<hbm>> -> memref<100000x32xf32, #tpu.memory_space<hbm>>
      tpu.wait_indirect_dma semaphore(%arg26 : memref<!tpu.dma_semaphore, #tpu.memory_space<semaphore_mem>>) src(%dma_wait3A_51 : memref<100000x32xf32, #tpu.memory_space<hbm>>) dst(%arg18 : memref<128x32xf32, #tpu.memory_space<vmem>>)
      %dma_wait3A_52 = tpu.memref_slice %arg14[%mul3A_13] : memref<512xi32, #tpu.memory_space<vmem>> -> memref<128xi32, #tpu.memory_space<vmem>>
      %dma_wait3A_53 = arith.constant 0 : i32
      %dma_wait3A_54 = arith.constant 0 : i32
      %dma_wait3A_55 = tpu.memref_slice %arg6[%dma_wait3A_53, %dma_wait3A_54] : memref<100000x32xf32, #tpu.memory_space<hbm>> -> memref<100000x32xf32, #tpu.memory_space<hbm>>
      tpu.wait_indirect_dma semaphore(%arg26 : memref<!tpu.dma_semaphore, #tpu.memory_space<semaphore_mem>>) src(%dma_wait3A_55 : memref<100000x32xf32, #tpu.memory_space<hbm>>) dst(%arg19 : memref<128x32xf32, #tpu.memory_space<vmem>>)
      %dma_wait3A_56 = tpu.memref_slice %arg14[%mul3A_13] : memref<512xi32, #tpu.memory_space<vmem>> -> memref<128xi32, #tpu.memory_space<vmem>>
      %dma_wait3A_57 = arith.constant 0 : i32
      %dma_wait3A_58 = arith.constant 0 : i32
      %dma_wait3A_59 = tpu.memref_slice %arg7[%dma_wait3A_57, %dma_wait3A_58] : memref<100000x32xf32, #tpu.memory_space<hbm>> -> memref<100000x32xf32, #tpu.memory_space<hbm>>
      tpu.wait_indirect_dma semaphore(%arg26 : memref<!tpu.dma_semaphore, #tpu.memory_space<semaphore_mem>>) src(%dma_wait3A_59 : memref<100000x32xf32, #tpu.memory_space<hbm>>) dst(%arg20 : memref<128x32xf32, #tpu.memory_space<vmem>>)
      %dma_wait3A_60 = tpu.memref_slice %arg15[%mul3A_13] : memref<512xi32, #tpu.memory_space<vmem>> -> memref<128xi32, #tpu.memory_space<vmem>>
      %dma_wait3A_61 = arith.constant 0 : i32
      %dma_wait3A_62 = arith.constant 0 : i32
      %dma_wait3A_63 = tpu.memref_slice %arg8[%dma_wait3A_61, %dma_wait3A_62] : memref<4000x32xf32, #tpu.memory_space<hbm>> -> memref<4000x32xf32, #tpu.memory_space<hbm>>
      tpu.wait_indirect_dma semaphore(%arg26 : memref<!tpu.dma_semaphore, #tpu.memory_space<semaphore_mem>>) src(%dma_wait3A_63 : memref<4000x32xf32, #tpu.memory_space<hbm>>) dst(%arg21 : memref<128x32xf32, #tpu.memory_space<vmem>>)
      %dma_wait3A_64 = tpu.memref_slice %arg15[%mul3A_13] : memref<512xi32, #tpu.memory_space<vmem>> -> memref<128xi32, #tpu.memory_space<vmem>>
      %dma_wait3A_65 = arith.constant 0 : i32
      %dma_wait3A_66 = arith.constant 0 : i32
      %dma_wait3A_67 = tpu.memref_slice %arg9[%dma_wait3A_65, %dma_wait3A_66] : memref<4000x32xf32, #tpu.memory_space<hbm>> -> memref<4000x32xf32, #tpu.memory_space<hbm>>
      tpu.wait_indirect_dma semaphore(%arg26 : memref<!tpu.dma_semaphore, #tpu.memory_space<semaphore_mem>>) src(%dma_wait3A_67 : memref<4000x32xf32, #tpu.memory_space<hbm>>) dst(%arg22 : memref<128x32xf32, #tpu.memory_space<vmem>>)
      %dma_wait3A_68 = tpu.memref_slice %arg16[%mul3A_13] : memref<512xi32, #tpu.memory_space<vmem>> -> memref<128xi32, #tpu.memory_space<vmem>>
      %dma_wait3A_69 = arith.constant 0 : i32
      %dma_wait3A_70 = arith.constant 0 : i32
      %dma_wait3A_71 = tpu.memref_slice %arg10[%dma_wait3A_69, %dma_wait3A_70] : memref<5000x32xf32, #tpu.memory_space<hbm>> -> memref<5000x32xf32, #tpu.memory_space<hbm>>
      tpu.wait_indirect_dma semaphore(%arg26 : memref<!tpu.dma_semaphore, #tpu.memory_space<semaphore_mem>>) src(%dma_wait3A_71 : memref<5000x32xf32, #tpu.memory_space<hbm>>) dst(%arg23 : memref<128x32xf32, #tpu.memory_space<vmem>>)
      %dma_wait3A_72 = tpu.memref_slice %arg16[%mul3A_13] : memref<512xi32, #tpu.memory_space<vmem>> -> memref<128xi32, #tpu.memory_space<vmem>>
      %dma_wait3A_73 = arith.constant 0 : i32
      %dma_wait3A_74 = arith.constant 0 : i32
      %dma_wait3A_75 = tpu.memref_slice %arg11[%dma_wait3A_73, %dma_wait3A_74] : memref<5000x32xf32, #tpu.memory_space<hbm>> -> memref<5000x32xf32, #tpu.memory_space<hbm>>
      tpu.wait_indirect_dma semaphore(%arg26 : memref<!tpu.dma_semaphore, #tpu.memory_space<semaphore_mem>>) src(%dma_wait3A_75 : memref<5000x32xf32, #tpu.memory_space<hbm>>) dst(%arg24 : memref<128x32xf32, #tpu.memory_space<vmem>>)
      %scan3A_76 = arith.constant 0 : i32
      %scan3A_77 = arith.constant 8 : i32
      %scan3A_78 = arith.addi %scan3A_76, %scan3A_77 : i32
      %scan3A_79 = arith.constant 1 : i32
      scf.for %scan3A_81 = %scan3A_76 to %scan3A_78 step %scan3A_79  : i32 {
        %mul3A_82 = arith.constant 1 : i32
        %mul3A_83 = arith.muli %scan3A_81, %mul3A_82 : i32
        %add3A_84 = arith.constant 0 : i32
        %add3A_85 = arith.addi %add3A_84, %mul3A_83 : i32
        %broadcast_in_dim3A = arith.constant 0.000000e+00 : f32
        %broadcast_in_dim3A_86 = vector.broadcast %broadcast_in_dim3A : f32 to vector<16xf32>
        %mul3A_87 = arith.constant 16 : i32
        %mul3A_88 = arith.muli %add3A_85, %mul3A_87 : i32
        %add3A_89 = arith.constant 0 : i32
        %add3A_90 = arith.addi %mul3A_88, %add3A_89 : i32
        %broadcast_in_dim3A_91 = arith.constant 0.000000e+00 : f32
        %broadcast_in_dim3A_92 = vector.broadcast %broadcast_in_dim3A_91 : f32 to vector<16xf32>
        %get3A = arith.index_cast %add3A_90 : i32 to index
        %get3A_93 = arith.constant 0 : index
        %get3A_94 = tpu.vector_load %arg17[%get3A, %get3A_93] {strides = array<i32>} : memref<128x32xf32, #tpu.memory_space<vmem>>, vector<16xf32>,
        %get3A_95 = arith.index_cast %add3A_90 : i32 to index
        %get3A_96 = arith.constant 0 : index
        %get3A_97 = tpu.vector_load %arg18[%get3A_95, %get3A_96] {strides = array<i32>} : memref<128x32xf32, #tpu.memory_space<vmem>>, vector<16xf32>,
        %get3A_98 = arith.index_cast %add3A_90 : i32 to index
        %get3A_99 = arith.constant 0 : index
        %get3A_100 = tpu.vector_load %arg19[%get3A_98, %get3A_99] {strides = array<i32>} : memref<128x32xf32, #tpu.memory_space<vmem>>, vector<16xf32>,
        %get3A_101 = arith.index_cast %add3A_90 : i32 to index
        %get3A_102 = arith.constant 0 : index
        %get3A_103 = tpu.vector_load %arg20[%get3A_101, %get3A_102] {strides = array<i32>} : memref<128x32xf32, #tpu.memory_space<vmem>>, vector<16xf32>,
        %get3A_104 = arith.index_cast %add3A_90 : i32 to index
        %get3A_105 = arith.constant 0 : index
        %get3A_106 = tpu.vector_load %arg23[%get3A_104, %get3A_105] {strides = array<i32>} : memref<128x32xf32, #tpu.memory_space<vmem>>, vector<16xf32>,
        %get3A_107 = arith.index_cast %add3A_90 : i32 to index
        %get3A_108 = arith.constant 0 : index
        %get3A_109 = tpu.vector_load %arg24[%get3A_107, %get3A_108] {strides = array<i32>} : memref<128x32xf32, #tpu.memory_space<vmem>>, vector<16xf32>,
        %sub3A = arith.subf %get3A_94, %get3A_100 : vector<16xf32>
        %mul3A_110 = arith.mulf %sub3A, %get3A_106 : vector<16xf32>
        %sub3A_111 = arith.subf %get3A_97, %get3A_103 : vector<16xf32>
        %mul3A_112 = arith.mulf %sub3A_111, %get3A_109 : vector<16xf32>
        %sub3A_113 = arith.subf %mul3A_110, %mul3A_112 : vector<16xf32>
        %get3A_114 = arith.index_cast %add3A_90 : i32 to index
        %get3A_115 = arith.constant 0 : index
        %get3A_116 = tpu.vector_load %arg21[%get3A_114, %get3A_115] {strides = array<i32>} : memref<128x32xf32, #tpu.memory_space<vmem>>, vector<16xf32>,
        %add3A_117 = arith.addf %sub3A_113, %get3A_116 : vector<16xf32>
        %add3A_118 = arith.addf %get3A_94, %get3A_100 : vector<16xf32>
        %mul3A_119 = arith.mulf %add3A_118, %get3A_109 : vector<16xf32>
        %add3A_120 = arith.addf %get3A_97, %get3A_103 : vector<16xf32>
        %mul3A_121 = arith.mulf %add3A_120, %get3A_106 : vector<16xf32>
        %add3A_122 = arith.addf %mul3A_119, %mul3A_121 : vector<16xf32>
        %get3A_123 = arith.index_cast %add3A_90 : i32 to index
        %get3A_124 = arith.constant 0 : index
        %get3A_125 = tpu.vector_load %arg22[%get3A_123, %get3A_124] {strides = array<i32>} : memref<128x32xf32, #tpu.memory_space<vmem>>, vector<16xf32>,
        %add3A_126 = arith.addf %add3A_122, %get3A_125 : vector<16xf32>
        %abs3A = math.absf %add3A_117 : vector<16xf32>
        %add3A_127 = arith.addf %broadcast_in_dim3A_92, %abs3A : vector<16xf32>
        %abs3A_128 = math.absf %add3A_126 : vector<16xf32>
        %add3A_129 = arith.addf %add3A_127, %abs3A_128 : vector<16xf32>
        %get3A_130 = arith.index_cast %add3A_90 : i32 to index
        %get3A_131 = arith.constant 16 : index
        %get3A_132 = tpu.vector_load %arg17[%get3A_130, %get3A_131] {strides = array<i32>} : memref<128x32xf32, #tpu.memory_space<vmem>>, vector<16xf32>,
        %get3A_133 = arith.index_cast %add3A_90 : i32 to index
        %get3A_134 = arith.constant 16 : index
        %get3A_135 = tpu.vector_load %arg18[%get3A_133, %get3A_134] {strides = array<i32>} : memref<128x32xf32, #tpu.memory_space<vmem>>, vector<16xf32>,
        %get3A_136 = arith.index_cast %add3A_90 : i32 to index
        %get3A_137 = arith.constant 16 : index
        %get3A_138 = tpu.vector_load %arg19[%get3A_136, %get3A_137] {strides = array<i32>} : memref<128x32xf32, #tpu.memory_space<vmem>>, vector<16xf32>,
        %get3A_139 = arith.index_cast %add3A_90 : i32 to index
        %get3A_140 = arith.constant 16 : index
        %get3A_141 = tpu.vector_load %arg20[%get3A_139, %get3A_140] {strides = array<i32>} : memref<128x32xf32, #tpu.memory_space<vmem>>, vector<16xf32>,
        %get3A_142 = arith.index_cast %add3A_90 : i32 to index
        %get3A_143 = arith.constant 16 : index
        %get3A_144 = tpu.vector_load %arg23[%get3A_142, %get3A_143] {strides = array<i32>} : memref<128x32xf32, #tpu.memory_space<vmem>>, vector<16xf32>,
        %get3A_145 = arith.index_cast %add3A_90 : i32 to index
        %get3A_146 = arith.constant 16 : index
        %get3A_147 = tpu.vector_load %arg24[%get3A_145, %get3A_146] {strides = array<i32>} : memref<128x32xf32, #tpu.memory_space<vmem>>, vector<16xf32>,
        %sub3A_148 = arith.subf %get3A_132, %get3A_138 : vector<16xf32>
        %mul3A_149 = arith.mulf %sub3A_148, %get3A_144 : vector<16xf32>
        %sub3A_150 = arith.subf %get3A_135, %get3A_141 : vector<16xf32>
        %mul3A_151 = arith.mulf %sub3A_150, %get3A_147 : vector<16xf32>
        %sub3A_152 = arith.subf %mul3A_149, %mul3A_151 : vector<16xf32>
        %get3A_153 = arith.index_cast %add3A_90 : i32 to index
        %get3A_154 = arith.constant 16 : index
        %get3A_155 = tpu.vector_load %arg21[%get3A_153, %get3A_154] {strides = array<i32>} : memref<128x32xf32, #tpu.memory_space<vmem>>, vector<16xf32>,
        %add3A_156 = arith.addf %sub3A_152, %get3A_155 : vector<16xf32>
        %add3A_157 = arith.addf %get3A_132, %get3A_138 : vector<16xf32>
        %mul3A_158 = arith.mulf %add3A_157, %get3A_147 : vector<16xf32>
        %add3A_159 = arith.addf %get3A_135, %get3A_141 : vector<16xf32>
        %mul3A_160 = arith.mulf %add3A_159, %get3A_144 : vector<16xf32>
        %add3A_161 = arith.addf %mul3A_158, %mul3A_160 : vector<16xf32>
        %get3A_162 = arith.index_cast %add3A_90 : i32 to index
        %get3A_163 = arith.constant 16 : index
        %get3A_164 = tpu.vector_load %arg22[%get3A_162, %get3A_163] {strides = array<i32>} : memref<128x32xf32, #tpu.memory_space<vmem>>, vector<16xf32>,
        %add3A_165 = arith.addf %add3A_161, %get3A_164 : vector<16xf32>
        %abs3A_166 = math.absf %add3A_156 : vector<16xf32>
        %add3A_167 = arith.addf %add3A_129, %abs3A_166 : vector<16xf32>
        %abs3A_168 = math.absf %add3A_165 : vector<16xf32>
        %add3A_169 = arith.addf %add3A_167, %abs3A_168 : vector<16xf32>
        %reduce_sum3A = arith.constant true
        %reduce_sum3A_170 = vector.broadcast %reduce_sum3A : i1 to vector<16xi1>
        %reduce_sum3A_171 = tpu.scan <sum>, %add3A_169 masked %reduce_sum3A_170 : vector<16xf32>, vector<16xi1> -> vector<16xf32>
        %reduce_sum3A_172 = vector.extract %reduce_sum3A_171[15] : f32 from vector<16xf32>
        %eq3A = arith.constant 0 : i32
        %eq3A_173 = vector.broadcast %eq3A : i32 to vector<16xi32>
        %eq3A_174 = arith.cmpi eq, %iota3A, %eq3A_173 : vector<16xi32>
        %broadcast_in_dim3A_175 = vector.broadcast %reduce_sum3A_172 : f32 to vector<16xf32>
        %select_n3A = arith.select %eq3A_174, %broadcast_in_dim3A_175, %broadcast_in_dim3A_86 : vector<16xi1>, vector<16xf32>
        %mul3A_176 = arith.constant 16 : i32
        %mul3A_177 = arith.muli %add3A_85, %mul3A_176 : i32
        %add3A_178 = arith.constant 1 : i32
        %add3A_179 = arith.addi %mul3A_177, %add3A_178 : i32
        %broadcast_in_dim3A_180 = arith.constant 0.000000e+00 : f32
        %broadcast_in_dim3A_181 = vector.broadcast %broadcast_in_dim3A_180 : f32 to vector<16xf32>
        %get3A_182 = arith.index_cast %add3A_179 : i32 to index
        %get3A_183 = arith.constant 0 : index
        %get3A_184 = tpu.vector_load %arg17[%get3A_182, %get3A_183] {strides = array<i32>} : memref<128x32xf32, #tpu.memory_space<vmem>>, vector<16xf32>,
        %get3A_185 = arith.index_cast %add3A_179 : i32 to index
        %get3A_186 = arith.constant 0 : index
        %get3A_187 = tpu.vector_load %arg18[%get3A_185, %get3A_186] {strides = array<i32>} : memref<128x32xf32, #tpu.memory_space<vmem>>, vector<16xf32>,
        %get3A_188 = arith.index_cast %add3A_179 : i32 to index
        %get3A_189 = arith.constant 0 : index
        %get3A_190 = tpu.vector_load %arg19[%get3A_188, %get3A_189] {strides = array<i32>} : memref<128x32xf32, #tpu.memory_space<vmem>>, vector<16xf32>,
        %get3A_191 = arith.index_cast %add3A_179 : i32 to index
        %get3A_192 = arith.constant 0 : index
        %get3A_193 = tpu.vector_load %arg20[%get3A_191, %get3A_192] {strides = array<i32>} : memref<128x32xf32, #tpu.memory_space<vmem>>, vector<16xf32>,
        %get3A_194 = arith.index_cast %add3A_179 : i32 to index
        %get3A_195 = arith.constant 0 : index
        %get3A_196 = tpu.vector_load %arg23[%get3A_194, %get3A_195] {strides = array<i32>} : memref<128x32xf32, #tpu.memory_space<vmem>>, vector<16xf32>,
        %get3A_197 = arith.index_cast %add3A_179 : i32 to index
        %get3A_198 = arith.constant 0 : index
        %get3A_199 = tpu.vector_load %arg24[%get3A_197, %get3A_198] {strides = array<i32>} : memref<128x32xf32, #tpu.memory_space<vmem>>, vector<16xf32>,
        %sub3A_200 = arith.subf %get3A_184, %get3A_190 : vector<16xf32>
        %mul3A_201 = arith.mulf %sub3A_200, %get3A_196 : vector<16xf32>
        %sub3A_202 = arith.subf %get3A_187, %get3A_193 : vector<16xf32>
        %mul3A_203 = arith.mulf %sub3A_202, %get3A_199 : vector<16xf32>
        %sub3A_204 = arith.subf %mul3A_201, %mul3A_203 : vector<16xf32>
        %get3A_205 = arith.index_cast %add3A_179 : i32 to index
        %get3A_206 = arith.constant 0 : index
        %get3A_207 = tpu.vector_load %arg21[%get3A_205, %get3A_206] {strides = array<i32>} : memref<128x32xf32, #tpu.memory_space<vmem>>, vector<16xf32>,
        %add3A_208 = arith.addf %sub3A_204, %get3A_207 : vector<16xf32>
        %add3A_209 = arith.addf %get3A_184, %get3A_190 : vector<16xf32>
        %mul3A_210 = arith.mulf %add3A_209, %get3A_199 : vector<16xf32>
        %add3A_211 = arith.addf %get3A_187, %get3A_193 : vector<16xf32>
        %mul3A_212 = arith.mulf %add3A_211, %get3A_196 : vector<16xf32>
        %add3A_213 = arith.addf %mul3A_210, %mul3A_212 : vector<16xf32>
        %get3A_214 = arith.index_cast %add3A_179 : i32 to index
        %get3A_215 = arith.constant 0 : index
        %get3A_216 = tpu.vector_load %arg22[%get3A_214, %get3A_215] {strides = array<i32>} : memref<128x32xf32, #tpu.memory_space<vmem>>, vector<16xf32>,
        %add3A_217 = arith.addf %add3A_213, %get3A_216 : vector<16xf32>
        %abs3A_218 = math.absf %add3A_208 : vector<16xf32>
        %add3A_219 = arith.addf %broadcast_in_dim3A_181, %abs3A_218 : vector<16xf32>
        %abs3A_220 = math.absf %add3A_217 : vector<16xf32>
        %add3A_221 = arith.addf %add3A_219, %abs3A_220 : vector<16xf32>
        %get3A_222 = arith.index_cast %add3A_179 : i32 to index
        %get3A_223 = arith.constant 16 : index
        %get3A_224 = tpu.vector_load %arg17[%get3A_222, %get3A_223] {strides = array<i32>} : memref<128x32xf32, #tpu.memory_space<vmem>>, vector<16xf32>,
        %get3A_225 = arith.index_cast %add3A_179 : i32 to index
        %get3A_226 = arith.constant 16 : index
        %get3A_227 = tpu.vector_load %arg18[%get3A_225, %get3A_226] {strides = array<i32>} : memref<128x32xf32, #tpu.memory_space<vmem>>, vector<16xf32>,
        %get3A_228 = arith.index_cast %add3A_179 : i32 to index
        %get3A_229 = arith.constant 16 : index
        %get3A_230 = tpu.vector_load %arg19[%get3A_228, %get3A_229] {strides = array<i32>} : memref<128x32xf32, #tpu.memory_space<vmem>>, vector<16xf32>,
        %get3A_231 = arith.index_cast %add3A_179 : i32 to index
        %get3A_232 = arith.constant 16 : index
        %get3A_233 = tpu.vector_load %arg20[%get3A_231, %get3A_232] {strides = array<i32>} : memref<128x32xf32, #tpu.memory_space<vmem>>, vector<16xf32>,
        %get3A_234 = arith.index_cast %add3A_179 : i32 to index
        %get3A_235 = arith.constant 16 : index
        %get3A_236 = tpu.vector_load %arg23[%get3A_234, %get3A_235] {strides = array<i32>} : memref<128x32xf32, #tpu.memory_space<vmem>>, vector<16xf32>,
        %get3A_237 = arith.index_cast %add3A_179 : i32 to index
        %get3A_238 = arith.constant 16 : index
        %get3A_239 = tpu.vector_load %arg24[%get3A_237, %get3A_238] {strides = array<i32>} : memref<128x32xf32, #tpu.memory_space<vmem>>, vector<16xf32>,
        %sub3A_240 = arith.subf %get3A_224, %get3A_230 : vector<16xf32>
        %mul3A_241 = arith.mulf %sub3A_240, %get3A_236 : vector<16xf32>
        %sub3A_242 = arith.subf %get3A_227, %get3A_233 : vector<16xf32>
        %mul3A_243 = arith.mulf %sub3A_242, %get3A_239 : vector<16xf32>
        %sub3A_244 = arith.subf %mul3A_241, %mul3A_243 : vector<16xf32>
        %get3A_245 = arith.index_cast %add3A_179 : i32 to index
        %get3A_246 = arith.constant 16 : index
        %get3A_247 = tpu.vector_load %arg21[%get3A_245, %get3A_246] {strides = array<i32>} : memref<128x32xf32, #tpu.memory_space<vmem>>, vector<16xf32>,
        %add3A_248 = arith.addf %sub3A_244, %get3A_247 : vector<16xf32>
        %add3A_249 = arith.addf %get3A_224, %get3A_230 : vector<16xf32>
        %mul3A_250 = arith.mulf %add3A_249, %get3A_239 : vector<16xf32>
        %add3A_251 = arith.addf %get3A_227, %get3A_233 : vector<16xf32>
        %mul3A_252 = arith.mulf %add3A_251, %get3A_236 : vector<16xf32>
        %add3A_253 = arith.addf %mul3A_250, %mul3A_252 : vector<16xf32>
        %get3A_254 = arith.index_cast %add3A_179 : i32 to index
        %get3A_255 = arith.constant 16 : index
        %get3A_256 = tpu.vector_load %arg22[%get3A_254, %get3A_255] {strides = array<i32>} : memref<128x32xf32, #tpu.memory_space<vmem>>, vector<16xf32>,
        %add3A_257 = arith.addf %add3A_253, %get3A_256 : vector<16xf32>
        %abs3A_258 = math.absf %add3A_248 : vector<16xf32>
        %add3A_259 = arith.addf %add3A_221, %abs3A_258 : vector<16xf32>
        %abs3A_260 = math.absf %add3A_257 : vector<16xf32>
        %add3A_261 = arith.addf %add3A_259, %abs3A_260 : vector<16xf32>
        %reduce_sum3A_262 = arith.constant true
        %reduce_sum3A_263 = vector.broadcast %reduce_sum3A_262 : i1 to vector<16xi1>
        %reduce_sum3A_264 = tpu.scan <sum>, %add3A_261 masked %reduce_sum3A_263 : vector<16xf32>, vector<16xi1> -> vector<16xf32>
        %reduce_sum3A_265 = vector.extract %reduce_sum3A_264[15] : f32 from vector<16xf32>
        %eq3A_266 = arith.constant 1 : i32
        %eq3A_267 = vector.broadcast %eq3A_266 : i32 to vector<16xi32>
        %eq3A_268 = arith.cmpi eq, %iota3A, %eq3A_267 : vector<16xi32>
        %broadcast_in_dim3A_269 = vector.broadcast %reduce_sum3A_265 : f32 to vector<16xf32>
        %select_n3A_270 = arith.select %eq3A_268, %broadcast_in_dim3A_269, %select_n3A : vector<16xi1>, vector<16xf32>
        %mul3A_271 = arith.constant 16 : i32
        %mul3A_272 = arith.muli %add3A_85, %mul3A_271 : i32
        %add3A_273 = arith.constant 2 : i32
        %add3A_274 = arith.addi %mul3A_272, %add3A_273 : i32
        %broadcast_in_dim3A_275 = arith.constant 0.000000e+00 : f32
        %broadcast_in_dim3A_276 = vector.broadcast %broadcast_in_dim3A_275 : f32 to vector<16xf32>
        %get3A_277 = arith.index_cast %add3A_274 : i32 to index
        %get3A_278 = arith.constant 0 : index
        %get3A_279 = tpu.vector_load %arg17[%get3A_277, %get3A_278] {strides = array<i32>} : memref<128x32xf32, #tpu.memory_space<vmem>>, vector<16xf32>,
        %get3A_280 = arith.index_cast %add3A_274 : i32 to index
        %get3A_281 = arith.constant 0 : index
        %get3A_282 = tpu.vector_load %arg18[%get3A_280, %get3A_281] {strides = array<i32>} : memref<128x32xf32, #tpu.memory_space<vmem>>, vector<16xf32>,
        %get3A_283 = arith.index_cast %add3A_274 : i32 to index
        %get3A_284 = arith.constant 0 : index
        %get3A_285 = tpu.vector_load %arg19[%get3A_283, %get3A_284] {strides = array<i32>} : memref<128x32xf32, #tpu.memory_space<vmem>>, vector<16xf32>,
        %get3A_286 = arith.index_cast %add3A_274 : i32 to index
        %get3A_287 = arith.constant 0 : index
        %get3A_288 = tpu.vector_load %arg20[%get3A_286, %get3A_287] {strides = array<i32>} : memref<128x32xf32, #tpu.memory_space<vmem>>, vector<16xf32>,
        %get3A_289 = arith.index_cast %add3A_274 : i32 to index
        %get3A_290 = arith.constant 0 : index
        %get3A_291 = tpu.vector_load %arg23[%get3A_289, %get3A_290] {strides = array<i32>} : memref<128x32xf32, #tpu.memory_space<vmem>>, vector<16xf32>,
        %get3A_292 = arith.index_cast %add3A_274 : i32 to index
        %get3A_293 = arith.constant 0 : index
        %get3A_294 = tpu.vector_load %arg24[%get3A_292, %get3A_293] {strides = array<i32>} : memref<128x32xf32, #tpu.memory_space<vmem>>, vector<16xf32>,
        %sub3A_295 = arith.subf %get3A_279, %get3A_285 : vector<16xf32>
        %mul3A_296 = arith.mulf %sub3A_295, %get3A_291 : vector<16xf32>
        %sub3A_297 = arith.subf %get3A_282, %get3A_288 : vector<16xf32>
        %mul3A_298 = arith.mulf %sub3A_297, %get3A_294 : vector<16xf32>
        %sub3A_299 = arith.subf %mul3A_296, %mul3A_298 : vector<16xf32>
        %get3A_300 = arith.index_cast %add3A_274 : i32 to index
        %get3A_301 = arith.constant 0 : index
        %get3A_302 = tpu.vector_load %arg21[%get3A_300, %get3A_301] {strides = array<i32>} : memref<128x32xf32, #tpu.memory_space<vmem>>, vector<16xf32>,
        %add3A_303 = arith.addf %sub3A_299, %get3A_302 : vector<16xf32>
        %add3A_304 = arith.addf %get3A_279, %get3A_285 : vector<16xf32>
        %mul3A_305 = arith.mulf %add3A_304, %get3A_294 : vector<16xf32>
        %add3A_306 = arith.addf %get3A_282, %get3A_288 : vector<16xf32>
        %mul3A_307 = arith.mulf %add3A_306, %get3A_291 : vector<16xf32>
        %add3A_308 = arith.addf %mul3A_305, %mul3A_307 : vector<16xf32>
        %get3A_309 = arith.index_cast %add3A_274 : i32 to index
        %get3A_310 = arith.constant 0 : index
        %get3A_311 = tpu.vector_load %arg22[%get3A_309, %get3A_310] {strides = array<i32>} : memref<128x32xf32, #tpu.memory_space<vmem>>, vector<16xf32>,
        %add3A_312 = arith.addf %add3A_308, %get3A_311 : vector<16xf32>
        %abs3A_313 = math.absf %add3A_303 : vector<16xf32>
        %add3A_314 = arith.addf %broadcast_in_dim3A_276, %abs3A_313 : vector<16xf32>
        %abs3A_315 = math.absf %add3A_312 : vector<16xf32>
        %add3A_316 = arith.addf %add3A_314, %abs3A_315 : vector<16xf32>
        %get3A_317 = arith.index_cast %add3A_274 : i32 to index
        %get3A_318 = arith.constant 16 : index
        %get3A_319 = tpu.vector_load %arg17[%get3A_317, %get3A_318] {strides = array<i32>} : memref<128x32xf32, #tpu.memory_space<vmem>>, vector<16xf32>,
        %get3A_320 = arith.index_cast %add3A_274 : i32 to index
        %get3A_321 = arith.constant 16 : index
        %get3A_322 = tpu.vector_load %arg18[%get3A_320, %get3A_321] {strides = array<i32>} : memref<128x32xf32, #tpu.memory_space<vmem>>, vector<16xf32>,
        %get3A_323 = arith.index_cast %add3A_274 : i32 to index
        %get3A_324 = arith.constant 16 : index
        %get3A_325 = tpu.vector_load %arg19[%get3A_323, %get3A_324] {strides = array<i32>} : memref<128x32xf32, #tpu.memory_space<vmem>>, vector<16xf32>,
        %get3A_326 = arith.index_cast %add3A_274 : i32 to index
        %get3A_327 = arith.constant 16 : index
        %get3A_328 = tpu.vector_load %arg20[%get3A_326, %get3A_327] {strides = array<i32>} : memref<128x32xf32, #tpu.memory_space<vmem>>, vector<16xf32>,
        %get3A_329 = arith.index_cast %add3A_274 : i32 to index
        %get3A_330 = arith.constant 16 : index
        %get3A_331 = tpu.vector_load %arg23[%get3A_329, %get3A_330] {strides = array<i32>} : memref<128x32xf32, #tpu.memory_space<vmem>>, vector<16xf32>,
        %get3A_332 = arith.index_cast %add3A_274 : i32 to index
        %get3A_333 = arith.constant 16 : index
        %get3A_334 = tpu.vector_load %arg24[%get3A_332, %get3A_333] {strides = array<i32>} : memref<128x32xf32, #tpu.memory_space<vmem>>, vector<16xf32>,
        %sub3A_335 = arith.subf %get3A_319, %get3A_325 : vector<16xf32>
        %mul3A_336 = arith.mulf %sub3A_335, %get3A_331 : vector<16xf32>
        %sub3A_337 = arith.subf %get3A_322, %get3A_328 : vector<16xf32>
        %mul3A_338 = arith.mulf %sub3A_337, %get3A_334 : vector<16xf32>
        %sub3A_339 = arith.subf %mul3A_336, %mul3A_338 : vector<16xf32>
        %get3A_340 = arith.index_cast %add3A_274 : i32 to index
        %get3A_341 = arith.constant 16 : index
        %get3A_342 = tpu.vector_load %arg21[%get3A_340, %get3A_341] {strides = array<i32>} : memref<128x32xf32, #tpu.memory_space<vmem>>, vector<16xf32>,
        %add3A_343 = arith.addf %sub3A_339, %get3A_342 : vector<16xf32>
        %add3A_344 = arith.addf %get3A_319, %get3A_325 : vector<16xf32>
        %mul3A_345 = arith.mulf %add3A_344, %get3A_334 : vector<16xf32>
        %add3A_346 = arith.addf %get3A_322, %get3A_328 : vector<16xf32>
        %mul3A_347 = arith.mulf %add3A_346, %get3A_331 : vector<16xf32>
        %add3A_348 = arith.addf %mul3A_345, %mul3A_347 : vector<16xf32>
        %get3A_349 = arith.index_cast %add3A_274 : i32 to index
        %get3A_350 = arith.constant 16 : index
        %get3A_351 = tpu.vector_load %arg22[%get3A_349, %get3A_350] {strides = array<i32>} : memref<128x32xf32, #tpu.memory_space<vmem>>, vector<16xf32>,
        %add3A_352 = arith.addf %add3A_348, %get3A_351 : vector<16xf32>
        %abs3A_353 = math.absf %add3A_343 : vector<16xf32>
        %add3A_354 = arith.addf %add3A_316, %abs3A_353 : vector<16xf32>
        %abs3A_355 = math.absf %add3A_352 : vector<16xf32>
        %add3A_356 = arith.addf %add3A_354, %abs3A_355 : vector<16xf32>
        %reduce_sum3A_357 = arith.constant true
        %reduce_sum3A_358 = vector.broadcast %reduce_sum3A_357 : i1 to vector<16xi1>
        %reduce_sum3A_359 = tpu.scan <sum>, %add3A_356 masked %reduce_sum3A_358 : vector<16xf32>, vector<16xi1> -> vector<16xf32>
        %reduce_sum3A_360 = vector.extract %reduce_sum3A_359[15] : f32 from vector<16xf32>
        %eq3A_361 = arith.constant 2 : i32
        %eq3A_362 = vector.broadcast %eq3A_361 : i32 to vector<16xi32>
        %eq3A_363 = arith.cmpi eq, %iota3A, %eq3A_362 : vector<16xi32>
        %broadcast_in_dim3A_364 = vector.broadcast %reduce_sum3A_360 : f32 to vector<16xf32>
        %select_n3A_365 = arith.select %eq3A_363, %broadcast_in_dim3A_364, %select_n3A_270 : vector<16xi1>, vector<16xf32>
        %mul3A_366 = arith.constant 16 : i32
        %mul3A_367 = arith.muli %add3A_85, %mul3A_366 : i32
        %add3A_368 = arith.constant 3 : i32
        %add3A_369 = arith.addi %mul3A_367, %add3A_368 : i32
        %broadcast_in_dim3A_370 = arith.constant 0.000000e+00 : f32
        %broadcast_in_dim3A_371 = vector.broadcast %broadcast_in_dim3A_370 : f32 to vector<16xf32>
        %get3A_372 = arith.index_cast %add3A_369 : i32 to index
        %get3A_373 = arith.constant 0 : index
        %get3A_374 = tpu.vector_load %arg17[%get3A_372, %get3A_373] {strides = array<i32>} : memref<128x32xf32, #tpu.memory_space<vmem>>, vector<16xf32>,
        %get3A_375 = arith.index_cast %add3A_369 : i32 to index
        %get3A_376 = arith.constant 0 : index
        %get3A_377 = tpu.vector_load %arg18[%get3A_375, %get3A_376] {strides = array<i32>} : memref<128x32xf32, #tpu.memory_space<vmem>>, vector<16xf32>,
        %get3A_378 = arith.index_cast %add3A_369 : i32 to index
        %get3A_379 = arith.constant 0 : index
        %get3A_380 = tpu.vector_load %arg19[%get3A_378, %get3A_379] {strides = array<i32>} : memref<128x32xf32, #tpu.memory_space<vmem>>, vector<16xf32>,
        %get3A_381 = arith.index_cast %add3A_369 : i32 to index
        %get3A_382 = arith.constant 0 : index
        %get3A_383 = tpu.vector_load %arg20[%get3A_381, %get3A_382] {strides = array<i32>} : memref<128x32xf32, #tpu.memory_space<vmem>>, vector<16xf32>,
        %get3A_384 = arith.index_cast %add3A_369 : i32 to index
        %get3A_385 = arith.constant 0 : index
        %get3A_386 = tpu.vector_load %arg23[%get3A_384, %get3A_385] {strides = array<i32>} : memref<128x32xf32, #tpu.memory_space<vmem>>, vector<16xf32>,
        %get3A_387 = arith.index_cast %add3A_369 : i32 to index
        %get3A_388 = arith.constant 0 : index
        %get3A_389 = tpu.vector_load %arg24[%get3A_387, %get3A_388] {strides = array<i32>} : memref<128x32xf32, #tpu.memory_space<vmem>>, vector<16xf32>,
        %sub3A_390 = arith.subf %get3A_374, %get3A_380 : vector<16xf32>
        %mul3A_391 = arith.mulf %sub3A_390, %get3A_386 : vector<16xf32>
        %sub3A_392 = arith.subf %get3A_377, %get3A_383 : vector<16xf32>
        %mul3A_393 = arith.mulf %sub3A_392, %get3A_389 : vector<16xf32>
        %sub3A_394 = arith.subf %mul3A_391, %mul3A_393 : vector<16xf32>
        %get3A_395 = arith.index_cast %add3A_369 : i32 to index
        %get3A_396 = arith.constant 0 : index
        %get3A_397 = tpu.vector_load %arg21[%get3A_395, %get3A_396] {strides = array<i32>} : memref<128x32xf32, #tpu.memory_space<vmem>>, vector<16xf32>,
        %add3A_398 = arith.addf %sub3A_394, %get3A_397 : vector<16xf32>
        %add3A_399 = arith.addf %get3A_374, %get3A_380 : vector<16xf32>
        %mul3A_400 = arith.mulf %add3A_399, %get3A_389 : vector<16xf32>
        %add3A_401 = arith.addf %get3A_377, %get3A_383 : vector<16xf32>
        %mul3A_402 = arith.mulf %add3A_401, %get3A_386 : vector<16xf32>
        %add3A_403 = arith.addf %mul3A_400, %mul3A_402 : vector<16xf32>
        %get3A_404 = arith.index_cast %add3A_369 : i32 to index
        %get3A_405 = arith.constant 0 : index
        %get3A_406 = tpu.vector_load %arg22[%get3A_404, %get3A_405] {strides = array<i32>} : memref<128x32xf32, #tpu.memory_space<vmem>>, vector<16xf32>,
        %add3A_407 = arith.addf %add3A_403, %get3A_406 : vector<16xf32>
        %abs3A_408 = math.absf %add3A_398 : vector<16xf32>
        %add3A_409 = arith.addf %broadcast_in_dim3A_371, %abs3A_408 : vector<16xf32>
        %abs3A_410 = math.absf %add3A_407 : vector<16xf32>
        %add3A_411 = arith.addf %add3A_409, %abs3A_410 : vector<16xf32>
        %get3A_412 = arith.index_cast %add3A_369 : i32 to index
        %get3A_413 = arith.constant 16 : index
        %get3A_414 = tpu.vector_load %arg17[%get3A_412, %get3A_413] {strides = array<i32>} : memref<128x32xf32, #tpu.memory_space<vmem>>, vector<16xf32>,
        %get3A_415 = arith.index_cast %add3A_369 : i32 to index
        %get3A_416 = arith.constant 16 : index
        %get3A_417 = tpu.vector_load %arg18[%get3A_415, %get3A_416] {strides = array<i32>} : memref<128x32xf32, #tpu.memory_space<vmem>>, vector<16xf32>,
        %get3A_418 = arith.index_cast %add3A_369 : i32 to index
        %get3A_419 = arith.constant 16 : index
        %get3A_420 = tpu.vector_load %arg19[%get3A_418, %get3A_419] {strides = array<i32>} : memref<128x32xf32, #tpu.memory_space<vmem>>, vector<16xf32>,
        %get3A_421 = arith.index_cast %add3A_369 : i32 to index
        %get3A_422 = arith.constant 16 : index
        %get3A_423 = tpu.vector_load %arg20[%get3A_421, %get3A_422] {strides = array<i32>} : memref<128x32xf32, #tpu.memory_space<vmem>>, vector<16xf32>,
        %get3A_424 = arith.index_cast %add3A_369 : i32 to index
        %get3A_425 = arith.constant 16 : index
        %get3A_426 = tpu.vector_load %arg23[%get3A_424, %get3A_425] {strides = array<i32>} : memref<128x32xf32, #tpu.memory_space<vmem>>, vector<16xf32>,
        %get3A_427 = arith.index_cast %add3A_369 : i32 to index
        %get3A_428 = arith.constant 16 : index
        %get3A_429 = tpu.vector_load %arg24[%get3A_427, %get3A_428] {strides = array<i32>} : memref<128x32xf32, #tpu.memory_space<vmem>>, vector<16xf32>,
        %sub3A_430 = arith.subf %get3A_414, %get3A_420 : vector<16xf32>
        %mul3A_431 = arith.mulf %sub3A_430, %get3A_426 : vector<16xf32>
        %sub3A_432 = arith.subf %get3A_417, %get3A_423 : vector<16xf32>
        %mul3A_433 = arith.mulf %sub3A_432, %get3A_429 : vector<16xf32>
        %sub3A_434 = arith.subf %mul3A_431, %mul3A_433 : vector<16xf32>
        %get3A_435 = arith.index_cast %add3A_369 : i32 to index
        %get3A_436 = arith.constant 16 : index
        %get3A_437 = tpu.vector_load %arg21[%get3A_435, %get3A_436] {strides = array<i32>} : memref<128x32xf32, #tpu.memory_space<vmem>>, vector<16xf32>,
        %add3A_438 = arith.addf %sub3A_434, %get3A_437 : vector<16xf32>
        %add3A_439 = arith.addf %get3A_414, %get3A_420 : vector<16xf32>
        %mul3A_440 = arith.mulf %add3A_439, %get3A_429 : vector<16xf32>
        %add3A_441 = arith.addf %get3A_417, %get3A_423 : vector<16xf32>
        %mul3A_442 = arith.mulf %add3A_441, %get3A_426 : vector<16xf32>
        %add3A_443 = arith.addf %mul3A_440, %mul3A_442 : vector<16xf32>
        %get3A_444 = arith.index_cast %add3A_369 : i32 to index
        %get3A_445 = arith.constant 16 : index
        %get3A_446 = tpu.vector_load %arg22[%get3A_444, %get3A_445] {strides = array<i32>} : memref<128x32xf32, #tpu.memory_space<vmem>>, vector<16xf32>,
        %add3A_447 = arith.addf %add3A_443, %get3A_446 : vector<16xf32>
        %abs3A_448 = math.absf %add3A_438 : vector<16xf32>
        %add3A_449 = arith.addf %add3A_411, %abs3A_448 : vector<16xf32>
        %abs3A_450 = math.absf %add3A_447 : vector<16xf32>
        %add3A_451 = arith.addf %add3A_449, %abs3A_450 : vector<16xf32>
        %reduce_sum3A_452 = arith.constant true
        %reduce_sum3A_453 = vector.broadcast %reduce_sum3A_452 : i1 to vector<16xi1>
        %reduce_sum3A_454 = tpu.scan <sum>, %add3A_451 masked %reduce_sum3A_453 : vector<16xf32>, vector<16xi1> -> vector<16xf32>
        %reduce_sum3A_455 = vector.extract %reduce_sum3A_454[15] : f32 from vector<16xf32>
        %eq3A_456 = arith.constant 3 : i32
        %eq3A_457 = vector.broadcast %eq3A_456 : i32 to vector<16xi32>
        %eq3A_458 = arith.cmpi eq, %iota3A, %eq3A_457 : vector<16xi32>
        %broadcast_in_dim3A_459 = vector.broadcast %reduce_sum3A_455 : f32 to vector<16xf32>
        %select_n3A_460 = arith.select %eq3A_458, %broadcast_in_dim3A_459, %select_n3A_365 : vector<16xi1>, vector<16xf32>
        %mul3A_461 = arith.constant 16 : i32
        %mul3A_462 = arith.muli %add3A_85, %mul3A_461 : i32
        %add3A_463 = arith.constant 4 : i32
        %add3A_464 = arith.addi %mul3A_462, %add3A_463 : i32
        %broadcast_in_dim3A_465 = arith.constant 0.000000e+00 : f32
        %broadcast_in_dim3A_466 = vector.broadcast %broadcast_in_dim3A_465 : f32 to vector<16xf32>
        %get3A_467 = arith.index_cast %add3A_464 : i32 to index
        %get3A_468 = arith.constant 0 : index
        %get3A_469 = tpu.vector_load %arg17[%get3A_467, %get3A_468] {strides = array<i32>} : memref<128x32xf32, #tpu.memory_space<vmem>>, vector<16xf32>,
        %get3A_470 = arith.index_cast %add3A_464 : i32 to index
        %get3A_471 = arith.constant 0 : index
        %get3A_472 = tpu.vector_load %arg18[%get3A_470, %get3A_471] {strides = array<i32>} : memref<128x32xf32, #tpu.memory_space<vmem>>, vector<16xf32>,
        %get3A_473 = arith.index_cast %add3A_464 : i32 to index
        %get3A_474 = arith.constant 0 : index
        %get3A_475 = tpu.vector_load %arg19[%get3A_473, %get3A_474] {strides = array<i32>} : memref<128x32xf32, #tpu.memory_space<vmem>>, vector<16xf32>,
        %get3A_476 = arith.index_cast %add3A_464 : i32 to index
        %get3A_477 = arith.constant 0 : index
        %get3A_478 = tpu.vector_load %arg20[%get3A_476, %get3A_477] {strides = array<i32>} : memref<128x32xf32, #tpu.memory_space<vmem>>, vector<16xf32>,
        %get3A_479 = arith.index_cast %add3A_464 : i32 to index
        %get3A_480 = arith.constant 0 : index
        %get3A_481 = tpu.vector_load %arg23[%get3A_479, %get3A_480] {strides = array<i32>} : memref<128x32xf32, #tpu.memory_space<vmem>>, vector<16xf32>,
        %get3A_482 = arith.index_cast %add3A_464 : i32 to index
        %get3A_483 = arith.constant 0 : index
        %get3A_484 = tpu.vector_load %arg24[%get3A_482, %get3A_483] {strides = array<i32>} : memref<128x32xf32, #tpu.memory_space<vmem>>, vector<16xf32>,
        %sub3A_485 = arith.subf %get3A_469, %get3A_475 : vector<16xf32>
        %mul3A_486 = arith.mulf %sub3A_485, %get3A_481 : vector<16xf32>
        %sub3A_487 = arith.subf %get3A_472, %get3A_478 : vector<16xf32>
        %mul3A_488 = arith.mulf %sub3A_487, %get3A_484 : vector<16xf32>
        %sub3A_489 = arith.subf %mul3A_486, %mul3A_488 : vector<16xf32>
        %get3A_490 = arith.index_cast %add3A_464 : i32 to index
        %get3A_491 = arith.constant 0 : index
        %get3A_492 = tpu.vector_load %arg21[%get3A_490, %get3A_491] {strides = array<i32>} : memref<128x32xf32, #tpu.memory_space<vmem>>, vector<16xf32>,
        %add3A_493 = arith.addf %sub3A_489, %get3A_492 : vector<16xf32>
        %add3A_494 = arith.addf %get3A_469, %get3A_475 : vector<16xf32>
        %mul3A_495 = arith.mulf %add3A_494, %get3A_484 : vector<16xf32>
        %add3A_496 = arith.addf %get3A_472, %get3A_478 : vector<16xf32>
        %mul3A_497 = arith.mulf %add3A_496, %get3A_481 : vector<16xf32>
        %add3A_498 = arith.addf %mul3A_495, %mul3A_497 : vector<16xf32>
        %get3A_499 = arith.index_cast %add3A_464 : i32 to index
        %get3A_500 = arith.constant 0 : index
        %get3A_501 = tpu.vector_load %arg22[%get3A_499, %get3A_500] {strides = array<i32>} : memref<128x32xf32, #tpu.memory_space<vmem>>, vector<16xf32>,
        %add3A_502 = arith.addf %add3A_498, %get3A_501 : vector<16xf32>
        %abs3A_503 = math.absf %add3A_493 : vector<16xf32>
        %add3A_504 = arith.addf %broadcast_in_dim3A_466, %abs3A_503 : vector<16xf32>
        %abs3A_505 = math.absf %add3A_502 : vector<16xf32>
        %add3A_506 = arith.addf %add3A_504, %abs3A_505 : vector<16xf32>
        %get3A_507 = arith.index_cast %add3A_464 : i32 to index
        %get3A_508 = arith.constant 16 : index
        %get3A_509 = tpu.vector_load %arg17[%get3A_507, %get3A_508] {strides = array<i32>} : memref<128x32xf32, #tpu.memory_space<vmem>>, vector<16xf32>,
        %get3A_510 = arith.index_cast %add3A_464 : i32 to index
        %get3A_511 = arith.constant 16 : index
        %get3A_512 = tpu.vector_load %arg18[%get3A_510, %get3A_511] {strides = array<i32>} : memref<128x32xf32, #tpu.memory_space<vmem>>, vector<16xf32>,
        %get3A_513 = arith.index_cast %add3A_464 : i32 to index
        %get3A_514 = arith.constant 16 : index
        %get3A_515 = tpu.vector_load %arg19[%get3A_513, %get3A_514] {strides = array<i32>} : memref<128x32xf32, #tpu.memory_space<vmem>>, vector<16xf32>,
        %get3A_516 = arith.index_cast %add3A_464 : i32 to index
        %get3A_517 = arith.constant 16 : index
        %get3A_518 = tpu.vector_load %arg20[%get3A_516, %get3A_517] {strides = array<i32>} : memref<128x32xf32, #tpu.memory_space<vmem>>, vector<16xf32>,
        %get3A_519 = arith.index_cast %add3A_464 : i32 to index
        %get3A_520 = arith.constant 16 : index
        %get3A_521 = tpu.vector_load %arg23[%get3A_519, %get3A_520] {strides = array<i32>} : memref<128x32xf32, #tpu.memory_space<vmem>>, vector<16xf32>,
        %get3A_522 = arith.index_cast %add3A_464 : i32 to index
        %get3A_523 = arith.constant 16 : index
        %get3A_524 = tpu.vector_load %arg24[%get3A_522, %get3A_523] {strides = array<i32>} : memref<128x32xf32, #tpu.memory_space<vmem>>, vector<16xf32>,
        %sub3A_525 = arith.subf %get3A_509, %get3A_515 : vector<16xf32>
        %mul3A_526 = arith.mulf %sub3A_525, %get3A_521 : vector<16xf32>
        %sub3A_527 = arith.subf %get3A_512, %get3A_518 : vector<16xf32>
        %mul3A_528 = arith.mulf %sub3A_527, %get3A_524 : vector<16xf32>
        %sub3A_529 = arith.subf %mul3A_526, %mul3A_528 : vector<16xf32>
        %get3A_530 = arith.index_cast %add3A_464 : i32 to index
        %get3A_531 = arith.constant 16 : index
        %get3A_532 = tpu.vector_load %arg21[%get3A_530, %get3A_531] {strides = array<i32>} : memref<128x32xf32, #tpu.memory_space<vmem>>, vector<16xf32>,
        %add3A_533 = arith.addf %sub3A_529, %get3A_532 : vector<16xf32>
        %add3A_534 = arith.addf %get3A_509, %get3A_515 : vector<16xf32>
        %mul3A_535 = arith.mulf %add3A_534, %get3A_524 : vector<16xf32>
        %add3A_536 = arith.addf %get3A_512, %get3A_518 : vector<16xf32>
        %mul3A_537 = arith.mulf %add3A_536, %get3A_521 : vector<16xf32>
        %add3A_538 = arith.addf %mul3A_535, %mul3A_537 : vector<16xf32>
        %get3A_539 = arith.index_cast %add3A_464 : i32 to index
        %get3A_540 = arith.constant 16 : index
        %get3A_541 = tpu.vector_load %arg22[%get3A_539, %get3A_540] {strides = array<i32>} : memref<128x32xf32, #tpu.memory_space<vmem>>, vector<16xf32>,
        %add3A_542 = arith.addf %add3A_538, %get3A_541 : vector<16xf32>
        %abs3A_543 = math.absf %add3A_533 : vector<16xf32>
        %add3A_544 = arith.addf %add3A_506, %abs3A_543 : vector<16xf32>
        %abs3A_545 = math.absf %add3A_542 : vector<16xf32>
        %add3A_546 = arith.addf %add3A_544, %abs3A_545 : vector<16xf32>
        %reduce_sum3A_547 = arith.constant true
        %reduce_sum3A_548 = vector.broadcast %reduce_sum3A_547 : i1 to vector<16xi1>
        %reduce_sum3A_549 = tpu.scan <sum>, %add3A_546 masked %reduce_sum3A_548 : vector<16xf32>, vector<16xi1> -> vector<16xf32>
        %reduce_sum3A_550 = vector.extract %reduce_sum3A_549[15] : f32 from vector<16xf32>
        %eq3A_551 = arith.constant 4 : i32
        %eq3A_552 = vector.broadcast %eq3A_551 : i32 to vector<16xi32>
        %eq3A_553 = arith.cmpi eq, %iota3A, %eq3A_552 : vector<16xi32>
        %broadcast_in_dim3A_554 = vector.broadcast %reduce_sum3A_550 : f32 to vector<16xf32>
        %select_n3A_555 = arith.select %eq3A_553, %broadcast_in_dim3A_554, %select_n3A_460 : vector<16xi1>, vector<16xf32>
        %mul3A_556 = arith.constant 16 : i32
        %mul3A_557 = arith.muli %add3A_85, %mul3A_556 : i32
        %add3A_558 = arith.constant 5 : i32
        %add3A_559 = arith.addi %mul3A_557, %add3A_558 : i32
        %broadcast_in_dim3A_560 = arith.constant 0.000000e+00 : f32
        %broadcast_in_dim3A_561 = vector.broadcast %broadcast_in_dim3A_560 : f32 to vector<16xf32>
        %get3A_562 = arith.index_cast %add3A_559 : i32 to index
        %get3A_563 = arith.constant 0 : index
        %get3A_564 = tpu.vector_load %arg17[%get3A_562, %get3A_563] {strides = array<i32>} : memref<128x32xf32, #tpu.memory_space<vmem>>, vector<16xf32>,
        %get3A_565 = arith.index_cast %add3A_559 : i32 to index
        %get3A_566 = arith.constant 0 : index
        %get3A_567 = tpu.vector_load %arg18[%get3A_565, %get3A_566] {strides = array<i32>} : memref<128x32xf32, #tpu.memory_space<vmem>>, vector<16xf32>,
        %get3A_568 = arith.index_cast %add3A_559 : i32 to index
        %get3A_569 = arith.constant 0 : index
        %get3A_570 = tpu.vector_load %arg19[%get3A_568, %get3A_569] {strides = array<i32>} : memref<128x32xf32, #tpu.memory_space<vmem>>, vector<16xf32>,
        %get3A_571 = arith.index_cast %add3A_559 : i32 to index
        %get3A_572 = arith.constant 0 : index
        %get3A_573 = tpu.vector_load %arg20[%get3A_571, %get3A_572] {strides = array<i32>} : memref<128x32xf32, #tpu.memory_space<vmem>>, vector<16xf32>,
        %get3A_574 = arith.index_cast %add3A_559 : i32 to index
        %get3A_575 = arith.constant 0 : index
        %get3A_576 = tpu.vector_load %arg23[%get3A_574, %get3A_575] {strides = array<i32>} : memref<128x32xf32, #tpu.memory_space<vmem>>, vector<16xf32>,
        %get3A_577 = arith.index_cast %add3A_559 : i32 to index
        %get3A_578 = arith.constant 0 : index
        %get3A_579 = tpu.vector_load %arg24[%get3A_577, %get3A_578] {strides = array<i32>} : memref<128x32xf32, #tpu.memory_space<vmem>>, vector<16xf32>,
        %sub3A_580 = arith.subf %get3A_564, %get3A_570 : vector<16xf32>
        %mul3A_581 = arith.mulf %sub3A_580, %get3A_576 : vector<16xf32>
        %sub3A_582 = arith.subf %get3A_567, %get3A_573 : vector<16xf32>
        %mul3A_583 = arith.mulf %sub3A_582, %get3A_579 : vector<16xf32>
        %sub3A_584 = arith.subf %mul3A_581, %mul3A_583 : vector<16xf32>
        %get3A_585 = arith.index_cast %add3A_559 : i32 to index
        %get3A_586 = arith.constant 0 : index
        %get3A_587 = tpu.vector_load %arg21[%get3A_585, %get3A_586] {strides = array<i32>} : memref<128x32xf32, #tpu.memory_space<vmem>>, vector<16xf32>,
        %add3A_588 = arith.addf %sub3A_584, %get3A_587 : vector<16xf32>
        %add3A_589 = arith.addf %get3A_564, %get3A_570 : vector<16xf32>
        %mul3A_590 = arith.mulf %add3A_589, %get3A_579 : vector<16xf32>
        %add3A_591 = arith.addf %get3A_567, %get3A_573 : vector<16xf32>
        %mul3A_592 = arith.mulf %add3A_591, %get3A_576 : vector<16xf32>
        %add3A_593 = arith.addf %mul3A_590, %mul3A_592 : vector<16xf32>
        %get3A_594 = arith.index_cast %add3A_559 : i32 to index
        %get3A_595 = arith.constant 0 : index
        %get3A_596 = tpu.vector_load %arg22[%get3A_594, %get3A_595] {strides = array<i32>} : memref<128x32xf32, #tpu.memory_space<vmem>>, vector<16xf32>,
        %add3A_597 = arith.addf %add3A_593, %get3A_596 : vector<16xf32>
        %abs3A_598 = math.absf %add3A_588 : vector<16xf32>
        %add3A_599 = arith.addf %broadcast_in_dim3A_561, %abs3A_598 : vector<16xf32>
        %abs3A_600 = math.absf %add3A_597 : vector<16xf32>
        %add3A_601 = arith.addf %add3A_599, %abs3A_600 : vector<16xf32>
        %get3A_602 = arith.index_cast %add3A_559 : i32 to index
        %get3A_603 = arith.constant 16 : index
        %get3A_604 = tpu.vector_load %arg17[%get3A_602, %get3A_603] {strides = array<i32>} : memref<128x32xf32, #tpu.memory_space<vmem>>, vector<16xf32>,
        %get3A_605 = arith.index_cast %add3A_559 : i32 to index
        %get3A_606 = arith.constant 16 : index
        %get3A_607 = tpu.vector_load %arg18[%get3A_605, %get3A_606] {strides = array<i32>} : memref<128x32xf32, #tpu.memory_space<vmem>>, vector<16xf32>,
        %get3A_608 = arith.index_cast %add3A_559 : i32 to index
        %get3A_609 = arith.constant 16 : index
        %get3A_610 = tpu.vector_load %arg19[%get3A_608, %get3A_609] {strides = array<i32>} : memref<128x32xf32, #tpu.memory_space<vmem>>, vector<16xf32>,
        %get3A_611 = arith.index_cast %add3A_559 : i32 to index
        %get3A_612 = arith.constant 16 : index
        %get3A_613 = tpu.vector_load %arg20[%get3A_611, %get3A_612] {strides = array<i32>} : memref<128x32xf32, #tpu.memory_space<vmem>>, vector<16xf32>,
        %get3A_614 = arith.index_cast %add3A_559 : i32 to index
        %get3A_615 = arith.constant 16 : index
        %get3A_616 = tpu.vector_load %arg23[%get3A_614, %get3A_615] {strides = array<i32>} : memref<128x32xf32, #tpu.memory_space<vmem>>, vector<16xf32>,
        %get3A_617 = arith.index_cast %add3A_559 : i32 to index
        %get3A_618 = arith.constant 16 : index
        %get3A_619 = tpu.vector_load %arg24[%get3A_617, %get3A_618] {strides = array<i32>} : memref<128x32xf32, #tpu.memory_space<vmem>>, vector<16xf32>,
        %sub3A_620 = arith.subf %get3A_604, %get3A_610 : vector<16xf32>
        %mul3A_621 = arith.mulf %sub3A_620, %get3A_616 : vector<16xf32>
        %sub3A_622 = arith.subf %get3A_607, %get3A_613 : vector<16xf32>
        %mul3A_623 = arith.mulf %sub3A_622, %get3A_619 : vector<16xf32>
        %sub3A_624 = arith.subf %mul3A_621, %mul3A_623 : vector<16xf32>
        %get3A_625 = arith.index_cast %add3A_559 : i32 to index
        %get3A_626 = arith.constant 16 : index
        %get3A_627 = tpu.vector_load %arg21[%get3A_625, %get3A_626] {strides = array<i32>} : memref<128x32xf32, #tpu.memory_space<vmem>>, vector<16xf32>,
        %add3A_628 = arith.addf %sub3A_624, %get3A_627 : vector<16xf32>
        %add3A_629 = arith.addf %get3A_604, %get3A_610 : vector<16xf32>
        %mul3A_630 = arith.mulf %add3A_629, %get3A_619 : vector<16xf32>
        %add3A_631 = arith.addf %get3A_607, %get3A_613 : vector<16xf32>
        %mul3A_632 = arith.mulf %add3A_631, %get3A_616 : vector<16xf32>
        %add3A_633 = arith.addf %mul3A_630, %mul3A_632 : vector<16xf32>
        %get3A_634 = arith.index_cast %add3A_559 : i32 to index
        %get3A_635 = arith.constant 16 : index
        %get3A_636 = tpu.vector_load %arg22[%get3A_634, %get3A_635] {strides = array<i32>} : memref<128x32xf32, #tpu.memory_space<vmem>>, vector<16xf32>,
        %add3A_637 = arith.addf %add3A_633, %get3A_636 : vector<16xf32>
        %abs3A_638 = math.absf %add3A_628 : vector<16xf32>
        %add3A_639 = arith.addf %add3A_601, %abs3A_638 : vector<16xf32>
        %abs3A_640 = math.absf %add3A_637 : vector<16xf32>
        %add3A_641 = arith.addf %add3A_639, %abs3A_640 : vector<16xf32>
        %reduce_sum3A_642 = arith.constant true
        %reduce_sum3A_643 = vector.broadcast %reduce_sum3A_642 : i1 to vector<16xi1>
        %reduce_sum3A_644 = tpu.scan <sum>, %add3A_641 masked %reduce_sum3A_643 : vector<16xf32>, vector<16xi1> -> vector<16xf32>
        %reduce_sum3A_645 = vector.extract %reduce_sum3A_644[15] : f32 from vector<16xf32>
        %eq3A_646 = arith.constant 5 : i32
        %eq3A_647 = vector.broadcast %eq3A_646 : i32 to vector<16xi32>
        %eq3A_648 = arith.cmpi eq, %iota3A, %eq3A_647 : vector<16xi32>
        %broadcast_in_dim3A_649 = vector.broadcast %reduce_sum3A_645 : f32 to vector<16xf32>
        %select_n3A_650 = arith.select %eq3A_648, %broadcast_in_dim3A_649, %select_n3A_555 : vector<16xi1>, vector<16xf32>
        %mul3A_651 = arith.constant 16 : i32
        %mul3A_652 = arith.muli %add3A_85, %mul3A_651 : i32
        %add3A_653 = arith.constant 6 : i32
        %add3A_654 = arith.addi %mul3A_652, %add3A_653 : i32
        %broadcast_in_dim3A_655 = arith.constant 0.000000e+00 : f32
        %broadcast_in_dim3A_656 = vector.broadcast %broadcast_in_dim3A_655 : f32 to vector<16xf32>
        %get3A_657 = arith.index_cast %add3A_654 : i32 to index
        %get3A_658 = arith.constant 0 : index
        %get3A_659 = tpu.vector_load %arg17[%get3A_657, %get3A_658] {strides = array<i32>} : memref<128x32xf32, #tpu.memory_space<vmem>>, vector<16xf32>,
        %get3A_660 = arith.index_cast %add3A_654 : i32 to index
        %get3A_661 = arith.constant 0 : index
        %get3A_662 = tpu.vector_load %arg18[%get3A_660, %get3A_661] {strides = array<i32>} : memref<128x32xf32, #tpu.memory_space<vmem>>, vector<16xf32>,
        %get3A_663 = arith.index_cast %add3A_654 : i32 to index
        %get3A_664 = arith.constant 0 : index
        %get3A_665 = tpu.vector_load %arg19[%get3A_663, %get3A_664] {strides = array<i32>} : memref<128x32xf32, #tpu.memory_space<vmem>>, vector<16xf32>,
        %get3A_666 = arith.index_cast %add3A_654 : i32 to index
        %get3A_667 = arith.constant 0 : index
        %get3A_668 = tpu.vector_load %arg20[%get3A_666, %get3A_667] {strides = array<i32>} : memref<128x32xf32, #tpu.memory_space<vmem>>, vector<16xf32>,
        %get3A_669 = arith.index_cast %add3A_654 : i32 to index
        %get3A_670 = arith.constant 0 : index
        %get3A_671 = tpu.vector_load %arg23[%get3A_669, %get3A_670] {strides = array<i32>} : memref<128x32xf32, #tpu.memory_space<vmem>>, vector<16xf32>,
        %get3A_672 = arith.index_cast %add3A_654 : i32 to index
        %get3A_673 = arith.constant 0 : index
        %get3A_674 = tpu.vector_load %arg24[%get3A_672, %get3A_673] {strides = array<i32>} : memref<128x32xf32, #tpu.memory_space<vmem>>, vector<16xf32>,
        %sub3A_675 = arith.subf %get3A_659, %get3A_665 : vector<16xf32>
        %mul3A_676 = arith.mulf %sub3A_675, %get3A_671 : vector<16xf32>
        %sub3A_677 = arith.subf %get3A_662, %get3A_668 : vector<16xf32>
        %mul3A_678 = arith.mulf %sub3A_677, %get3A_674 : vector<16xf32>
        %sub3A_679 = arith.subf %mul3A_676, %mul3A_678 : vector<16xf32>
        %get3A_680 = arith.index_cast %add3A_654 : i32 to index
        %get3A_681 = arith.constant 0 : index
        %get3A_682 = tpu.vector_load %arg21[%get3A_680, %get3A_681] {strides = array<i32>} : memref<128x32xf32, #tpu.memory_space<vmem>>, vector<16xf32>,
        %add3A_683 = arith.addf %sub3A_679, %get3A_682 : vector<16xf32>
        %add3A_684 = arith.addf %get3A_659, %get3A_665 : vector<16xf32>
        %mul3A_685 = arith.mulf %add3A_684, %get3A_674 : vector<16xf32>
        %add3A_686 = arith.addf %get3A_662, %get3A_668 : vector<16xf32>
        %mul3A_687 = arith.mulf %add3A_686, %get3A_671 : vector<16xf32>
        %add3A_688 = arith.addf %mul3A_685, %mul3A_687 : vector<16xf32>
        %get3A_689 = arith.index_cast %add3A_654 : i32 to index
        %get3A_690 = arith.constant 0 : index
        %get3A_691 = tpu.vector_load %arg22[%get3A_689, %get3A_690] {strides = array<i32>} : memref<128x32xf32, #tpu.memory_space<vmem>>, vector<16xf32>,
        %add3A_692 = arith.addf %add3A_688, %get3A_691 : vector<16xf32>
        %abs3A_693 = math.absf %add3A_683 : vector<16xf32>
        %add3A_694 = arith.addf %broadcast_in_dim3A_656, %abs3A_693 : vector<16xf32>
        %abs3A_695 = math.absf %add3A_692 : vector<16xf32>
        %add3A_696 = arith.addf %add3A_694, %abs3A_695 : vector<16xf32>
        %get3A_697 = arith.index_cast %add3A_654 : i32 to index
        %get3A_698 = arith.constant 16 : index
        %get3A_699 = tpu.vector_load %arg17[%get3A_697, %get3A_698] {strides = array<i32>} : memref<128x32xf32, #tpu.memory_space<vmem>>, vector<16xf32>,
        %get3A_700 = arith.index_cast %add3A_654 : i32 to index
        %get3A_701 = arith.constant 16 : index
        %get3A_702 = tpu.vector_load %arg18[%get3A_700, %get3A_701] {strides = array<i32>} : memref<128x32xf32, #tpu.memory_space<vmem>>, vector<16xf32>,
        %get3A_703 = arith.index_cast %add3A_654 : i32 to index
        %get3A_704 = arith.constant 16 : index
        %get3A_705 = tpu.vector_load %arg19[%get3A_703, %get3A_704] {strides = array<i32>} : memref<128x32xf32, #tpu.memory_space<vmem>>, vector<16xf32>,
        %get3A_706 = arith.index_cast %add3A_654 : i32 to index
        %get3A_707 = arith.constant 16 : index
        %get3A_708 = tpu.vector_load %arg20[%get3A_706, %get3A_707] {strides = array<i32>} : memref<128x32xf32, #tpu.memory_space<vmem>>, vector<16xf32>,
        %get3A_709 = arith.index_cast %add3A_654 : i32 to index
        %get3A_710 = arith.constant 16 : index
        %get3A_711 = tpu.vector_load %arg23[%get3A_709, %get3A_710] {strides = array<i32>} : memref<128x32xf32, #tpu.memory_space<vmem>>, vector<16xf32>,
        %get3A_712 = arith.index_cast %add3A_654 : i32 to index
        %get3A_713 = arith.constant 16 : index
        %get3A_714 = tpu.vector_load %arg24[%get3A_712, %get3A_713] {strides = array<i32>} : memref<128x32xf32, #tpu.memory_space<vmem>>, vector<16xf32>,
        %sub3A_715 = arith.subf %get3A_699, %get3A_705 : vector<16xf32>
        %mul3A_716 = arith.mulf %sub3A_715, %get3A_711 : vector<16xf32>
        %sub3A_717 = arith.subf %get3A_702, %get3A_708 : vector<16xf32>
        %mul3A_718 = arith.mulf %sub3A_717, %get3A_714 : vector<16xf32>
        %sub3A_719 = arith.subf %mul3A_716, %mul3A_718 : vector<16xf32>
        %get3A_720 = arith.index_cast %add3A_654 : i32 to index
        %get3A_721 = arith.constant 16 : index
        %get3A_722 = tpu.vector_load %arg21[%get3A_720, %get3A_721] {strides = array<i32>} : memref<128x32xf32, #tpu.memory_space<vmem>>, vector<16xf32>,
        %add3A_723 = arith.addf %sub3A_719, %get3A_722 : vector<16xf32>
        %add3A_724 = arith.addf %get3A_699, %get3A_705 : vector<16xf32>
        %mul3A_725 = arith.mulf %add3A_724, %get3A_714 : vector<16xf32>
        %add3A_726 = arith.addf %get3A_702, %get3A_708 : vector<16xf32>
        %mul3A_727 = arith.mulf %add3A_726, %get3A_711 : vector<16xf32>
        %add3A_728 = arith.addf %mul3A_725, %mul3A_727 : vector<16xf32>
        %get3A_729 = arith.index_cast %add3A_654 : i32 to index
        %get3A_730 = arith.constant 16 : index
        %get3A_731 = tpu.vector_load %arg22[%get3A_729, %get3A_730] {strides = array<i32>} : memref<128x32xf32, #tpu.memory_space<vmem>>, vector<16xf32>,
        %add3A_732 = arith.addf %add3A_728, %get3A_731 : vector<16xf32>
        %abs3A_733 = math.absf %add3A_723 : vector<16xf32>
        %add3A_734 = arith.addf %add3A_696, %abs3A_733 : vector<16xf32>
        %abs3A_735 = math.absf %add3A_732 : vector<16xf32>
        %add3A_736 = arith.addf %add3A_734, %abs3A_735 : vector<16xf32>
        %reduce_sum3A_737 = arith.constant true
        %reduce_sum3A_738 = vector.broadcast %reduce_sum3A_737 : i1 to vector<16xi1>
        %reduce_sum3A_739 = tpu.scan <sum>, %add3A_736 masked %reduce_sum3A_738 : vector<16xf32>, vector<16xi1> -> vector<16xf32>
        %reduce_sum3A_740 = vector.extract %reduce_sum3A_739[15] : f32 from vector<16xf32>
        %eq3A_741 = arith.constant 6 : i32
        %eq3A_742 = vector.broadcast %eq3A_741 : i32 to vector<16xi32>
        %eq3A_743 = arith.cmpi eq, %iota3A, %eq3A_742 : vector<16xi32>
        %broadcast_in_dim3A_744 = vector.broadcast %reduce_sum3A_740 : f32 to vector<16xf32>
        %select_n3A_745 = arith.select %eq3A_743, %broadcast_in_dim3A_744, %select_n3A_650 : vector<16xi1>, vector<16xf32>
        %mul3A_746 = arith.constant 16 : i32
        %mul3A_747 = arith.muli %add3A_85, %mul3A_746 : i32
        %add3A_748 = arith.constant 7 : i32
        %add3A_749 = arith.addi %mul3A_747, %add3A_748 : i32
        %broadcast_in_dim3A_750 = arith.constant 0.000000e+00 : f32
        %broadcast_in_dim3A_751 = vector.broadcast %broadcast_in_dim3A_750 : f32 to vector<16xf32>
        %get3A_752 = arith.index_cast %add3A_749 : i32 to index
        %get3A_753 = arith.constant 0 : index
        %get3A_754 = tpu.vector_load %arg17[%get3A_752, %get3A_753] {strides = array<i32>} : memref<128x32xf32, #tpu.memory_space<vmem>>, vector<16xf32>,
        %get3A_755 = arith.index_cast %add3A_749 : i32 to index
        %get3A_756 = arith.constant 0 : index
        %get3A_757 = tpu.vector_load %arg18[%get3A_755, %get3A_756] {strides = array<i32>} : memref<128x32xf32, #tpu.memory_space<vmem>>, vector<16xf32>,
        %get3A_758 = arith.index_cast %add3A_749 : i32 to index
        %get3A_759 = arith.constant 0 : index
        %get3A_760 = tpu.vector_load %arg19[%get3A_758, %get3A_759] {strides = array<i32>} : memref<128x32xf32, #tpu.memory_space<vmem>>, vector<16xf32>,
        %get3A_761 = arith.index_cast %add3A_749 : i32 to index
        %get3A_762 = arith.constant 0 : index
        %get3A_763 = tpu.vector_load %arg20[%get3A_761, %get3A_762] {strides = array<i32>} : memref<128x32xf32, #tpu.memory_space<vmem>>, vector<16xf32>,
        %get3A_764 = arith.index_cast %add3A_749 : i32 to index
        %get3A_765 = arith.constant 0 : index
        %get3A_766 = tpu.vector_load %arg23[%get3A_764, %get3A_765] {strides = array<i32>} : memref<128x32xf32, #tpu.memory_space<vmem>>, vector<16xf32>,
        %get3A_767 = arith.index_cast %add3A_749 : i32 to index
        %get3A_768 = arith.constant 0 : index
        %get3A_769 = tpu.vector_load %arg24[%get3A_767, %get3A_768] {strides = array<i32>} : memref<128x32xf32, #tpu.memory_space<vmem>>, vector<16xf32>,
        %sub3A_770 = arith.subf %get3A_754, %get3A_760 : vector<16xf32>
        %mul3A_771 = arith.mulf %sub3A_770, %get3A_766 : vector<16xf32>
        %sub3A_772 = arith.subf %get3A_757, %get3A_763 : vector<16xf32>
        %mul3A_773 = arith.mulf %sub3A_772, %get3A_769 : vector<16xf32>
        %sub3A_774 = arith.subf %mul3A_771, %mul3A_773 : vector<16xf32>
        %get3A_775 = arith.index_cast %add3A_749 : i32 to index
        %get3A_776 = arith.constant 0 : index
        %get3A_777 = tpu.vector_load %arg21[%get3A_775, %get3A_776] {strides = array<i32>} : memref<128x32xf32, #tpu.memory_space<vmem>>, vector<16xf32>,
        %add3A_778 = arith.addf %sub3A_774, %get3A_777 : vector<16xf32>
        %add3A_779 = arith.addf %get3A_754, %get3A_760 : vector<16xf32>
        %mul3A_780 = arith.mulf %add3A_779, %get3A_769 : vector<16xf32>
        %add3A_781 = arith.addf %get3A_757, %get3A_763 : vector<16xf32>
        %mul3A_782 = arith.mulf %add3A_781, %get3A_766 : vector<16xf32>
        %add3A_783 = arith.addf %mul3A_780, %mul3A_782 : vector<16xf32>
        %get3A_784 = arith.index_cast %add3A_749 : i32 to index
        %get3A_785 = arith.constant 0 : index
        %get3A_786 = tpu.vector_load %arg22[%get3A_784, %get3A_785] {strides = array<i32>} : memref<128x32xf32, #tpu.memory_space<vmem>>, vector<16xf32>,
        %add3A_787 = arith.addf %add3A_783, %get3A_786 : vector<16xf32>
        %abs3A_788 = math.absf %add3A_778 : vector<16xf32>
        %add3A_789 = arith.addf %broadcast_in_dim3A_751, %abs3A_788 : vector<16xf32>
        %abs3A_790 = math.absf %add3A_787 : vector<16xf32>
        %add3A_791 = arith.addf %add3A_789, %abs3A_790 : vector<16xf32>
        %get3A_792 = arith.index_cast %add3A_749 : i32 to index
        %get3A_793 = arith.constant 16 : index
        %get3A_794 = tpu.vector_load %arg17[%get3A_792, %get3A_793] {strides = array<i32>} : memref<128x32xf32, #tpu.memory_space<vmem>>, vector<16xf32>,
        %get3A_795 = arith.index_cast %add3A_749 : i32 to index
        %get3A_796 = arith.constant 16 : index
        %get3A_797 = tpu.vector_load %arg18[%get3A_795, %get3A_796] {strides = array<i32>} : memref<128x32xf32, #tpu.memory_space<vmem>>, vector<16xf32>,
        %get3A_798 = arith.index_cast %add3A_749 : i32 to index
        %get3A_799 = arith.constant 16 : index
        %get3A_800 = tpu.vector_load %arg19[%get3A_798, %get3A_799] {strides = array<i32>} : memref<128x32xf32, #tpu.memory_space<vmem>>, vector<16xf32>,
        %get3A_801 = arith.index_cast %add3A_749 : i32 to index
        %get3A_802 = arith.constant 16 : index
        %get3A_803 = tpu.vector_load %arg20[%get3A_801, %get3A_802] {strides = array<i32>} : memref<128x32xf32, #tpu.memory_space<vmem>>, vector<16xf32>,
        %get3A_804 = arith.index_cast %add3A_749 : i32 to index
        %get3A_805 = arith.constant 16 : index
        %get3A_806 = tpu.vector_load %arg23[%get3A_804, %get3A_805] {strides = array<i32>} : memref<128x32xf32, #tpu.memory_space<vmem>>, vector<16xf32>,
        %get3A_807 = arith.index_cast %add3A_749 : i32 to index
        %get3A_808 = arith.constant 16 : index
        %get3A_809 = tpu.vector_load %arg24[%get3A_807, %get3A_808] {strides = array<i32>} : memref<128x32xf32, #tpu.memory_space<vmem>>, vector<16xf32>,
        %sub3A_810 = arith.subf %get3A_794, %get3A_800 : vector<16xf32>
        %mul3A_811 = arith.mulf %sub3A_810, %get3A_806 : vector<16xf32>
        %sub3A_812 = arith.subf %get3A_797, %get3A_803 : vector<16xf32>
        %mul3A_813 = arith.mulf %sub3A_812, %get3A_809 : vector<16xf32>
        %sub3A_814 = arith.subf %mul3A_811, %mul3A_813 : vector<16xf32>
        %get3A_815 = arith.index_cast %add3A_749 : i32 to index
        %get3A_816 = arith.constant 16 : index
        %get3A_817 = tpu.vector_load %arg21[%get3A_815, %get3A_816] {strides = array<i32>} : memref<128x32xf32, #tpu.memory_space<vmem>>, vector<16xf32>,
        %add3A_818 = arith.addf %sub3A_814, %get3A_817 : vector<16xf32>
        %add3A_819 = arith.addf %get3A_794, %get3A_800 : vector<16xf32>
        %mul3A_820 = arith.mulf %add3A_819, %get3A_809 : vector<16xf32>
        %add3A_821 = arith.addf %get3A_797, %get3A_803 : vector<16xf32>
        %mul3A_822 = arith.mulf %add3A_821, %get3A_806 : vector<16xf32>
        %add3A_823 = arith.addf %mul3A_820, %mul3A_822 : vector<16xf32>
        %get3A_824 = arith.index_cast %add3A_749 : i32 to index
        %get3A_825 = arith.constant 16 : index
        %get3A_826 = tpu.vector_load %arg22[%get3A_824, %get3A_825] {strides = array<i32>} : memref<128x32xf32, #tpu.memory_space<vmem>>, vector<16xf32>,
        %add3A_827 = arith.addf %add3A_823, %get3A_826 : vector<16xf32>
        %abs3A_828 = math.absf %add3A_818 : vector<16xf32>
        %add3A_829 = arith.addf %add3A_791, %abs3A_828 : vector<16xf32>
        %abs3A_830 = math.absf %add3A_827 : vector<16xf32>
        %add3A_831 = arith.addf %add3A_829, %abs3A_830 : vector<16xf32>
        %reduce_sum3A_832 = arith.constant true
        %reduce_sum3A_833 = vector.broadcast %reduce_sum3A_832 : i1 to vector<16xi1>
        %reduce_sum3A_834 = tpu.scan <sum>, %add3A_831 masked %reduce_sum3A_833 : vector<16xf32>, vector<16xi1> -> vector<16xf32>
        %reduce_sum3A_835 = vector.extract %reduce_sum3A_834[15] : f32 from vector<16xf32>
        %eq3A_836 = arith.constant 7 : i32
        %eq3A_837 = vector.broadcast %eq3A_836 : i32 to vector<16xi32>
        %eq3A_838 = arith.cmpi eq, %iota3A, %eq3A_837 : vector<16xi32>
        %broadcast_in_dim3A_839 = vector.broadcast %reduce_sum3A_835 : f32 to vector<16xf32>
        %select_n3A_840 = arith.select %eq3A_838, %broadcast_in_dim3A_839, %select_n3A_745 : vector<16xi1>, vector<16xf32>
        %mul3A_841 = arith.constant 16 : i32
        %mul3A_842 = arith.muli %add3A_85, %mul3A_841 : i32
        %add3A_843 = arith.constant 8 : i32
        %add3A_844 = arith.addi %mul3A_842, %add3A_843 : i32
        %broadcast_in_dim3A_845 = arith.constant 0.000000e+00 : f32
        %broadcast_in_dim3A_846 = vector.broadcast %broadcast_in_dim3A_845 : f32 to vector<16xf32>
        %get3A_847 = arith.index_cast %add3A_844 : i32 to index
        %get3A_848 = arith.constant 0 : index
        %get3A_849 = tpu.vector_load %arg17[%get3A_847, %get3A_848] {strides = array<i32>} : memref<128x32xf32, #tpu.memory_space<vmem>>, vector<16xf32>,
        %get3A_850 = arith.index_cast %add3A_844 : i32 to index
        %get3A_851 = arith.constant 0 : index
        %get3A_852 = tpu.vector_load %arg18[%get3A_850, %get3A_851] {strides = array<i32>} : memref<128x32xf32, #tpu.memory_space<vmem>>, vector<16xf32>,
        %get3A_853 = arith.index_cast %add3A_844 : i32 to index
        %get3A_854 = arith.constant 0 : index
        %get3A_855 = tpu.vector_load %arg19[%get3A_853, %get3A_854] {strides = array<i32>} : memref<128x32xf32, #tpu.memory_space<vmem>>, vector<16xf32>,
        %get3A_856 = arith.index_cast %add3A_844 : i32 to index
        %get3A_857 = arith.constant 0 : index
        %get3A_858 = tpu.vector_load %arg20[%get3A_856, %get3A_857] {strides = array<i32>} : memref<128x32xf32, #tpu.memory_space<vmem>>, vector<16xf32>,
        %get3A_859 = arith.index_cast %add3A_844 : i32 to index
        %get3A_860 = arith.constant 0 : index
        %get3A_861 = tpu.vector_load %arg23[%get3A_859, %get3A_860] {strides = array<i32>} : memref<128x32xf32, #tpu.memory_space<vmem>>, vector<16xf32>,
        %get3A_862 = arith.index_cast %add3A_844 : i32 to index
        %get3A_863 = arith.constant 0 : index
        %get3A_864 = tpu.vector_load %arg24[%get3A_862, %get3A_863] {strides = array<i32>} : memref<128x32xf32, #tpu.memory_space<vmem>>, vector<16xf32>,
        %sub3A_865 = arith.subf %get3A_849, %get3A_855 : vector<16xf32>
        %mul3A_866 = arith.mulf %sub3A_865, %get3A_861 : vector<16xf32>
        %sub3A_867 = arith.subf %get3A_852, %get3A_858 : vector<16xf32>
        %mul3A_868 = arith.mulf %sub3A_867, %get3A_864 : vector<16xf32>
        %sub3A_869 = arith.subf %mul3A_866, %mul3A_868 : vector<16xf32>
        %get3A_870 = arith.index_cast %add3A_844 : i32 to index
        %get3A_871 = arith.constant 0 : index
        %get3A_872 = tpu.vector_load %arg21[%get3A_870, %get3A_871] {strides = array<i32>} : memref<128x32xf32, #tpu.memory_space<vmem>>, vector<16xf32>,
        %add3A_873 = arith.addf %sub3A_869, %get3A_872 : vector<16xf32>
        %add3A_874 = arith.addf %get3A_849, %get3A_855 : vector<16xf32>
        %mul3A_875 = arith.mulf %add3A_874, %get3A_864 : vector<16xf32>
        %add3A_876 = arith.addf %get3A_852, %get3A_858 : vector<16xf32>
        %mul3A_877 = arith.mulf %add3A_876, %get3A_861 : vector<16xf32>
        %add3A_878 = arith.addf %mul3A_875, %mul3A_877 : vector<16xf32>
        %get3A_879 = arith.index_cast %add3A_844 : i32 to index
        %get3A_880 = arith.constant 0 : index
        %get3A_881 = tpu.vector_load %arg22[%get3A_879, %get3A_880] {strides = array<i32>} : memref<128x32xf32, #tpu.memory_space<vmem>>, vector<16xf32>,
        %add3A_882 = arith.addf %add3A_878, %get3A_881 : vector<16xf32>
        %abs3A_883 = math.absf %add3A_873 : vector<16xf32>
        %add3A_884 = arith.addf %broadcast_in_dim3A_846, %abs3A_883 : vector<16xf32>
        %abs3A_885 = math.absf %add3A_882 : vector<16xf32>
        %add3A_886 = arith.addf %add3A_884, %abs3A_885 : vector<16xf32>
        %get3A_887 = arith.index_cast %add3A_844 : i32 to index
        %get3A_888 = arith.constant 16 : index
        %get3A_889 = tpu.vector_load %arg17[%get3A_887, %get3A_888] {strides = array<i32>} : memref<128x32xf32, #tpu.memory_space<vmem>>, vector<16xf32>,
        %get3A_890 = arith.index_cast %add3A_844 : i32 to index
        %get3A_891 = arith.constant 16 : index
        %get3A_892 = tpu.vector_load %arg18[%get3A_890, %get3A_891] {strides = array<i32>} : memref<128x32xf32, #tpu.memory_space<vmem>>, vector<16xf32>,
        %get3A_893 = arith.index_cast %add3A_844 : i32 to index
        %get3A_894 = arith.constant 16 : index
        %get3A_895 = tpu.vector_load %arg19[%get3A_893, %get3A_894] {strides = array<i32>} : memref<128x32xf32, #tpu.memory_space<vmem>>, vector<16xf32>,
        %get3A_896 = arith.index_cast %add3A_844 : i32 to index
        %get3A_897 = arith.constant 16 : index
        %get3A_898 = tpu.vector_load %arg20[%get3A_896, %get3A_897] {strides = array<i32>} : memref<128x32xf32, #tpu.memory_space<vmem>>, vector<16xf32>,
        %get3A_899 = arith.index_cast %add3A_844 : i32 to index
        %get3A_900 = arith.constant 16 : index
        %get3A_901 = tpu.vector_load %arg23[%get3A_899, %get3A_900] {strides = array<i32>} : memref<128x32xf32, #tpu.memory_space<vmem>>, vector<16xf32>,
        %get3A_902 = arith.index_cast %add3A_844 : i32 to index
        %get3A_903 = arith.constant 16 : index
        %get3A_904 = tpu.vector_load %arg24[%get3A_902, %get3A_903] {strides = array<i32>} : memref<128x32xf32, #tpu.memory_space<vmem>>, vector<16xf32>,
        %sub3A_905 = arith.subf %get3A_889, %get3A_895 : vector<16xf32>
        %mul3A_906 = arith.mulf %sub3A_905, %get3A_901 : vector<16xf32>
        %sub3A_907 = arith.subf %get3A_892, %get3A_898 : vector<16xf32>
        %mul3A_908 = arith.mulf %sub3A_907, %get3A_904 : vector<16xf32>
        %sub3A_909 = arith.subf %mul3A_906, %mul3A_908 : vector<16xf32>
        %get3A_910 = arith.index_cast %add3A_844 : i32 to index
        %get3A_911 = arith.constant 16 : index
        %get3A_912 = tpu.vector_load %arg21[%get3A_910, %get3A_911] {strides = array<i32>} : memref<128x32xf32, #tpu.memory_space<vmem>>, vector<16xf32>,
        %add3A_913 = arith.addf %sub3A_909, %get3A_912 : vector<16xf32>
        %add3A_914 = arith.addf %get3A_889, %get3A_895 : vector<16xf32>
        %mul3A_915 = arith.mulf %add3A_914, %get3A_904 : vector<16xf32>
        %add3A_916 = arith.addf %get3A_892, %get3A_898 : vector<16xf32>
        %mul3A_917 = arith.mulf %add3A_916, %get3A_901 : vector<16xf32>
        %add3A_918 = arith.addf %mul3A_915, %mul3A_917 : vector<16xf32>
        %get3A_919 = arith.index_cast %add3A_844 : i32 to index
        %get3A_920 = arith.constant 16 : index
        %get3A_921 = tpu.vector_load %arg22[%get3A_919, %get3A_920] {strides = array<i32>} : memref<128x32xf32, #tpu.memory_space<vmem>>, vector<16xf32>,
        %add3A_922 = arith.addf %add3A_918, %get3A_921 : vector<16xf32>
        %abs3A_923 = math.absf %add3A_913 : vector<16xf32>
        %add3A_924 = arith.addf %add3A_886, %abs3A_923 : vector<16xf32>
        %abs3A_925 = math.absf %add3A_922 : vector<16xf32>
        %add3A_926 = arith.addf %add3A_924, %abs3A_925 : vector<16xf32>
        %reduce_sum3A_927 = arith.constant true
        %reduce_sum3A_928 = vector.broadcast %reduce_sum3A_927 : i1 to vector<16xi1>
        %reduce_sum3A_929 = tpu.scan <sum>, %add3A_926 masked %reduce_sum3A_928 : vector<16xf32>, vector<16xi1> -> vector<16xf32>
        %reduce_sum3A_930 = vector.extract %reduce_sum3A_929[15] : f32 from vector<16xf32>
        %eq3A_931 = arith.constant 8 : i32
        %eq3A_932 = vector.broadcast %eq3A_931 : i32 to vector<16xi32>
        %eq3A_933 = arith.cmpi eq, %iota3A, %eq3A_932 : vector<16xi32>
        %broadcast_in_dim3A_934 = vector.broadcast %reduce_sum3A_930 : f32 to vector<16xf32>
        %select_n3A_935 = arith.select %eq3A_933, %broadcast_in_dim3A_934, %select_n3A_840 : vector<16xi1>, vector<16xf32>
        %mul3A_936 = arith.constant 16 : i32
        %mul3A_937 = arith.muli %add3A_85, %mul3A_936 : i32
        %add3A_938 = arith.constant 9 : i32
        %add3A_939 = arith.addi %mul3A_937, %add3A_938 : i32
        %broadcast_in_dim3A_940 = arith.constant 0.000000e+00 : f32
        %broadcast_in_dim3A_941 = vector.broadcast %broadcast_in_dim3A_940 : f32 to vector<16xf32>
        %get3A_942 = arith.index_cast %add3A_939 : i32 to index
        %get3A_943 = arith.constant 0 : index
        %get3A_944 = tpu.vector_load %arg17[%get3A_942, %get3A_943] {strides = array<i32>} : memref<128x32xf32, #tpu.memory_space<vmem>>, vector<16xf32>,
        %get3A_945 = arith.index_cast %add3A_939 : i32 to index
        %get3A_946 = arith.constant 0 : index
        %get3A_947 = tpu.vector_load %arg18[%get3A_945, %get3A_946] {strides = array<i32>} : memref<128x32xf32, #tpu.memory_space<vmem>>, vector<16xf32>,
        %get3A_948 = arith.index_cast %add3A_939 : i32 to index
        %get3A_949 = arith.constant 0 : index
        %get3A_950 = tpu.vector_load %arg19[%get3A_948, %get3A_949] {strides = array<i32>} : memref<128x32xf32, #tpu.memory_space<vmem>>, vector<16xf32>,
        %get3A_951 = arith.index_cast %add3A_939 : i32 to index
        %get3A_952 = arith.constant 0 : index
        %get3A_953 = tpu.vector_load %arg20[%get3A_951, %get3A_952] {strides = array<i32>} : memref<128x32xf32, #tpu.memory_space<vmem>>, vector<16xf32>,
        %get3A_954 = arith.index_cast %add3A_939 : i32 to index
        %get3A_955 = arith.constant 0 : index
        %get3A_956 = tpu.vector_load %arg23[%get3A_954, %get3A_955] {strides = array<i32>} : memref<128x32xf32, #tpu.memory_space<vmem>>, vector<16xf32>,
        %get3A_957 = arith.index_cast %add3A_939 : i32 to index
        %get3A_958 = arith.constant 0 : index
        %get3A_959 = tpu.vector_load %arg24[%get3A_957, %get3A_958] {strides = array<i32>} : memref<128x32xf32, #tpu.memory_space<vmem>>, vector<16xf32>,
        %sub3A_960 = arith.subf %get3A_944, %get3A_950 : vector<16xf32>
        %mul3A_961 = arith.mulf %sub3A_960, %get3A_956 : vector<16xf32>
        %sub3A_962 = arith.subf %get3A_947, %get3A_953 : vector<16xf32>
        %mul3A_963 = arith.mulf %sub3A_962, %get3A_959 : vector<16xf32>
        %sub3A_964 = arith.subf %mul3A_961, %mul3A_963 : vector<16xf32>
        %get3A_965 = arith.index_cast %add3A_939 : i32 to index
        %get3A_966 = arith.constant 0 : index
        %get3A_967 = tpu.vector_load %arg21[%get3A_965, %get3A_966] {strides = array<i32>} : memref<128x32xf32, #tpu.memory_space<vmem>>, vector<16xf32>,
        %add3A_968 = arith.addf %sub3A_964, %get3A_967 : vector<16xf32>
        %add3A_969 = arith.addf %get3A_944, %get3A_950 : vector<16xf32>
        %mul3A_970 = arith.mulf %add3A_969, %get3A_959 : vector<16xf32>
        %add3A_971 = arith.addf %get3A_947, %get3A_953 : vector<16xf32>
        %mul3A_972 = arith.mulf %add3A_971, %get3A_956 : vector<16xf32>
        %add3A_973 = arith.addf %mul3A_970, %mul3A_972 : vector<16xf32>
        %get3A_974 = arith.index_cast %add3A_939 : i32 to index
        %get3A_975 = arith.constant 0 : index
        %get3A_976 = tpu.vector_load %arg22[%get3A_974, %get3A_975] {strides = array<i32>} : memref<128x32xf32, #tpu.memory_space<vmem>>, vector<16xf32>,
        %add3A_977 = arith.addf %add3A_973, %get3A_976 : vector<16xf32>
        %abs3A_978 = math.absf %add3A_968 : vector<16xf32>
        %add3A_979 = arith.addf %broadcast_in_dim3A_941, %abs3A_978 : vector<16xf32>
        %abs3A_980 = math.absf %add3A_977 : vector<16xf32>
        %add3A_981 = arith.addf %add3A_979, %abs3A_980 : vector<16xf32>
        %get3A_982 = arith.index_cast %add3A_939 : i32 to index
        %get3A_983 = arith.constant 16 : index
        %get3A_984 = tpu.vector_load %arg17[%get3A_982, %get3A_983] {strides = array<i32>} : memref<128x32xf32, #tpu.memory_space<vmem>>, vector<16xf32>,
        %get3A_985 = arith.index_cast %add3A_939 : i32 to index
        %get3A_986 = arith.constant 16 : index
        %get3A_987 = tpu.vector_load %arg18[%get3A_985, %get3A_986] {strides = array<i32>} : memref<128x32xf32, #tpu.memory_space<vmem>>, vector<16xf32>,
        %get3A_988 = arith.index_cast %add3A_939 : i32 to index
        %get3A_989 = arith.constant 16 : index
        %get3A_990 = tpu.vector_load %arg19[%get3A_988, %get3A_989] {strides = array<i32>} : memref<128x32xf32, #tpu.memory_space<vmem>>, vector<16xf32>,
        %get3A_991 = arith.index_cast %add3A_939 : i32 to index
        %get3A_992 = arith.constant 16 : index
        %get3A_993 = tpu.vector_load %arg20[%get3A_991, %get3A_992] {strides = array<i32>} : memref<128x32xf32, #tpu.memory_space<vmem>>, vector<16xf32>,
        %get3A_994 = arith.index_cast %add3A_939 : i32 to index
        %get3A_995 = arith.constant 16 : index
        %get3A_996 = tpu.vector_load %arg23[%get3A_994, %get3A_995] {strides = array<i32>} : memref<128x32xf32, #tpu.memory_space<vmem>>, vector<16xf32>,
        %get3A_997 = arith.index_cast %add3A_939 : i32 to index
        %get3A_998 = arith.constant 16 : index
        %get3A_999 = tpu.vector_load %arg24[%get3A_997, %get3A_998] {strides = array<i32>} : memref<128x32xf32, #tpu.memory_space<vmem>>, vector<16xf32>,
        %sub3A_1000 = arith.subf %get3A_984, %get3A_990 : vector<16xf32>
        %mul3A_1001 = arith.mulf %sub3A_1000, %get3A_996 : vector<16xf32>
        %sub3A_1002 = arith.subf %get3A_987, %get3A_993 : vector<16xf32>
        %mul3A_1003 = arith.mulf %sub3A_1002, %get3A_999 : vector<16xf32>
        %sub3A_1004 = arith.subf %mul3A_1001, %mul3A_1003 : vector<16xf32>
        %get3A_1005 = arith.index_cast %add3A_939 : i32 to index
        %get3A_1006 = arith.constant 16 : index
        %get3A_1007 = tpu.vector_load %arg21[%get3A_1005, %get3A_1006] {strides = array<i32>} : memref<128x32xf32, #tpu.memory_space<vmem>>, vector<16xf32>,
        %add3A_1008 = arith.addf %sub3A_1004, %get3A_1007 : vector<16xf32>
        %add3A_1009 = arith.addf %get3A_984, %get3A_990 : vector<16xf32>
        %mul3A_1010 = arith.mulf %add3A_1009, %get3A_999 : vector<16xf32>
        %add3A_1011 = arith.addf %get3A_987, %get3A_993 : vector<16xf32>
        %mul3A_1012 = arith.mulf %add3A_1011, %get3A_996 : vector<16xf32>
        %add3A_1013 = arith.addf %mul3A_1010, %mul3A_1012 : vector<16xf32>
        %get3A_1014 = arith.index_cast %add3A_939 : i32 to index
        %get3A_1015 = arith.constant 16 : index
        %get3A_1016 = tpu.vector_load %arg22[%get3A_1014, %get3A_1015] {strides = array<i32>} : memref<128x32xf32, #tpu.memory_space<vmem>>, vector<16xf32>,
        %add3A_1017 = arith.addf %add3A_1013, %get3A_1016 : vector<16xf32>
        %abs3A_1018 = math.absf %add3A_1008 : vector<16xf32>
        %add3A_1019 = arith.addf %add3A_981, %abs3A_1018 : vector<16xf32>
        %abs3A_1020 = math.absf %add3A_1017 : vector<16xf32>
        %add3A_1021 = arith.addf %add3A_1019, %abs3A_1020 : vector<16xf32>
        %reduce_sum3A_1022 = arith.constant true
        %reduce_sum3A_1023 = vector.broadcast %reduce_sum3A_1022 : i1 to vector<16xi1>
        %reduce_sum3A_1024 = tpu.scan <sum>, %add3A_1021 masked %reduce_sum3A_1023 : vector<16xf32>, vector<16xi1> -> vector<16xf32>
        %reduce_sum3A_1025 = vector.extract %reduce_sum3A_1024[15] : f32 from vector<16xf32>
        %eq3A_1026 = arith.constant 9 : i32
        %eq3A_1027 = vector.broadcast %eq3A_1026 : i32 to vector<16xi32>
        %eq3A_1028 = arith.cmpi eq, %iota3A, %eq3A_1027 : vector<16xi32>
        %broadcast_in_dim3A_1029 = vector.broadcast %reduce_sum3A_1025 : f32 to vector<16xf32>
        %select_n3A_1030 = arith.select %eq3A_1028, %broadcast_in_dim3A_1029, %select_n3A_935 : vector<16xi1>, vector<16xf32>
        %mul3A_1031 = arith.constant 16 : i32
        %mul3A_1032 = arith.muli %add3A_85, %mul3A_1031 : i32
        %add3A_1033 = arith.constant 10 : i32
        %add3A_1034 = arith.addi %mul3A_1032, %add3A_1033 : i32
        %broadcast_in_dim3A_1035 = arith.constant 0.000000e+00 : f32
        %broadcast_in_dim3A_1036 = vector.broadcast %broadcast_in_dim3A_1035 : f32 to vector<16xf32>
        %get3A_1037 = arith.index_cast %add3A_1034 : i32 to index
        %get3A_1038 = arith.constant 0 : index
        %get3A_1039 = tpu.vector_load %arg17[%get3A_1037, %get3A_1038] {strides = array<i32>} : memref<128x32xf32, #tpu.memory_space<vmem>>, vector<16xf32>,
        %get3A_1040 = arith.index_cast %add3A_1034 : i32 to index
        %get3A_1041 = arith.constant 0 : index
        %get3A_1042 = tpu.vector_load %arg18[%get3A_1040, %get3A_1041] {strides = array<i32>} : memref<128x32xf32, #tpu.memory_space<vmem>>, vector<16xf32>,
        %get3A_1043 = arith.index_cast %add3A_1034 : i32 to index
        %get3A_1044 = arith.constant 0 : index
        %get3A_1045 = tpu.vector_load %arg19[%get3A_1043, %get3A_1044] {strides = array<i32>} : memref<128x32xf32, #tpu.memory_space<vmem>>, vector<16xf32>,
        %get3A_1046 = arith.index_cast %add3A_1034 : i32 to index
        %get3A_1047 = arith.constant 0 : index
        %get3A_1048 = tpu.vector_load %arg20[%get3A_1046, %get3A_1047] {strides = array<i32>} : memref<128x32xf32, #tpu.memory_space<vmem>>, vector<16xf32>,
        %get3A_1049 = arith.index_cast %add3A_1034 : i32 to index
        %get3A_1050 = arith.constant 0 : index
        %get3A_1051 = tpu.vector_load %arg23[%get3A_1049, %get3A_1050] {strides = array<i32>} : memref<128x32xf32, #tpu.memory_space<vmem>>, vector<16xf32>,
        %get3A_1052 = arith.index_cast %add3A_1034 : i32 to index
        %get3A_1053 = arith.constant 0 : index
        %get3A_1054 = tpu.vector_load %arg24[%get3A_1052, %get3A_1053] {strides = array<i32>} : memref<128x32xf32, #tpu.memory_space<vmem>>, vector<16xf32>,
        %sub3A_1055 = arith.subf %get3A_1039, %get3A_1045 : vector<16xf32>
        %mul3A_1056 = arith.mulf %sub3A_1055, %get3A_1051 : vector<16xf32>
        %sub3A_1057 = arith.subf %get3A_1042, %get3A_1048 : vector<16xf32>
        %mul3A_1058 = arith.mulf %sub3A_1057, %get3A_1054 : vector<16xf32>
        %sub3A_1059 = arith.subf %mul3A_1056, %mul3A_1058 : vector<16xf32>
        %get3A_1060 = arith.index_cast %add3A_1034 : i32 to index
        %get3A_1061 = arith.constant 0 : index
        %get3A_1062 = tpu.vector_load %arg21[%get3A_1060, %get3A_1061] {strides = array<i32>} : memref<128x32xf32, #tpu.memory_space<vmem>>, vector<16xf32>,
        %add3A_1063 = arith.addf %sub3A_1059, %get3A_1062 : vector<16xf32>
        %add3A_1064 = arith.addf %get3A_1039, %get3A_1045 : vector<16xf32>
        %mul3A_1065 = arith.mulf %add3A_1064, %get3A_1054 : vector<16xf32>
        %add3A_1066 = arith.addf %get3A_1042, %get3A_1048 : vector<16xf32>
        %mul3A_1067 = arith.mulf %add3A_1066, %get3A_1051 : vector<16xf32>
        %add3A_1068 = arith.addf %mul3A_1065, %mul3A_1067 : vector<16xf32>
        %get3A_1069 = arith.index_cast %add3A_1034 : i32 to index
        %get3A_1070 = arith.constant 0 : index
        %get3A_1071 = tpu.vector_load %arg22[%get3A_1069, %get3A_1070] {strides = array<i32>} : memref<128x32xf32, #tpu.memory_space<vmem>>, vector<16xf32>,
        %add3A_1072 = arith.addf %add3A_1068, %get3A_1071 : vector<16xf32>
        %abs3A_1073 = math.absf %add3A_1063 : vector<16xf32>
        %add3A_1074 = arith.addf %broadcast_in_dim3A_1036, %abs3A_1073 : vector<16xf32>
        %abs3A_1075 = math.absf %add3A_1072 : vector<16xf32>
        %add3A_1076 = arith.addf %add3A_1074, %abs3A_1075 : vector<16xf32>
        %get3A_1077 = arith.index_cast %add3A_1034 : i32 to index
        %get3A_1078 = arith.constant 16 : index
        %get3A_1079 = tpu.vector_load %arg17[%get3A_1077, %get3A_1078] {strides = array<i32>} : memref<128x32xf32, #tpu.memory_space<vmem>>, vector<16xf32>,
        %get3A_1080 = arith.index_cast %add3A_1034 : i32 to index
        %get3A_1081 = arith.constant 16 : index
        %get3A_1082 = tpu.vector_load %arg18[%get3A_1080, %get3A_1081] {strides = array<i32>} : memref<128x32xf32, #tpu.memory_space<vmem>>, vector<16xf32>,
        %get3A_1083 = arith.index_cast %add3A_1034 : i32 to index
        %get3A_1084 = arith.constant 16 : index
        %get3A_1085 = tpu.vector_load %arg19[%get3A_1083, %get3A_1084] {strides = array<i32>} : memref<128x32xf32, #tpu.memory_space<vmem>>, vector<16xf32>,
        %get3A_1086 = arith.index_cast %add3A_1034 : i32 to index
        %get3A_1087 = arith.constant 16 : index
        %get3A_1088 = tpu.vector_load %arg20[%get3A_1086, %get3A_1087] {strides = array<i32>} : memref<128x32xf32, #tpu.memory_space<vmem>>, vector<16xf32>,
        %get3A_1089 = arith.index_cast %add3A_1034 : i32 to index
        %get3A_1090 = arith.constant 16 : index
        %get3A_1091 = tpu.vector_load %arg23[%get3A_1089, %get3A_1090] {strides = array<i32>} : memref<128x32xf32, #tpu.memory_space<vmem>>, vector<16xf32>,
        %get3A_1092 = arith.index_cast %add3A_1034 : i32 to index
        %get3A_1093 = arith.constant 16 : index
        %get3A_1094 = tpu.vector_load %arg24[%get3A_1092, %get3A_1093] {strides = array<i32>} : memref<128x32xf32, #tpu.memory_space<vmem>>, vector<16xf32>,
        %sub3A_1095 = arith.subf %get3A_1079, %get3A_1085 : vector<16xf32>
        %mul3A_1096 = arith.mulf %sub3A_1095, %get3A_1091 : vector<16xf32>
        %sub3A_1097 = arith.subf %get3A_1082, %get3A_1088 : vector<16xf32>
        %mul3A_1098 = arith.mulf %sub3A_1097, %get3A_1094 : vector<16xf32>
        %sub3A_1099 = arith.subf %mul3A_1096, %mul3A_1098 : vector<16xf32>
        %get3A_1100 = arith.index_cast %add3A_1034 : i32 to index
        %get3A_1101 = arith.constant 16 : index
        %get3A_1102 = tpu.vector_load %arg21[%get3A_1100, %get3A_1101] {strides = array<i32>} : memref<128x32xf32, #tpu.memory_space<vmem>>, vector<16xf32>,
        %add3A_1103 = arith.addf %sub3A_1099, %get3A_1102 : vector<16xf32>
        %add3A_1104 = arith.addf %get3A_1079, %get3A_1085 : vector<16xf32>
        %mul3A_1105 = arith.mulf %add3A_1104, %get3A_1094 : vector<16xf32>
        %add3A_1106 = arith.addf %get3A_1082, %get3A_1088 : vector<16xf32>
        %mul3A_1107 = arith.mulf %add3A_1106, %get3A_1091 : vector<16xf32>
        %add3A_1108 = arith.addf %mul3A_1105, %mul3A_1107 : vector<16xf32>
        %get3A_1109 = arith.index_cast %add3A_1034 : i32 to index
        %get3A_1110 = arith.constant 16 : index
        %get3A_1111 = tpu.vector_load %arg22[%get3A_1109, %get3A_1110] {strides = array<i32>} : memref<128x32xf32, #tpu.memory_space<vmem>>, vector<16xf32>,
        %add3A_1112 = arith.addf %add3A_1108, %get3A_1111 : vector<16xf32>
        %abs3A_1113 = math.absf %add3A_1103 : vector<16xf32>
        %add3A_1114 = arith.addf %add3A_1076, %abs3A_1113 : vector<16xf32>
        %abs3A_1115 = math.absf %add3A_1112 : vector<16xf32>
        %add3A_1116 = arith.addf %add3A_1114, %abs3A_1115 : vector<16xf32>
        %reduce_sum3A_1117 = arith.constant true
        %reduce_sum3A_1118 = vector.broadcast %reduce_sum3A_1117 : i1 to vector<16xi1>
        %reduce_sum3A_1119 = tpu.scan <sum>, %add3A_1116 masked %reduce_sum3A_1118 : vector<16xf32>, vector<16xi1> -> vector<16xf32>
        %reduce_sum3A_1120 = vector.extract %reduce_sum3A_1119[15] : f32 from vector<16xf32>
        %eq3A_1121 = arith.constant 10 : i32
        %eq3A_1122 = vector.broadcast %eq3A_1121 : i32 to vector<16xi32>
        %eq3A_1123 = arith.cmpi eq, %iota3A, %eq3A_1122 : vector<16xi32>
        %broadcast_in_dim3A_1124 = vector.broadcast %reduce_sum3A_1120 : f32 to vector<16xf32>
        %select_n3A_1125 = arith.select %eq3A_1123, %broadcast_in_dim3A_1124, %select_n3A_1030 : vector<16xi1>, vector<16xf32>
        %mul3A_1126 = arith.constant 16 : i32
        %mul3A_1127 = arith.muli %add3A_85, %mul3A_1126 : i32
        %add3A_1128 = arith.constant 11 : i32
        %add3A_1129 = arith.addi %mul3A_1127, %add3A_1128 : i32
        %broadcast_in_dim3A_1130 = arith.constant 0.000000e+00 : f32
        %broadcast_in_dim3A_1131 = vector.broadcast %broadcast_in_dim3A_1130 : f32 to vector<16xf32>
        %get3A_1132 = arith.index_cast %add3A_1129 : i32 to index
        %get3A_1133 = arith.constant 0 : index
        %get3A_1134 = tpu.vector_load %arg17[%get3A_1132, %get3A_1133] {strides = array<i32>} : memref<128x32xf32, #tpu.memory_space<vmem>>, vector<16xf32>,
        %get3A_1135 = arith.index_cast %add3A_1129 : i32 to index
        %get3A_1136 = arith.constant 0 : index
        %get3A_1137 = tpu.vector_load %arg18[%get3A_1135, %get3A_1136] {strides = array<i32>} : memref<128x32xf32, #tpu.memory_space<vmem>>, vector<16xf32>,
        %get3A_1138 = arith.index_cast %add3A_1129 : i32 to index
        %get3A_1139 = arith.constant 0 : index
        %get3A_1140 = tpu.vector_load %arg19[%get3A_1138, %get3A_1139] {strides = array<i32>} : memref<128x32xf32, #tpu.memory_space<vmem>>, vector<16xf32>,
        %get3A_1141 = arith.index_cast %add3A_1129 : i32 to index
        %get3A_1142 = arith.constant 0 : index
        %get3A_1143 = tpu.vector_load %arg20[%get3A_1141, %get3A_1142] {strides = array<i32>} : memref<128x32xf32, #tpu.memory_space<vmem>>, vector<16xf32>,
        %get3A_1144 = arith.index_cast %add3A_1129 : i32 to index
        %get3A_1145 = arith.constant 0 : index
        %get3A_1146 = tpu.vector_load %arg23[%get3A_1144, %get3A_1145] {strides = array<i32>} : memref<128x32xf32, #tpu.memory_space<vmem>>, vector<16xf32>,
        %get3A_1147 = arith.index_cast %add3A_1129 : i32 to index
        %get3A_1148 = arith.constant 0 : index
        %get3A_1149 = tpu.vector_load %arg24[%get3A_1147, %get3A_1148] {strides = array<i32>} : memref<128x32xf32, #tpu.memory_space<vmem>>, vector<16xf32>,
        %sub3A_1150 = arith.subf %get3A_1134, %get3A_1140 : vector<16xf32>
        %mul3A_1151 = arith.mulf %sub3A_1150, %get3A_1146 : vector<16xf32>
        %sub3A_1152 = arith.subf %get3A_1137, %get3A_1143 : vector<16xf32>
        %mul3A_1153 = arith.mulf %sub3A_1152, %get3A_1149 : vector<16xf32>
        %sub3A_1154 = arith.subf %mul3A_1151, %mul3A_1153 : vector<16xf32>
        %get3A_1155 = arith.index_cast %add3A_1129 : i32 to index
        %get3A_1156 = arith.constant 0 : index
        %get3A_1157 = tpu.vector_load %arg21[%get3A_1155, %get3A_1156] {strides = array<i32>} : memref<128x32xf32, #tpu.memory_space<vmem>>, vector<16xf32>,
        %add3A_1158 = arith.addf %sub3A_1154, %get3A_1157 : vector<16xf32>
        %add3A_1159 = arith.addf %get3A_1134, %get3A_1140 : vector<16xf32>
        %mul3A_1160 = arith.mulf %add3A_1159, %get3A_1149 : vector<16xf32>
        %add3A_1161 = arith.addf %get3A_1137, %get3A_1143 : vector<16xf32>
        %mul3A_1162 = arith.mulf %add3A_1161, %get3A_1146 : vector<16xf32>
        %add3A_1163 = arith.addf %mul3A_1160, %mul3A_1162 : vector<16xf32>
        %get3A_1164 = arith.index_cast %add3A_1129 : i32 to index
        %get3A_1165 = arith.constant 0 : index
        %get3A_1166 = tpu.vector_load %arg22[%get3A_1164, %get3A_1165] {strides = array<i32>} : memref<128x32xf32, #tpu.memory_space<vmem>>, vector<16xf32>,
        %add3A_1167 = arith.addf %add3A_1163, %get3A_1166 : vector<16xf32>
        %abs3A_1168 = math.absf %add3A_1158 : vector<16xf32>
        %add3A_1169 = arith.addf %broadcast_in_dim3A_1131, %abs3A_1168 : vector<16xf32>
        %abs3A_1170 = math.absf %add3A_1167 : vector<16xf32>
        %add3A_1171 = arith.addf %add3A_1169, %abs3A_1170 : vector<16xf32>
        %get3A_1172 = arith.index_cast %add3A_1129 : i32 to index
        %get3A_1173 = arith.constant 16 : index
        %get3A_1174 = tpu.vector_load %arg17[%get3A_1172, %get3A_1173] {strides = array<i32>} : memref<128x32xf32, #tpu.memory_space<vmem>>, vector<16xf32>,
        %get3A_1175 = arith.index_cast %add3A_1129 : i32 to index
        %get3A_1176 = arith.constant 16 : index
        %get3A_1177 = tpu.vector_load %arg18[%get3A_1175, %get3A_1176] {strides = array<i32>} : memref<128x32xf32, #tpu.memory_space<vmem>>, vector<16xf32>,
        %get3A_1178 = arith.index_cast %add3A_1129 : i32 to index
        %get3A_1179 = arith.constant 16 : index
        %get3A_1180 = tpu.vector_load %arg19[%get3A_1178, %get3A_1179] {strides = array<i32>} : memref<128x32xf32, #tpu.memory_space<vmem>>, vector<16xf32>,
        %get3A_1181 = arith.index_cast %add3A_1129 : i32 to index
        %get3A_1182 = arith.constant 16 : index
        %get3A_1183 = tpu.vector_load %arg20[%get3A_1181, %get3A_1182] {strides = array<i32>} : memref<128x32xf32, #tpu.memory_space<vmem>>, vector<16xf32>,
        %get3A_1184 = arith.index_cast %add3A_1129 : i32 to index
        %get3A_1185 = arith.constant 16 : index
        %get3A_1186 = tpu.vector_load %arg23[%get3A_1184, %get3A_1185] {strides = array<i32>} : memref<128x32xf32, #tpu.memory_space<vmem>>, vector<16xf32>,
        %get3A_1187 = arith.index_cast %add3A_1129 : i32 to index
        %get3A_1188 = arith.constant 16 : index
        %get3A_1189 = tpu.vector_load %arg24[%get3A_1187, %get3A_1188] {strides = array<i32>} : memref<128x32xf32, #tpu.memory_space<vmem>>, vector<16xf32>,
        %sub3A_1190 = arith.subf %get3A_1174, %get3A_1180 : vector<16xf32>
        %mul3A_1191 = arith.mulf %sub3A_1190, %get3A_1186 : vector<16xf32>
        %sub3A_1192 = arith.subf %get3A_1177, %get3A_1183 : vector<16xf32>
        %mul3A_1193 = arith.mulf %sub3A_1192, %get3A_1189 : vector<16xf32>
        %sub3A_1194 = arith.subf %mul3A_1191, %mul3A_1193 : vector<16xf32>
        %get3A_1195 = arith.index_cast %add3A_1129 : i32 to index
        %get3A_1196 = arith.constant 16 : index
        %get3A_1197 = tpu.vector_load %arg21[%get3A_1195, %get3A_1196] {strides = array<i32>} : memref<128x32xf32, #tpu.memory_space<vmem>>, vector<16xf32>,
        %add3A_1198 = arith.addf %sub3A_1194, %get3A_1197 : vector<16xf32>
        %add3A_1199 = arith.addf %get3A_1174, %get3A_1180 : vector<16xf32>
        %mul3A_1200 = arith.mulf %add3A_1199, %get3A_1189 : vector<16xf32>
        %add3A_1201 = arith.addf %get3A_1177, %get3A_1183 : vector<16xf32>
        %mul3A_1202 = arith.mulf %add3A_1201, %get3A_1186 : vector<16xf32>
        %add3A_1203 = arith.addf %mul3A_1200, %mul3A_1202 : vector<16xf32>
        %get3A_1204 = arith.index_cast %add3A_1129 : i32 to index
        %get3A_1205 = arith.constant 16 : index
        %get3A_1206 = tpu.vector_load %arg22[%get3A_1204, %get3A_1205] {strides = array<i32>} : memref<128x32xf32, #tpu.memory_space<vmem>>, vector<16xf32>,
        %add3A_1207 = arith.addf %add3A_1203, %get3A_1206 : vector<16xf32>
        %abs3A_1208 = math.absf %add3A_1198 : vector<16xf32>
        %add3A_1209 = arith.addf %add3A_1171, %abs3A_1208 : vector<16xf32>
        %abs3A_1210 = math.absf %add3A_1207 : vector<16xf32>
        %add3A_1211 = arith.addf %add3A_1209, %abs3A_1210 : vector<16xf32>
        %reduce_sum3A_1212 = arith.constant true
        %reduce_sum3A_1213 = vector.broadcast %reduce_sum3A_1212 : i1 to vector<16xi1>
        %reduce_sum3A_1214 = tpu.scan <sum>, %add3A_1211 masked %reduce_sum3A_1213 : vector<16xf32>, vector<16xi1> -> vector<16xf32>
        %reduce_sum3A_1215 = vector.extract %reduce_sum3A_1214[15] : f32 from vector<16xf32>
        %eq3A_1216 = arith.constant 11 : i32
        %eq3A_1217 = vector.broadcast %eq3A_1216 : i32 to vector<16xi32>
        %eq3A_1218 = arith.cmpi eq, %iota3A, %eq3A_1217 : vector<16xi32>
        %broadcast_in_dim3A_1219 = vector.broadcast %reduce_sum3A_1215 : f32 to vector<16xf32>
        %select_n3A_1220 = arith.select %eq3A_1218, %broadcast_in_dim3A_1219, %select_n3A_1125 : vector<16xi1>, vector<16xf32>
        %mul3A_1221 = arith.constant 16 : i32
        %mul3A_1222 = arith.muli %add3A_85, %mul3A_1221 : i32
        %add3A_1223 = arith.constant 12 : i32
        %add3A_1224 = arith.addi %mul3A_1222, %add3A_1223 : i32
        %broadcast_in_dim3A_1225 = arith.constant 0.000000e+00 : f32
        %broadcast_in_dim3A_1226 = vector.broadcast %broadcast_in_dim3A_1225 : f32 to vector<16xf32>
        %get3A_1227 = arith.index_cast %add3A_1224 : i32 to index
        %get3A_1228 = arith.constant 0 : index
        %get3A_1229 = tpu.vector_load %arg17[%get3A_1227, %get3A_1228] {strides = array<i32>} : memref<128x32xf32, #tpu.memory_space<vmem>>, vector<16xf32>,
        %get3A_1230 = arith.index_cast %add3A_1224 : i32 to index
        %get3A_1231 = arith.constant 0 : index
        %get3A_1232 = tpu.vector_load %arg18[%get3A_1230, %get3A_1231] {strides = array<i32>} : memref<128x32xf32, #tpu.memory_space<vmem>>, vector<16xf32>,
        %get3A_1233 = arith.index_cast %add3A_1224 : i32 to index
        %get3A_1234 = arith.constant 0 : index
        %get3A_1235 = tpu.vector_load %arg19[%get3A_1233, %get3A_1234] {strides = array<i32>} : memref<128x32xf32, #tpu.memory_space<vmem>>, vector<16xf32>,
        %get3A_1236 = arith.index_cast %add3A_1224 : i32 to index
        %get3A_1237 = arith.constant 0 : index
        %get3A_1238 = tpu.vector_load %arg20[%get3A_1236, %get3A_1237] {strides = array<i32>} : memref<128x32xf32, #tpu.memory_space<vmem>>, vector<16xf32>,
        %get3A_1239 = arith.index_cast %add3A_1224 : i32 to index
        %get3A_1240 = arith.constant 0 : index
        %get3A_1241 = tpu.vector_load %arg23[%get3A_1239, %get3A_1240] {strides = array<i32>} : memref<128x32xf32, #tpu.memory_space<vmem>>, vector<16xf32>,
        %get3A_1242 = arith.index_cast %add3A_1224 : i32 to index
        %get3A_1243 = arith.constant 0 : index
        %get3A_1244 = tpu.vector_load %arg24[%get3A_1242, %get3A_1243] {strides = array<i32>} : memref<128x32xf32, #tpu.memory_space<vmem>>, vector<16xf32>,
        %sub3A_1245 = arith.subf %get3A_1229, %get3A_1235 : vector<16xf32>
        %mul3A_1246 = arith.mulf %sub3A_1245, %get3A_1241 : vector<16xf32>
        %sub3A_1247 = arith.subf %get3A_1232, %get3A_1238 : vector<16xf32>
        %mul3A_1248 = arith.mulf %sub3A_1247, %get3A_1244 : vector<16xf32>
        %sub3A_1249 = arith.subf %mul3A_1246, %mul3A_1248 : vector<16xf32>
        %get3A_1250 = arith.index_cast %add3A_1224 : i32 to index
        %get3A_1251 = arith.constant 0 : index
        %get3A_1252 = tpu.vector_load %arg21[%get3A_1250, %get3A_1251] {strides = array<i32>} : memref<128x32xf32, #tpu.memory_space<vmem>>, vector<16xf32>,
        %add3A_1253 = arith.addf %sub3A_1249, %get3A_1252 : vector<16xf32>
        %add3A_1254 = arith.addf %get3A_1229, %get3A_1235 : vector<16xf32>
        %mul3A_1255 = arith.mulf %add3A_1254, %get3A_1244 : vector<16xf32>
        %add3A_1256 = arith.addf %get3A_1232, %get3A_1238 : vector<16xf32>
        %mul3A_1257 = arith.mulf %add3A_1256, %get3A_1241 : vector<16xf32>
        %add3A_1258 = arith.addf %mul3A_1255, %mul3A_1257 : vector<16xf32>
        %get3A_1259 = arith.index_cast %add3A_1224 : i32 to index
        %get3A_1260 = arith.constant 0 : index
        %get3A_1261 = tpu.vector_load %arg22[%get3A_1259, %get3A_1260] {strides = array<i32>} : memref<128x32xf32, #tpu.memory_space<vmem>>, vector<16xf32>,
        %add3A_1262 = arith.addf %add3A_1258, %get3A_1261 : vector<16xf32>
        %abs3A_1263 = math.absf %add3A_1253 : vector<16xf32>
        %add3A_1264 = arith.addf %broadcast_in_dim3A_1226, %abs3A_1263 : vector<16xf32>
        %abs3A_1265 = math.absf %add3A_1262 : vector<16xf32>
        %add3A_1266 = arith.addf %add3A_1264, %abs3A_1265 : vector<16xf32>
        %get3A_1267 = arith.index_cast %add3A_1224 : i32 to index
        %get3A_1268 = arith.constant 16 : index
        %get3A_1269 = tpu.vector_load %arg17[%get3A_1267, %get3A_1268] {strides = array<i32>} : memref<128x32xf32, #tpu.memory_space<vmem>>, vector<16xf32>,
        %get3A_1270 = arith.index_cast %add3A_1224 : i32 to index
        %get3A_1271 = arith.constant 16 : index
        %get3A_1272 = tpu.vector_load %arg18[%get3A_1270, %get3A_1271] {strides = array<i32>} : memref<128x32xf32, #tpu.memory_space<vmem>>, vector<16xf32>,
        %get3A_1273 = arith.index_cast %add3A_1224 : i32 to index
        %get3A_1274 = arith.constant 16 : index
        %get3A_1275 = tpu.vector_load %arg19[%get3A_1273, %get3A_1274] {strides = array<i32>} : memref<128x32xf32, #tpu.memory_space<vmem>>, vector<16xf32>,
        %get3A_1276 = arith.index_cast %add3A_1224 : i32 to index
        %get3A_1277 = arith.constant 16 : index
        %get3A_1278 = tpu.vector_load %arg20[%get3A_1276, %get3A_1277] {strides = array<i32>} : memref<128x32xf32, #tpu.memory_space<vmem>>, vector<16xf32>,
        %get3A_1279 = arith.index_cast %add3A_1224 : i32 to index
        %get3A_1280 = arith.constant 16 : index
        %get3A_1281 = tpu.vector_load %arg23[%get3A_1279, %get3A_1280] {strides = array<i32>} : memref<128x32xf32, #tpu.memory_space<vmem>>, vector<16xf32>,
        %get3A_1282 = arith.index_cast %add3A_1224 : i32 to index
        %get3A_1283 = arith.constant 16 : index
        %get3A_1284 = tpu.vector_load %arg24[%get3A_1282, %get3A_1283] {strides = array<i32>} : memref<128x32xf32, #tpu.memory_space<vmem>>, vector<16xf32>,
        %sub3A_1285 = arith.subf %get3A_1269, %get3A_1275 : vector<16xf32>
        %mul3A_1286 = arith.mulf %sub3A_1285, %get3A_1281 : vector<16xf32>
        %sub3A_1287 = arith.subf %get3A_1272, %get3A_1278 : vector<16xf32>
        %mul3A_1288 = arith.mulf %sub3A_1287, %get3A_1284 : vector<16xf32>
        %sub3A_1289 = arith.subf %mul3A_1286, %mul3A_1288 : vector<16xf32>
        %get3A_1290 = arith.index_cast %add3A_1224 : i32 to index
        %get3A_1291 = arith.constant 16 : index
        %get3A_1292 = tpu.vector_load %arg21[%get3A_1290, %get3A_1291] {strides = array<i32>} : memref<128x32xf32, #tpu.memory_space<vmem>>, vector<16xf32>,
        %add3A_1293 = arith.addf %sub3A_1289, %get3A_1292 : vector<16xf32>
        %add3A_1294 = arith.addf %get3A_1269, %get3A_1275 : vector<16xf32>
        %mul3A_1295 = arith.mulf %add3A_1294, %get3A_1284 : vector<16xf32>
        %add3A_1296 = arith.addf %get3A_1272, %get3A_1278 : vector<16xf32>
        %mul3A_1297 = arith.mulf %add3A_1296, %get3A_1281 : vector<16xf32>
        %add3A_1298 = arith.addf %mul3A_1295, %mul3A_1297 : vector<16xf32>
        %get3A_1299 = arith.index_cast %add3A_1224 : i32 to index
        %get3A_1300 = arith.constant 16 : index
        %get3A_1301 = tpu.vector_load %arg22[%get3A_1299, %get3A_1300] {strides = array<i32>} : memref<128x32xf32, #tpu.memory_space<vmem>>, vector<16xf32>,
        %add3A_1302 = arith.addf %add3A_1298, %get3A_1301 : vector<16xf32>
        %abs3A_1303 = math.absf %add3A_1293 : vector<16xf32>
        %add3A_1304 = arith.addf %add3A_1266, %abs3A_1303 : vector<16xf32>
        %abs3A_1305 = math.absf %add3A_1302 : vector<16xf32>
        %add3A_1306 = arith.addf %add3A_1304, %abs3A_1305 : vector<16xf32>
        %reduce_sum3A_1307 = arith.constant true
        %reduce_sum3A_1308 = vector.broadcast %reduce_sum3A_1307 : i1 to vector<16xi1>
        %reduce_sum3A_1309 = tpu.scan <sum>, %add3A_1306 masked %reduce_sum3A_1308 : vector<16xf32>, vector<16xi1> -> vector<16xf32>
        %reduce_sum3A_1310 = vector.extract %reduce_sum3A_1309[15] : f32 from vector<16xf32>
        %eq3A_1311 = arith.constant 12 : i32
        %eq3A_1312 = vector.broadcast %eq3A_1311 : i32 to vector<16xi32>
        %eq3A_1313 = arith.cmpi eq, %iota3A, %eq3A_1312 : vector<16xi32>
        %broadcast_in_dim3A_1314 = vector.broadcast %reduce_sum3A_1310 : f32 to vector<16xf32>
        %select_n3A_1315 = arith.select %eq3A_1313, %broadcast_in_dim3A_1314, %select_n3A_1220 : vector<16xi1>, vector<16xf32>
        %mul3A_1316 = arith.constant 16 : i32
        %mul3A_1317 = arith.muli %add3A_85, %mul3A_1316 : i32
        %add3A_1318 = arith.constant 13 : i32
        %add3A_1319 = arith.addi %mul3A_1317, %add3A_1318 : i32
        %broadcast_in_dim3A_1320 = arith.constant 0.000000e+00 : f32
        %broadcast_in_dim3A_1321 = vector.broadcast %broadcast_in_dim3A_1320 : f32 to vector<16xf32>
        %get3A_1322 = arith.index_cast %add3A_1319 : i32 to index
        %get3A_1323 = arith.constant 0 : index
        %get3A_1324 = tpu.vector_load %arg17[%get3A_1322, %get3A_1323] {strides = array<i32>} : memref<128x32xf32, #tpu.memory_space<vmem>>, vector<16xf32>,
        %get3A_1325 = arith.index_cast %add3A_1319 : i32 to index
        %get3A_1326 = arith.constant 0 : index
        %get3A_1327 = tpu.vector_load %arg18[%get3A_1325, %get3A_1326] {strides = array<i32>} : memref<128x32xf32, #tpu.memory_space<vmem>>, vector<16xf32>,
        %get3A_1328 = arith.index_cast %add3A_1319 : i32 to index
        %get3A_1329 = arith.constant 0 : index
        %get3A_1330 = tpu.vector_load %arg19[%get3A_1328, %get3A_1329] {strides = array<i32>} : memref<128x32xf32, #tpu.memory_space<vmem>>, vector<16xf32>,
        %get3A_1331 = arith.index_cast %add3A_1319 : i32 to index
        %get3A_1332 = arith.constant 0 : index
        %get3A_1333 = tpu.vector_load %arg20[%get3A_1331, %get3A_1332] {strides = array<i32>} : memref<128x32xf32, #tpu.memory_space<vmem>>, vector<16xf32>,
        %get3A_1334 = arith.index_cast %add3A_1319 : i32 to index
        %get3A_1335 = arith.constant 0 : index
        %get3A_1336 = tpu.vector_load %arg23[%get3A_1334, %get3A_1335] {strides = array<i32>} : memref<128x32xf32, #tpu.memory_space<vmem>>, vector<16xf32>,
        %get3A_1337 = arith.index_cast %add3A_1319 : i32 to index
        %get3A_1338 = arith.constant 0 : index
        %get3A_1339 = tpu.vector_load %arg24[%get3A_1337, %get3A_1338] {strides = array<i32>} : memref<128x32xf32, #tpu.memory_space<vmem>>, vector<16xf32>,
        %sub3A_1340 = arith.subf %get3A_1324, %get3A_1330 : vector<16xf32>
        %mul3A_1341 = arith.mulf %sub3A_1340, %get3A_1336 : vector<16xf32>
        %sub3A_1342 = arith.subf %get3A_1327, %get3A_1333 : vector<16xf32>
        %mul3A_1343 = arith.mulf %sub3A_1342, %get3A_1339 : vector<16xf32>
        %sub3A_1344 = arith.subf %mul3A_1341, %mul3A_1343 : vector<16xf32>
        %get3A_1345 = arith.index_cast %add3A_1319 : i32 to index
        %get3A_1346 = arith.constant 0 : index
        %get3A_1347 = tpu.vector_load %arg21[%get3A_1345, %get3A_1346] {strides = array<i32>} : memref<128x32xf32, #tpu.memory_space<vmem>>, vector<16xf32>,
        %add3A_1348 = arith.addf %sub3A_1344, %get3A_1347 : vector<16xf32>
        %add3A_1349 = arith.addf %get3A_1324, %get3A_1330 : vector<16xf32>
        %mul3A_1350 = arith.mulf %add3A_1349, %get3A_1339 : vector<16xf32>
        %add3A_1351 = arith.addf %get3A_1327, %get3A_1333 : vector<16xf32>
        %mul3A_1352 = arith.mulf %add3A_1351, %get3A_1336 : vector<16xf32>
        %add3A_1353 = arith.addf %mul3A_1350, %mul3A_1352 : vector<16xf32>
        %get3A_1354 = arith.index_cast %add3A_1319 : i32 to index
        %get3A_1355 = arith.constant 0 : index
        %get3A_1356 = tpu.vector_load %arg22[%get3A_1354, %get3A_1355] {strides = array<i32>} : memref<128x32xf32, #tpu.memory_space<vmem>>, vector<16xf32>,
        %add3A_1357 = arith.addf %add3A_1353, %get3A_1356 : vector<16xf32>
        %abs3A_1358 = math.absf %add3A_1348 : vector<16xf32>
        %add3A_1359 = arith.addf %broadcast_in_dim3A_1321, %abs3A_1358 : vector<16xf32>
        %abs3A_1360 = math.absf %add3A_1357 : vector<16xf32>
        %add3A_1361 = arith.addf %add3A_1359, %abs3A_1360 : vector<16xf32>
        %get3A_1362 = arith.index_cast %add3A_1319 : i32 to index
        %get3A_1363 = arith.constant 16 : index
        %get3A_1364 = tpu.vector_load %arg17[%get3A_1362, %get3A_1363] {strides = array<i32>} : memref<128x32xf32, #tpu.memory_space<vmem>>, vector<16xf32>,
        %get3A_1365 = arith.index_cast %add3A_1319 : i32 to index
        %get3A_1366 = arith.constant 16 : index
        %get3A_1367 = tpu.vector_load %arg18[%get3A_1365, %get3A_1366] {strides = array<i32>} : memref<128x32xf32, #tpu.memory_space<vmem>>, vector<16xf32>,
        %get3A_1368 = arith.index_cast %add3A_1319 : i32 to index
        %get3A_1369 = arith.constant 16 : index
        %get3A_1370 = tpu.vector_load %arg19[%get3A_1368, %get3A_1369] {strides = array<i32>} : memref<128x32xf32, #tpu.memory_space<vmem>>, vector<16xf32>,
        %get3A_1371 = arith.index_cast %add3A_1319 : i32 to index
        %get3A_1372 = arith.constant 16 : index
        %get3A_1373 = tpu.vector_load %arg20[%get3A_1371, %get3A_1372] {strides = array<i32>} : memref<128x32xf32, #tpu.memory_space<vmem>>, vector<16xf32>,
        %get3A_1374 = arith.index_cast %add3A_1319 : i32 to index
        %get3A_1375 = arith.constant 16 : index
        %get3A_1376 = tpu.vector_load %arg23[%get3A_1374, %get3A_1375] {strides = array<i32>} : memref<128x32xf32, #tpu.memory_space<vmem>>, vector<16xf32>,
        %get3A_1377 = arith.index_cast %add3A_1319 : i32 to index
        %get3A_1378 = arith.constant 16 : index
        %get3A_1379 = tpu.vector_load %arg24[%get3A_1377, %get3A_1378] {strides = array<i32>} : memref<128x32xf32, #tpu.memory_space<vmem>>, vector<16xf32>,
        %sub3A_1380 = arith.subf %get3A_1364, %get3A_1370 : vector<16xf32>
        %mul3A_1381 = arith.mulf %sub3A_1380, %get3A_1376 : vector<16xf32>
        %sub3A_1382 = arith.subf %get3A_1367, %get3A_1373 : vector<16xf32>
        %mul3A_1383 = arith.mulf %sub3A_1382, %get3A_1379 : vector<16xf32>
        %sub3A_1384 = arith.subf %mul3A_1381, %mul3A_1383 : vector<16xf32>
        %get3A_1385 = arith.index_cast %add3A_1319 : i32 to index
        %get3A_1386 = arith.constant 16 : index
        %get3A_1387 = tpu.vector_load %arg21[%get3A_1385, %get3A_1386] {strides = array<i32>} : memref<128x32xf32, #tpu.memory_space<vmem>>, vector<16xf32>,
        %add3A_1388 = arith.addf %sub3A_1384, %get3A_1387 : vector<16xf32>
        %add3A_1389 = arith.addf %get3A_1364, %get3A_1370 : vector<16xf32>
        %mul3A_1390 = arith.mulf %add3A_1389, %get3A_1379 : vector<16xf32>
        %add3A_1391 = arith.addf %get3A_1367, %get3A_1373 : vector<16xf32>
        %mul3A_1392 = arith.mulf %add3A_1391, %get3A_1376 : vector<16xf32>
        %add3A_1393 = arith.addf %mul3A_1390, %mul3A_1392 : vector<16xf32>
        %get3A_1394 = arith.index_cast %add3A_1319 : i32 to index
        %get3A_1395 = arith.constant 16 : index
        %get3A_1396 = tpu.vector_load %arg22[%get3A_1394, %get3A_1395] {strides = array<i32>} : memref<128x32xf32, #tpu.memory_space<vmem>>, vector<16xf32>,
        %add3A_1397 = arith.addf %add3A_1393, %get3A_1396 : vector<16xf32>
        %abs3A_1398 = math.absf %add3A_1388 : vector<16xf32>
        %add3A_1399 = arith.addf %add3A_1361, %abs3A_1398 : vector<16xf32>
        %abs3A_1400 = math.absf %add3A_1397 : vector<16xf32>
        %add3A_1401 = arith.addf %add3A_1399, %abs3A_1400 : vector<16xf32>
        %reduce_sum3A_1402 = arith.constant true
        %reduce_sum3A_1403 = vector.broadcast %reduce_sum3A_1402 : i1 to vector<16xi1>
        %reduce_sum3A_1404 = tpu.scan <sum>, %add3A_1401 masked %reduce_sum3A_1403 : vector<16xf32>, vector<16xi1> -> vector<16xf32>
        %reduce_sum3A_1405 = vector.extract %reduce_sum3A_1404[15] : f32 from vector<16xf32>
        %eq3A_1406 = arith.constant 13 : i32
        %eq3A_1407 = vector.broadcast %eq3A_1406 : i32 to vector<16xi32>
        %eq3A_1408 = arith.cmpi eq, %iota3A, %eq3A_1407 : vector<16xi32>
        %broadcast_in_dim3A_1409 = vector.broadcast %reduce_sum3A_1405 : f32 to vector<16xf32>
        %select_n3A_1410 = arith.select %eq3A_1408, %broadcast_in_dim3A_1409, %select_n3A_1315 : vector<16xi1>, vector<16xf32>
        %mul3A_1411 = arith.constant 16 : i32
        %mul3A_1412 = arith.muli %add3A_85, %mul3A_1411 : i32
        %add3A_1413 = arith.constant 14 : i32
        %add3A_1414 = arith.addi %mul3A_1412, %add3A_1413 : i32
        %broadcast_in_dim3A_1415 = arith.constant 0.000000e+00 : f32
        %broadcast_in_dim3A_1416 = vector.broadcast %broadcast_in_dim3A_1415 : f32 to vector<16xf32>
        %get3A_1417 = arith.index_cast %add3A_1414 : i32 to index
        %get3A_1418 = arith.constant 0 : index
        %get3A_1419 = tpu.vector_load %arg17[%get3A_1417, %get3A_1418] {strides = array<i32>} : memref<128x32xf32, #tpu.memory_space<vmem>>, vector<16xf32>,
        %get3A_1420 = arith.index_cast %add3A_1414 : i32 to index
        %get3A_1421 = arith.constant 0 : index
        %get3A_1422 = tpu.vector_load %arg18[%get3A_1420, %get3A_1421] {strides = array<i32>} : memref<128x32xf32, #tpu.memory_space<vmem>>, vector<16xf32>,
        %get3A_1423 = arith.index_cast %add3A_1414 : i32 to index
        %get3A_1424 = arith.constant 0 : index
        %get3A_1425 = tpu.vector_load %arg19[%get3A_1423, %get3A_1424] {strides = array<i32>} : memref<128x32xf32, #tpu.memory_space<vmem>>, vector<16xf32>,
        %get3A_1426 = arith.index_cast %add3A_1414 : i32 to index
        %get3A_1427 = arith.constant 0 : index
        %get3A_1428 = tpu.vector_load %arg20[%get3A_1426, %get3A_1427] {strides = array<i32>} : memref<128x32xf32, #tpu.memory_space<vmem>>, vector<16xf32>,
        %get3A_1429 = arith.index_cast %add3A_1414 : i32 to index
        %get3A_1430 = arith.constant 0 : index
        %get3A_1431 = tpu.vector_load %arg23[%get3A_1429, %get3A_1430] {strides = array<i32>} : memref<128x32xf32, #tpu.memory_space<vmem>>, vector<16xf32>,
        %get3A_1432 = arith.index_cast %add3A_1414 : i32 to index
        %get3A_1433 = arith.constant 0 : index
        %get3A_1434 = tpu.vector_load %arg24[%get3A_1432, %get3A_1433] {strides = array<i32>} : memref<128x32xf32, #tpu.memory_space<vmem>>, vector<16xf32>,
        %sub3A_1435 = arith.subf %get3A_1419, %get3A_1425 : vector<16xf32>
        %mul3A_1436 = arith.mulf %sub3A_1435, %get3A_1431 : vector<16xf32>
        %sub3A_1437 = arith.subf %get3A_1422, %get3A_1428 : vector<16xf32>
        %mul3A_1438 = arith.mulf %sub3A_1437, %get3A_1434 : vector<16xf32>
        %sub3A_1439 = arith.subf %mul3A_1436, %mul3A_1438 : vector<16xf32>
        %get3A_1440 = arith.index_cast %add3A_1414 : i32 to index
        %get3A_1441 = arith.constant 0 : index
        %get3A_1442 = tpu.vector_load %arg21[%get3A_1440, %get3A_1441] {strides = array<i32>} : memref<128x32xf32, #tpu.memory_space<vmem>>, vector<16xf32>,
        %add3A_1443 = arith.addf %sub3A_1439, %get3A_1442 : vector<16xf32>
        %add3A_1444 = arith.addf %get3A_1419, %get3A_1425 : vector<16xf32>
        %mul3A_1445 = arith.mulf %add3A_1444, %get3A_1434 : vector<16xf32>
        %add3A_1446 = arith.addf %get3A_1422, %get3A_1428 : vector<16xf32>
        %mul3A_1447 = arith.mulf %add3A_1446, %get3A_1431 : vector<16xf32>
        %add3A_1448 = arith.addf %mul3A_1445, %mul3A_1447 : vector<16xf32>
        %get3A_1449 = arith.index_cast %add3A_1414 : i32 to index
        %get3A_1450 = arith.constant 0 : index
        %get3A_1451 = tpu.vector_load %arg22[%get3A_1449, %get3A_1450] {strides = array<i32>} : memref<128x32xf32, #tpu.memory_space<vmem>>, vector<16xf32>,
        %add3A_1452 = arith.addf %add3A_1448, %get3A_1451 : vector<16xf32>
        %abs3A_1453 = math.absf %add3A_1443 : vector<16xf32>
        %add3A_1454 = arith.addf %broadcast_in_dim3A_1416, %abs3A_1453 : vector<16xf32>
        %abs3A_1455 = math.absf %add3A_1452 : vector<16xf32>
        %add3A_1456 = arith.addf %add3A_1454, %abs3A_1455 : vector<16xf32>
        %get3A_1457 = arith.index_cast %add3A_1414 : i32 to index
        %get3A_1458 = arith.constant 16 : index
        %get3A_1459 = tpu.vector_load %arg17[%get3A_1457, %get3A_1458] {strides = array<i32>} : memref<128x32xf32, #tpu.memory_space<vmem>>, vector<16xf32>,
        %get3A_1460 = arith.index_cast %add3A_1414 : i32 to index
        %get3A_1461 = arith.constant 16 : index
        %get3A_1462 = tpu.vector_load %arg18[%get3A_1460, %get3A_1461] {strides = array<i32>} : memref<128x32xf32, #tpu.memory_space<vmem>>, vector<16xf32>,
        %get3A_1463 = arith.index_cast %add3A_1414 : i32 to index
        %get3A_1464 = arith.constant 16 : index
        %get3A_1465 = tpu.vector_load %arg19[%get3A_1463, %get3A_1464] {strides = array<i32>} : memref<128x32xf32, #tpu.memory_space<vmem>>, vector<16xf32>,
        %get3A_1466 = arith.index_cast %add3A_1414 : i32 to index
        %get3A_1467 = arith.constant 16 : index
        %get3A_1468 = tpu.vector_load %arg20[%get3A_1466, %get3A_1467] {strides = array<i32>} : memref<128x32xf32, #tpu.memory_space<vmem>>, vector<16xf32>,
        %get3A_1469 = arith.index_cast %add3A_1414 : i32 to index
        %get3A_1470 = arith.constant 16 : index
        %get3A_1471 = tpu.vector_load %arg23[%get3A_1469, %get3A_1470] {strides = array<i32>} : memref<128x32xf32, #tpu.memory_space<vmem>>, vector<16xf32>,
        %get3A_1472 = arith.index_cast %add3A_1414 : i32 to index
        %get3A_1473 = arith.constant 16 : index
        %get3A_1474 = tpu.vector_load %arg24[%get3A_1472, %get3A_1473] {strides = array<i32>} : memref<128x32xf32, #tpu.memory_space<vmem>>, vector<16xf32>,
        %sub3A_1475 = arith.subf %get3A_1459, %get3A_1465 : vector<16xf32>
        %mul3A_1476 = arith.mulf %sub3A_1475, %get3A_1471 : vector<16xf32>
        %sub3A_1477 = arith.subf %get3A_1462, %get3A_1468 : vector<16xf32>
        %mul3A_1478 = arith.mulf %sub3A_1477, %get3A_1474 : vector<16xf32>
        %sub3A_1479 = arith.subf %mul3A_1476, %mul3A_1478 : vector<16xf32>
        %get3A_1480 = arith.index_cast %add3A_1414 : i32 to index
        %get3A_1481 = arith.constant 16 : index
        %get3A_1482 = tpu.vector_load %arg21[%get3A_1480, %get3A_1481] {strides = array<i32>} : memref<128x32xf32, #tpu.memory_space<vmem>>, vector<16xf32>,
        %add3A_1483 = arith.addf %sub3A_1479, %get3A_1482 : vector<16xf32>
        %add3A_1484 = arith.addf %get3A_1459, %get3A_1465 : vector<16xf32>
        %mul3A_1485 = arith.mulf %add3A_1484, %get3A_1474 : vector<16xf32>
        %add3A_1486 = arith.addf %get3A_1462, %get3A_1468 : vector<16xf32>
        %mul3A_1487 = arith.mulf %add3A_1486, %get3A_1471 : vector<16xf32>
        %add3A_1488 = arith.addf %mul3A_1485, %mul3A_1487 : vector<16xf32>
        %get3A_1489 = arith.index_cast %add3A_1414 : i32 to index
        %get3A_1490 = arith.constant 16 : index
        %get3A_1491 = tpu.vector_load %arg22[%get3A_1489, %get3A_1490] {strides = array<i32>} : memref<128x32xf32, #tpu.memory_space<vmem>>, vector<16xf32>,
        %add3A_1492 = arith.addf %add3A_1488, %get3A_1491 : vector<16xf32>
        %abs3A_1493 = math.absf %add3A_1483 : vector<16xf32>
        %add3A_1494 = arith.addf %add3A_1456, %abs3A_1493 : vector<16xf32>
        %abs3A_1495 = math.absf %add3A_1492 : vector<16xf32>
        %add3A_1496 = arith.addf %add3A_1494, %abs3A_1495 : vector<16xf32>
        %reduce_sum3A_1497 = arith.constant true
        %reduce_sum3A_1498 = vector.broadcast %reduce_sum3A_1497 : i1 to vector<16xi1>
        %reduce_sum3A_1499 = tpu.scan <sum>, %add3A_1496 masked %reduce_sum3A_1498 : vector<16xf32>, vector<16xi1> -> vector<16xf32>
        %reduce_sum3A_1500 = vector.extract %reduce_sum3A_1499[15] : f32 from vector<16xf32>
        %eq3A_1501 = arith.constant 14 : i32
        %eq3A_1502 = vector.broadcast %eq3A_1501 : i32 to vector<16xi32>
        %eq3A_1503 = arith.cmpi eq, %iota3A, %eq3A_1502 : vector<16xi32>
        %broadcast_in_dim3A_1504 = vector.broadcast %reduce_sum3A_1500 : f32 to vector<16xf32>
        %select_n3A_1505 = arith.select %eq3A_1503, %broadcast_in_dim3A_1504, %select_n3A_1410 : vector<16xi1>, vector<16xf32>
        %mul3A_1506 = arith.constant 16 : i32
        %mul3A_1507 = arith.muli %add3A_85, %mul3A_1506 : i32
        %add3A_1508 = arith.constant 15 : i32
        %add3A_1509 = arith.addi %mul3A_1507, %add3A_1508 : i32
        %broadcast_in_dim3A_1510 = arith.constant 0.000000e+00 : f32
        %broadcast_in_dim3A_1511 = vector.broadcast %broadcast_in_dim3A_1510 : f32 to vector<16xf32>
        %get3A_1512 = arith.index_cast %add3A_1509 : i32 to index
        %get3A_1513 = arith.constant 0 : index
        %get3A_1514 = tpu.vector_load %arg17[%get3A_1512, %get3A_1513] {strides = array<i32>} : memref<128x32xf32, #tpu.memory_space<vmem>>, vector<16xf32>,
        %get3A_1515 = arith.index_cast %add3A_1509 : i32 to index
        %get3A_1516 = arith.constant 0 : index
        %get3A_1517 = tpu.vector_load %arg18[%get3A_1515, %get3A_1516] {strides = array<i32>} : memref<128x32xf32, #tpu.memory_space<vmem>>, vector<16xf32>,
        %get3A_1518 = arith.index_cast %add3A_1509 : i32 to index
        %get3A_1519 = arith.constant 0 : index
        %get3A_1520 = tpu.vector_load %arg19[%get3A_1518, %get3A_1519] {strides = array<i32>} : memref<128x32xf32, #tpu.memory_space<vmem>>, vector<16xf32>,
        %get3A_1521 = arith.index_cast %add3A_1509 : i32 to index
        %get3A_1522 = arith.constant 0 : index
        %get3A_1523 = tpu.vector_load %arg20[%get3A_1521, %get3A_1522] {strides = array<i32>} : memref<128x32xf32, #tpu.memory_space<vmem>>, vector<16xf32>,
        %get3A_1524 = arith.index_cast %add3A_1509 : i32 to index
        %get3A_1525 = arith.constant 0 : index
        %get3A_1526 = tpu.vector_load %arg23[%get3A_1524, %get3A_1525] {strides = array<i32>} : memref<128x32xf32, #tpu.memory_space<vmem>>, vector<16xf32>,
        %get3A_1527 = arith.index_cast %add3A_1509 : i32 to index
        %get3A_1528 = arith.constant 0 : index
        %get3A_1529 = tpu.vector_load %arg24[%get3A_1527, %get3A_1528] {strides = array<i32>} : memref<128x32xf32, #tpu.memory_space<vmem>>, vector<16xf32>,
        %sub3A_1530 = arith.subf %get3A_1514, %get3A_1520 : vector<16xf32>
        %mul3A_1531 = arith.mulf %sub3A_1530, %get3A_1526 : vector<16xf32>
        %sub3A_1532 = arith.subf %get3A_1517, %get3A_1523 : vector<16xf32>
        %mul3A_1533 = arith.mulf %sub3A_1532, %get3A_1529 : vector<16xf32>
        %sub3A_1534 = arith.subf %mul3A_1531, %mul3A_1533 : vector<16xf32>
        %get3A_1535 = arith.index_cast %add3A_1509 : i32 to index
        %get3A_1536 = arith.constant 0 : index
        %get3A_1537 = tpu.vector_load %arg21[%get3A_1535, %get3A_1536] {strides = array<i32>} : memref<128x32xf32, #tpu.memory_space<vmem>>, vector<16xf32>,
        %add3A_1538 = arith.addf %sub3A_1534, %get3A_1537 : vector<16xf32>
        %add3A_1539 = arith.addf %get3A_1514, %get3A_1520 : vector<16xf32>
        %mul3A_1540 = arith.mulf %add3A_1539, %get3A_1529 : vector<16xf32>
        %add3A_1541 = arith.addf %get3A_1517, %get3A_1523 : vector<16xf32>
        %mul3A_1542 = arith.mulf %add3A_1541, %get3A_1526 : vector<16xf32>
        %add3A_1543 = arith.addf %mul3A_1540, %mul3A_1542 : vector<16xf32>
        %get3A_1544 = arith.index_cast %add3A_1509 : i32 to index
        %get3A_1545 = arith.constant 0 : index
        %get3A_1546 = tpu.vector_load %arg22[%get3A_1544, %get3A_1545] {strides = array<i32>} : memref<128x32xf32, #tpu.memory_space<vmem>>, vector<16xf32>,
        %add3A_1547 = arith.addf %add3A_1543, %get3A_1546 : vector<16xf32>
        %abs3A_1548 = math.absf %add3A_1538 : vector<16xf32>
        %add3A_1549 = arith.addf %broadcast_in_dim3A_1511, %abs3A_1548 : vector<16xf32>
        %abs3A_1550 = math.absf %add3A_1547 : vector<16xf32>
        %add3A_1551 = arith.addf %add3A_1549, %abs3A_1550 : vector<16xf32>
        %get3A_1552 = arith.index_cast %add3A_1509 : i32 to index
        %get3A_1553 = arith.constant 16 : index
        %get3A_1554 = tpu.vector_load %arg17[%get3A_1552, %get3A_1553] {strides = array<i32>} : memref<128x32xf32, #tpu.memory_space<vmem>>, vector<16xf32>,
        %get3A_1555 = arith.index_cast %add3A_1509 : i32 to index
        %get3A_1556 = arith.constant 16 : index
        %get3A_1557 = tpu.vector_load %arg18[%get3A_1555, %get3A_1556] {strides = array<i32>} : memref<128x32xf32, #tpu.memory_space<vmem>>, vector<16xf32>,
        %get3A_1558 = arith.index_cast %add3A_1509 : i32 to index
        %get3A_1559 = arith.constant 16 : index
        %get3A_1560 = tpu.vector_load %arg19[%get3A_1558, %get3A_1559] {strides = array<i32>} : memref<128x32xf32, #tpu.memory_space<vmem>>, vector<16xf32>,
        %get3A_1561 = arith.index_cast %add3A_1509 : i32 to index
        %get3A_1562 = arith.constant 16 : index
        %get3A_1563 = tpu.vector_load %arg20[%get3A_1561, %get3A_1562] {strides = array<i32>} : memref<128x32xf32, #tpu.memory_space<vmem>>, vector<16xf32>,
        %get3A_1564 = arith.index_cast %add3A_1509 : i32 to index
        %get3A_1565 = arith.constant 16 : index
        %get3A_1566 = tpu.vector_load %arg23[%get3A_1564, %get3A_1565] {strides = array<i32>} : memref<128x32xf32, #tpu.memory_space<vmem>>, vector<16xf32>,
        %get3A_1567 = arith.index_cast %add3A_1509 : i32 to index
        %get3A_1568 = arith.constant 16 : index
        %get3A_1569 = tpu.vector_load %arg24[%get3A_1567, %get3A_1568] {strides = array<i32>} : memref<128x32xf32, #tpu.memory_space<vmem>>, vector<16xf32>,
        %sub3A_1570 = arith.subf %get3A_1554, %get3A_1560 : vector<16xf32>
        %mul3A_1571 = arith.mulf %sub3A_1570, %get3A_1566 : vector<16xf32>
        %sub3A_1572 = arith.subf %get3A_1557, %get3A_1563 : vector<16xf32>
        %mul3A_1573 = arith.mulf %sub3A_1572, %get3A_1569 : vector<16xf32>
        %sub3A_1574 = arith.subf %mul3A_1571, %mul3A_1573 : vector<16xf32>
        %get3A_1575 = arith.index_cast %add3A_1509 : i32 to index
        %get3A_1576 = arith.constant 16 : index
        %get3A_1577 = tpu.vector_load %arg21[%get3A_1575, %get3A_1576] {strides = array<i32>} : memref<128x32xf32, #tpu.memory_space<vmem>>, vector<16xf32>,
        %add3A_1578 = arith.addf %sub3A_1574, %get3A_1577 : vector<16xf32>
        %add3A_1579 = arith.addf %get3A_1554, %get3A_1560 : vector<16xf32>
        %mul3A_1580 = arith.mulf %add3A_1579, %get3A_1569 : vector<16xf32>
        %add3A_1581 = arith.addf %get3A_1557, %get3A_1563 : vector<16xf32>
        %mul3A_1582 = arith.mulf %add3A_1581, %get3A_1566 : vector<16xf32>
        %add3A_1583 = arith.addf %mul3A_1580, %mul3A_1582 : vector<16xf32>
        %get3A_1584 = arith.index_cast %add3A_1509 : i32 to index
        %get3A_1585 = arith.constant 16 : index
        %get3A_1586 = tpu.vector_load %arg22[%get3A_1584, %get3A_1585] {strides = array<i32>} : memref<128x32xf32, #tpu.memory_space<vmem>>, vector<16xf32>,
        %add3A_1587 = arith.addf %add3A_1583, %get3A_1586 : vector<16xf32>
        %abs3A_1588 = math.absf %add3A_1578 : vector<16xf32>
        %add3A_1589 = arith.addf %add3A_1551, %abs3A_1588 : vector<16xf32>
        %abs3A_1590 = math.absf %add3A_1587 : vector<16xf32>
        %add3A_1591 = arith.addf %add3A_1589, %abs3A_1590 : vector<16xf32>
        %reduce_sum3A_1592 = arith.constant true
        %reduce_sum3A_1593 = vector.broadcast %reduce_sum3A_1592 : i1 to vector<16xi1>
        %reduce_sum3A_1594 = tpu.scan <sum>, %add3A_1591 masked %reduce_sum3A_1593 : vector<16xf32>, vector<16xi1> -> vector<16xf32>
        %reduce_sum3A_1595 = vector.extract %reduce_sum3A_1594[15] : f32 from vector<16xf32>
        %eq3A_1596 = arith.constant 15 : i32
        %eq3A_1597 = vector.broadcast %eq3A_1596 : i32 to vector<16xi32>
        %eq3A_1598 = arith.cmpi eq, %iota3A, %eq3A_1597 : vector<16xi32>
        %broadcast_in_dim3A_1599 = vector.broadcast %reduce_sum3A_1595 : f32 to vector<16xf32>
        %select_n3A_1600 = arith.select %eq3A_1598, %broadcast_in_dim3A_1599, %select_n3A_1505 : vector<16xi1>, vector<16xf32>
        %mul3A_1601 = arith.constant 16 : i32
        %mul3A_1602 = arith.muli %add3A_85, %mul3A_1601 : i32
        %add3A_1603 = arith.addi %mul3A_13, %mul3A_1602 : i32
        %swap3A = arith.index_cast %add3A_1603 : i32 to index
        %swap3A_1604 = tpu.vector_load %arg25[%swap3A] {strides = array<i32>} : memref<512xf32, #tpu.memory_space<vmem>>, vector<16xf32>,
        tpu.vector_store %arg25[%swap3A], %select_n3A_1600 {strides = array<i32>} : memref<512xf32, #tpu.memory_space<vmem>>, vector<16xf32>,
      }
      %scan3A_80 = arith.constant 8 : i32
    }
    %scan3A_6 = arith.constant 4 : i32
    "tpu.region"() ({
      %run_scoped3A = tpu.sem_alloc : memref<!tpu.dma_semaphore, #tpu.memory_space<semaphore_mem>>
      %dma_start3A = tpu.memref_slice %arg12[%mul3A_2] : memref<16384xf32, #tpu.memory_space<hbm>> -> memref<512xf32, #tpu.memory_space<hbm>>
      %dma_start3A_7 = tpu.memref_slice %arg12[%mul3A_2] : memref<16384xf32, #tpu.memory_space<hbm>> -> memref<512xf32, #tpu.memory_space<hbm>>
      tpu.enqueue_dma source(%arg25 : memref<512xf32, #tpu.memory_space<vmem>>) target(%dma_start3A_7 : memref<512xf32, #tpu.memory_space<hbm>>) target_semaphore(%run_scoped3A : memref<!tpu.dma_semaphore, #tpu.memory_space<semaphore_mem>>)
      %dma_wait3A = tpu.memref_slice %arg12[%mul3A_2] : memref<16384xf32, #tpu.memory_space<hbm>> -> memref<512xf32, #tpu.memory_space<hbm>>
      %dma_wait3A_8 = tpu.memref_slice %arg12[%mul3A_2] : memref<16384xf32, #tpu.memory_space<hbm>> -> memref<512xf32, #tpu.memory_space<hbm>>
      tpu.wait_dma2 semaphore(%run_scoped3A : memref<!tpu.dma_semaphore, #tpu.memory_space<semaphore_mem>>) src(%arg25 : memref<512xf32, #tpu.memory_space<vmem>>) dst(%dma_wait3A_8 : memref<512xf32, #tpu.memory_space<hbm>>)
      tpu.yield
    }) : () -> ()
    return
  }
}

module attributes {stable_mosaic.version = 14 : i64} {
  func.func @_trig_body(%arg0: memref<5000x32xf32, #tpu.memory_space<vmem>>, %arg1: memref<5000x32xf32, #tpu.memory_space<vmem>>, %arg2: memref<5000x32xf32, #tpu.memory_space<vmem>>) attributes {dimension_semantics = [], scalar_prefetch = 0 : i64, scratch_operands = 0 : i64, tpu.core_type = #tpu.core_type<tc>} {
    %get3A = arith.constant 0 : index
    %get3A_0 = arith.constant 0 : index
    %get3A_1 = vector.load %arg0[%get3A, %get3A_0] : memref<5000x32xf32, #tpu.memory_space<vmem>>, vector<5000x32xf32>
    %cos3A = math.cos %get3A_1 : vector<5000x32xf32>
    %swap3A = arith.constant 0 : index
    %swap3A_2 = arith.constant 0 : index
    %swap3A_3 = vector.load %arg1[%swap3A, %swap3A_2] : memref<5000x32xf32, #tpu.memory_space<vmem>>, vector<5000x32xf32>
    tpu.vector_store %arg1[%swap3A, %swap3A_2], %cos3A {strides = array<i32>} : memref<5000x32xf32, #tpu.memory_space<vmem>>, vector<5000x32xf32>,
    %sin3A = math.sin %get3A_1 : vector<5000x32xf32>
    %swap3A_4 = arith.constant 0 : index
    %swap3A_5 = arith.constant 0 : index
    %swap3A_6 = vector.load %arg2[%swap3A_4, %swap3A_5] : memref<5000x32xf32, #tpu.memory_space<vmem>>, vector<5000x32xf32>
    tpu.vector_store %arg2[%swap3A_4, %swap3A_5], %sin3A {strides = array<i32>} : memref<5000x32xf32, #tpu.memory_space<vmem>>, vector<5000x32xf32>,
    return
  }
}

</mosaic_0001>

<sc_bundles>
// kernel: kernel.4.cloned.1.call-start
scs
__scs_entry_jumppad:
0x0: {  	(pc) =	sbr.rel $0x88, $3  }
0x1: {  	(tag) =	ssettag $0x0;
	lr =	simm.s32 $0x1  }
0x2: {  	[smem:$0x3F9B] =	sst lr;
	_ =	strace $0xD0000000  }
0x3: {  	_ = 	snop  }
0x4: {  	_ = 	snop  }
0x5: {  	_ = 	snop  }
0x6: {  	_ = 	snop  }
0x7: {  	_ = 	snop  }
__scs_overlays_trampoline_lowered:
0x8: {  	[smem:$0x3FAA] =	sst s0  }
0x9: {  	[smem:$0x3FAB] =	sst s1  }
0xa: {  	[smem:$0x3FAC] =	sst s2  }
0xb: {  	[smem:$0x3FAD] =	sst s3  }
0xc: {  	[smem:$0x3FAE] =	sst s4  }
0xd: {  	[smem:$0x3FAF] =	sst s5  }
0xe: {  	[smem:$0x3FB0] =	sst s6  }
0xf: {  	[smem:$0x3FB1] =	sst s7  }
0x10: {  	[smem:$0x3FB2] =	sst s8  }
0x11: {  	[smem:$0x3FB3] =	sst s9;
	s0 =	simm.s32 @!p0 $0x0  }
0x12: {  	s1 =	sld [smem:$0x3F99];
	s0 =	simm.s32 @p0 $0x1  }
0x13: {  	[smem:$0x3FB4] =	sst s0;
	s0 =	simm.s32 @!p1 $0x0  }
0x14: {  	s2 =	sld [smem:$0x3F98];
	s0 =	simm.s32 @p1 $0x1  }
0x15: {  	[smem:$0x3FB5] =	sst s0;
	s0 =	simm.s32 @!p2 $0x0  }
0x16: {  	s3 =	sld [smem:$0x3FDB];
	s0 =	simm.s32 @p2 $0x1  }
0x17: {  	s4 =	simm.s32 $0x1BF5;
	[smem:$0x3FB7] =	sst s0  }
0x18: {  	s0 =	sld [smem:$0x3F9A];
	_ =	swait.ge [sflag:s4], $0x0  }
0x19: {  	s7 =	sld [smem:$0x3F9B]  }
0x1a: {  	s8 =	sadd.s32 $0xFFFFE003, lr  }
0x1b: {  	s9 =	sadd.s32 $0xFFFFFEF7, lr;
	s5 =	simm.s32 $0xFFFFFFFF;
	p2 =	slt.u32 s8, $0xFFFFF086  }
0x1c: {  	p1 =	slt.u32 s9, $0xF7A;
	s5 =	simm.s32 @!p2 $0x0  }
0x1d: {  	s5 =	simm.s32 @p1 $0x1;
	p0 =	seq.s32 s7, s2  }
0x1e: {  	s7 =	smul.u32 @!p0 $0xF7A, s2;
	p2 =	seq.s32 @!p0 s5, $0x0  }
0x1f: {  	s9 =	smul.u32 $0xF7A, s1;
	s8 =	simm.s32 @!p0 $0x1BF5;
	p2 =	por !p2, p0  }
0x20: {  	[sflag:s8] =	ssyncset.s32 @!p0 $0xFFFFF086;
	s6 =	sadd.s32 @!p0 s3, s7;
	s7 =	simm.s32 @!p0 $0x108  }
0x21: {  	s3 =	sadd.s32 s3, s9;
	s6 =	sadd.s32 @!p0 $0x88, s6;
	s7 =	simm.s32 @p2 $0x1082  }
0x22: {  	[simem:s7], [sflag:s8] =	dma.local @!p0 [hbm:s6], $0xF7A  }
0x23: {  	s9 =	sor.u32 $0xD0000000, s2;
	s6 =	simm.s32 $0x108;
	_ =	swait.ge @!p0 [sflag:s8], $0x0  }
0x24: {  	s3 =	sadd.s32 $0x88, s3;
	s6 =	simm.s32 @!p1 $0x1082;
	[sflag:s4] =	ssyncset.s32 $0xFFFFF086  }
0x25: {  	[simem:s6], [sflag:s4] =	dma.local [hbm:s3], $0xF7A  }
0x26: {  	[smem:$0x3F9B] =	sst s1;
	(tag) =	ssettag s2;
	_ =	strace s9  }
0x27: {  	s1 =	sld [smem:$0x3FAB]  }
0x28: {  	s2 =	sld [smem:$0x3FAC]  }
0x29: {  	s4 =	sld [smem:$0x3FAE]  }
0x2a: {  	p0 =	seq.s32 s5, $0x0;
	s5 =	sld [smem:$0x3FAF]  }
0x2b: {  	s6 =	sld [smem:$0x3FB0]  }
0x2c: {  	s7 =	sld [smem:$0x3FB1]  }
0x2d: {  	s3 =	simm.s32 $0x108;
	s8 =	sld [smem:$0x3FB2]  }
0x2e: {  	s3 =	simm.s32 @!p0 $0x1082;
	s9 =	sld [smem:$0x3FB3]  }
0x2f: {  	lr =	sadd.s32 s0, s3;
	s0 =	sld [smem:$0x3FAA]  }
0x30: {  	s3 =	sld [smem:$0x3FAD]  }
0x31: {  	[smem:$0x3FB6] =	sst s10  }
0x32: {  	s10 =	sld [smem:$0x3FB4];
	_ =	sdelay $0x3  }
0x33: {  	p0 =	seq.s32 s10, $0x1;
	s10 =	sld [smem:$0x3FB6];
	_ =	sdelay $0x3  }
0x34: {  	[smem:$0x3FB6] =	sst s10  }
0x35: {  	s10 =	sld [smem:$0x3FB5];
	_ =	sdelay $0x3  }
0x36: {  	p1 =	seq.s32 s10, $0x1;
	s10 =	sld [smem:$0x3FB6];
	_ =	sdelay $0x3  }
0x37: {  	[smem:$0x3FB6] =	sst s10  }
0x38: {  	s10 =	sld [smem:$0x3FB7]  }
0x39: {  	_ = 	snop;
	(pc) =	sbr.ind lr, $3  }
0x3a: {  	_ = 	snop  }
0x3b: {  	_ = 	snop  }
0x3c: {  	p2 =	seq.s32 s10, $0x1;
	s10 =	sld [smem:$0x3FB6]  }
0x3d: {  	_ =	shalt  }
0x3e: {  	_ =	shalt  }
0x3f: {  	_ =	shalt  }
0x40: {  	_ =	shalt  }
0x41: {  	_ =	shalt  }
0x42: {  	_ =	shalt  }
0x43: {  	_ =	shalt  }
0x44: {  	_ =	shalt  }
0x45: {  	_ =	shalt  }
0x46: {  	_ =	shalt  }
0x47: {  	_ =	shalt  }
0x48: {  	_ =	shalt  }
0x49: {  	_ =	shalt  }
0x4a: {  	_ =	shalt  }
0x4b: {  	_ =	shalt  }
0x4c: {  	_ =	shalt  }
0x4d: {  	_ =	shalt  }
0x4e: {  	_ =	shalt  }
0x4f: {  	_ =	shalt  }
0x50: {  	_ =	shalt  }
0x51: {  	_ =	shalt  }
0x52: {  	_ =	shalt  }
0x53: {  	_ =	shalt  }
0x54: {  	_ =	shalt  }
0x55: {  	_ =	shalt  }
0x56: {  	_ =	shalt  }
0x57: {  	_ =	shalt  }
0x58: {  	_ =	shalt  }
0x59: {  	_ =	shalt  }
0x5a: {  	_ =	shalt  }
0x5b: {  	_ =	shalt  }
0x5c: {  	_ =	shalt  }
0x5d: {  	_ =	shalt  }
0x5e: {  	_ =	shalt  }
0x5f: {  	_ =	shalt  }
0x60: {  	_ =	shalt  }
0x61: {  	_ =	shalt  }
0x62: {  	_ =	shalt  }
0x63: {  	_ =	shalt  }
0x64: {  	_ =	shalt  }
0x65: {  	_ =	shalt  }
0x66: {  	_ =	shalt  }
0x67: {  	_ =	shalt  }
0x68: {  	_ =	shalt  }
0x69: {  	_ =	shalt  }
0x6a: {  	_ =	shalt  }
0x6b: {  	_ =	shalt  }
0x6c: {  	_ =	shalt  }
0x6d: {  	_ =	shalt  }
0x6e: {  	_ =	shalt  }
0x6f: {  	_ =	shalt  }
0x70: {  	_ =	shalt  }
0x71: {  	_ =	shalt  }
0x72: {  	_ =	shalt  }
0x73: {  	_ =	shalt  }
0x74: {  	_ =	shalt  }
0x75: {  	_ =	shalt  }
0x76: {  	_ =	shalt  }
0x77: {  	_ =	shalt  }
0x78: {  	_ =	shalt  }
0x79: {  	_ =	shalt  }
0x7a: {  	_ =	shalt  }
0x7b: {  	_ =	shalt  }
0x7c: {  	_ =	shalt  }
0x7d: {  	_ =	shalt  }
0x7e: {  	_ =	shalt  }
0x7f: {  	_ =	shalt  }
0x80: {  	_ =	shalt  }
0x81: {  	_ =	shalt  }
0x82: {  	_ =	shalt  }
0x83: {  	_ =	shalt  }
0x84: {  	_ =	shalt  }
0x85: {  	_ =	shalt  }
0x86: {  	_ =	shalt  }
0x87: {  	_ =	shalt  }
.Lfunc_end0:
.L_simem_size_0:
called_computation_lowered:
.L_overlay_start_0:
0x88: {  	s2 =	sld [smem:$0x3FD9]  }
0x89: {  	s3 =	sld [smem:$0x3FFE];
	_ =	sdelay $0x1  }
0x8a: {  	s1 =	srdreg.scid  }
0x8b: {  	s0 =	sand.u32 $0x1, s1  }
0x8c: {  	s17 =	sshll.u32 s0, $0xA;
	s2 =	sadd.s32 s3, s2  }
0x8d: {  	s2 =	sadd.s32 s2, s17  }
0x8e: {  	[smem:$0x3FC2] =	sst s2  }
0x8f: {  	_ = 	snop  }
0x90: {  	s2 =	sld [smem:$0x3FD0];
	(tm) =	ssettm $0x1  }
0x91: {  	s18 =	sld [smem:$0x3FFB];
	_ =	sdelay $0x3  }
0x92: {  	_ =	strace s18  }
0x93: {  	s3 =	sld [smem:$0x3FFC];
	_ =	sdelay $0x3  }
0x94: {  	_ =	strace s3  }
0x95: {  	s3 =	sld [smem:$0x3FFD];
	_ =	sdelay $0x3  }
0x96: {  	_ =	strace s3  }
0x97: {  	_ =	strace $0x8FFFFFFF  }
0x98: {  	s19 =	sld [smem:$0x3FDB];
	_ =	sdelay $0x1  }
0x99: {  	s4 =	simm.s32 $_scs_section_size  }
0x9a: {  	s5 =	simm.s32 $_size__tile_overlayer_lowered;
	s6 =	simm.s32 $_tile_overlayer_lowered  }
0x9b: {  	s22 =	simm.s32 $0x1BFF;
	s21 =	sshll.u32 s6, $0x1;
	s3 =	sadd.s32 s4, s19  }
0x9c: {  	s7 =	simm.s32 $0x0;
	s20 =	sshll.u32 s5, $0x1;
	s5 =	sadd.s32 s21, s3  }
0x9d: {  	[timem:s7], [sflag:s22] =	dma.local [hbm:s5], s20  }
0x9e: {  	_ =	swait.ge [sflag:s22], s20  }
0x9f: {  	s4 =	ssub.s32 $0x0, s20;
	[sflag:s22] =	ssyncset.done $0x0  }
0xa0: {  	[sflag:s22] =	ssyncadd.s32 s4;
	_ =	sdelay $0x1  }
0xa1: {  	s23 =	simm.s32 $0x1B8B  }
0xa2: {  	_ =	swait.ge [sflag:s23], $0x1  }
0xa3: {  	[sflag:s23] =	ssyncset.done $0x0  }
0xa4: {  	s25 =	simm.s32 $0x1B8E;
	s24 =	sld [smem:$0x3FFE];
	[sflag:s23] =	ssyncadd.s32 $0xFFFFFFFF  }
0xa5: {  	s26 =	simm.s32 $execute0_lowered;
	[smem:$0x3FD2] =	sst s25  }
0xa6: {  	s5 =	sshll.u32 s26, $0x1;
	_ =	strace $0x80000046;
	[dreg:$0x1] =	wrdreg $0xFFFFFFFF  }
0xa7: {  	s28 =	simm.s32 $_size_execute0_lowered;
	s3 =	sadd.s32 s3, s5;
	[dreg:$0x0] =	wrdreg $0x0  }
0xa8: {  	s5 =	sshll.u32 s28, $0x1;
	[dreg:$0x2] =	wrdreg s3  }
0xa9: {  	[dreg:$0x3] =	wrdreg s5  }
0xaa: {  	[dreg:$0x4] =	wrdreg $0xC0  }
0xab: {  	_ =	task [dreg:s7], $0x5FFFF  }
0xac: {  	[dreg:$0x1] =	wrdreg $0xFFFFFFFF  }
0xad: {  	[dreg:$0x0] =	wrdreg $0x60  }
0xae: {  	[dreg:$0x2] =	wrdreg s24  }
0xaf: {  	[dreg:$0x3] =	wrdreg s2  }
0xb0: {  	[dreg:$0x4] =	wrdreg $0x9  }
0xb1: {  	_ =	task.clear_ibuf [dreg:s7], $0x5FFFF;
	_ =	strace $0x90000046  }
0xb2: {  	s29 =	simm.s32 $0x9;
	_ =	strace $0x80000048  }
0xb3: {  	_ =	swait.ge [sflag:s29], $0x1  }
0xb4: {  	[sflag:s29] =	ssyncadd.s32 $0xFFFFFFFF  }
0xb5: {  	_ =	strace $0x90000048  }
0xb6: {  	_ =	sfence  }
0xb7: {  	s30 =	sld [smem:$0x0];
	_ =	sdelay $0x2  }
0xb8: {  	s31 =	sshll.u32 s1, $0xD;
	s1 =	sshrl.u32 s1, $0x2  }
0xb9: {  	s3 =	sand.u32 $0x4000, s31;
	s1 =	sadd.s32 s1, s30  }
0xba: {  	s0 =	sor.u32 s3, s0;
	s1 =	sshll.u32 s1, $0x11  }
0xbb: {  	s0 =	sor.u32 s1, s0  }
0xbc: {  	s0 =	sadd.s32 $0x8F2B, s0  }
0xbd: {  	[sflag:s0] =	ssyncadd.remote.s32 $0x1  }
0xbe: {  	_ =	sfence.sel $0xFFFF  }
0xbf: {  	[dreg:$0x0] =	wrdreg $0xFFFFFFFF;
	(pc) =	sbr.abs _section_cstart, $3  }
0xc0: {  	[dreg:$0x1] =	wrdreg $0xFFFFFFFF  }
0xc1: {  	_ =	task.clear_ibuf [dreg:s7], $0x2FFFF;
	_ =	strace $0x9FFFFFFF  }
0xc2: {  	(tm) =	ssettm $0x7FFFFFFF  }
0xc3: {  	_ =	shalt  }
tec
execute0_lowered:
.L_overlay_start_1:
0x0: {  	(tag) =	ssettag $0x1  }
0x1: {  	s0 =	rddreg [dreg:$0x0]  }
0x2: {  	s1 =	rddreg [dreg:$0x1]  }
0x3: {  	s2 =	srdreg.scid;
	s3 =	stileid.u32  }
0x4: {  	s15 =	simm.s32 $0x2;
	s19 =	simm.s32 $0x80;
	s20 =	simm.s32 $0x800  }
0x5: {  	s21 =	simm.s32 $0x1800;
	s22 =	simm.s32 $0x2800;
	s23 =	simm.s32 $0x3800  }
0x6: {  	s24 =	simm.s32 $0x4800;
	s25 =	simm.s32 $0x5800;
	s28 =	simm.s32 $0x7800  }
0x7: {  	s29 =	simm.s32 $0x1;
	s30 =	simm.s32 $0x8800;
	s31 =	simm.s32 $0x0  }
0x8: {  	s6 =	sand.u32 $0x1, s2;
	s2 =	simm.s32 $0x0;
	s3 =	sshll.u32 s3, $0x7  }
0x9: {  	s5 =	sadd.s32 $0x3E00, s0;
	s7 =	sadd.s32 $0xBE00, s0;
	s8 =	sadd.s32 $0x10E00, s0  }
0xa: {  	s4 =	sshll.u32 s6, $0x6;
	[smem:$0x7FF] =	sst s2;
	s9 =	ssub.s32 $0x2, s6  }
0xb: {  	vm0 =	vmmov $0x1;
	vm1 =	vmmov $0x3;
	vm2 =	vmmov $0x7;
	s6 =	sadd.s32 $0x7E00, s0;
	s13 =	sor.u32 s4, s3;
	_ =	strace $0x80000047  }
0xc: {  	vm3 =	vmmov $0xf;
	vm4 =	vmmov $0x1f;
	vm5 =	vmmov $0x3f;
	s3 =	sadd.s32 $0x18A800, s0;
	s4 =	sadd.s32 $0x1EC400, s0;
	s10 =	sshrl.u32 s9, $0x1  }
0xd: {  	vm6 =	vmmov $0x7f;
	vm7 =	vmmov $0xff;
	vm8 =	vmmov $0x1ff;
	s12 =	sadd.s32 s13, s0;
	s26 =	ssub.s32 s9, s10;
	s13 =	sadd.s32 s1, s13  }
0xe: {  	vm9 =	vmmov $0x3ff;
	vm10 =	vmmov $0x7ff;
	vm11 =	vmmov $0xfff;
	s9 =	sadd.s32 $0x3600, s12;
	s10 =	sadd.s32 $0x2E00, s12;
	s11 =	sadd.s32 $0x2600, s12  }
0xf: {  	vm12 =	vmmov $0x1fff;
	vm13 =	vmmov $0x3fff;
	vm14 =	vmmov $0x7fff;
	s12 =	sadd.s32 $0x1E00, s12;
	s14 =	smax.u32 s26, $0x1;
	s26 =	simm.s32 $0x6800  }
.LBB2_1:
0x10: {  	[tilespmem:s2], [sflag:$0x2] =	stream.linear.gather [hbm4b:s9+s2], $0x200, $0x38;
	[tilespmem:$0x8A00] =	vst v63  }
0x11: {  	_ =	swait.ge [sflag:s15], $0x200  }
0x12: {  	[sflag:s15] =	ssyncset.done $0x0  }
0x13: {  	s0 =	simm.s32 $0x200;
	[sflag:s15] =	ssyncadd.s32 $0xFFFFFE00  }
0x14: {  	[tilespmem:s0], [sflag:$0x2] =	stream.linear.gather [hbm4b:s10+s2], $0x200, $0x38;
	[tilespmem:$0x8A00] =	vst v63  }
0x15: {  	_ =	swait.ge [sflag:s15], $0x200  }
0x16: {  	[sflag:s15] =	ssyncset.done $0x0  }
0x17: {  	s17 =	simm.s32 $0x400;
	[sflag:s15] =	ssyncadd.s32 $0xFFFFFE00  }
0x18: {  	[tilespmem:s17], [sflag:$0x2] =	stream.linear.gather [hbm4b:s11+s2], $0x200, $0x38;
	[tilespmem:$0x8A00] =	vst v63  }
0x19: {  	_ =	swait.ge [sflag:s15], $0x200  }
0x1a: {  	[sflag:s15] =	ssyncset.done $0x0  }
0x1b: {  	s18 =	simm.s32 $0x600;
	[sflag:s15] =	ssyncadd.s32 $0xFFFFFE00  }
0x1c: {  	[tilespmem:s18], [sflag:$0x2] =	stream.linear.gather [hbm4b:s12+s2], $0x200, $0x38;
	[tilespmem:$0x8A00] =	vst v63  }
0x1d: {  	_ =	swait.ge [sflag:s15], $0x200  }
0x1e: {  	[sflag:s15] =	ssyncset.done $0x0  }
0x1f: {  	s0 =	simm.s32 $0x0;
	[sflag:s15] =	ssyncadd.s32 $0xFFFFFE00  }
.LBB2_2:
0x20: {  	s16 =	sshll.u32 s0, $0x7  }
0x21: {  	[tilespmem:s20], [sflag:$0x1] =	stream.indirect.gather [hbm4b:s3+s19], $0x20, s16, s19, $0xb8;
	[tilespmem:$0x8A00] =	vst v63  }
0x22: {  	_ = 	snop  }
0x23: {  	[tilespmem:s21], [sflag:$0x1] =	stream.indirect.gather [hbm4b:s4+s19], $0x20, s16, s19, $0xb8;
	[tilespmem:$0x8A00] =	vst v63  }
0x24: {  	s1 =	sadd.s32 $0x200, s16  }
0x25: {  	[tilespmem:s22], [sflag:$0x1] =	stream.indirect.gather [hbm4b:s3+s19], $0x20, s1, s19, $0xb8;
	[tilespmem:$0x8A00] =	vst v63  }
0x26: {  	_ = 	snop  }
0x27: {  	[tilespmem:s23], [sflag:$0x1] =	stream.indirect.gather [hbm4b:s4+s19], $0x20, s1, s19, $0xb8;
	[tilespmem:$0x8A00] =	vst v63  }
0x28: {  	s17 =	sadd.s32 $0x400, s16  }
0x29: {  	[tilespmem:s24], [sflag:$0x1] =	stream.indirect.gather [hbm4b:s5+s19], $0x20, s17, s19, $0xb8;
	[tilespmem:$0x8A00] =	vst v63  }
0x2a: {  	_ = 	snop  }
0x2b: {  	[tilespmem:s25], [sflag:$0x1] =	stream.indirect.gather [hbm4b:s6+s19], $0x20, s17, s19, $0xb8;
	[tilespmem:$0x8A00] =	vst v63  }
0x2c: {  	s18 =	sadd.s32 $0x600, s16  }
0x2d: {  	[tilespmem:s26], [sflag:$0x1] =	stream.indirect.gather [hbm4b:s7+s19], $0x20, s18, s19, $0xb8;
	[tilespmem:$0x8A00] =	vst v63  }
0x2e: {  	_ = 	snop  }
0x2f: {  	[tilespmem:s28], [sflag:$0x1] =	stream.indirect.gather [hbm4b:s8+s19], $0x20, s18, s19, $0xb8;
	[tilespmem:$0x8A00] =	vst v63  }
0x30: {  	_ =	swait.ge [sflag:s29], $0x1000  }
0x31: {  	[sflag:s29] =	ssyncset.done $0x0  }
0x32: {  	[sflag:s29] =	ssyncadd.s32 $0xFFFFF000  }
0x33: {  	_ =	swait.ge [sflag:s29], $0x1000  }
0x34: {  	[sflag:s29] =	ssyncset.done $0x0  }
0x35: {  	[sflag:s29] =	ssyncadd.s32 $0xFFFFF000  }
0x36: {  	_ =	swait.ge [sflag:s29], $0x1000  }
0x37: {  	[sflag:s29] =	ssyncset.done $0x0  }
0x38: {  	[sflag:s29] =	ssyncadd.s32 $0xFFFFF000  }
0x39: {  	_ =	swait.ge [sflag:s29], $0x1000  }
0x3a: {  	[sflag:s29] =	ssyncset.done $0x0  }
0x3b: {  	[sflag:s29] =	ssyncadd.s32 $0xFFFFF000  }
0x3c: {  	_ =	swait.ge [sflag:s29], $0x1000  }
0x3d: {  	[sflag:s29] =	ssyncset.done $0x0  }
0x3e: {  	[sflag:s29] =	ssyncadd.s32 $0xFFFFF000  }
0x3f: {  	_ =	swait.ge [sflag:s29], $0x1000  }
0x40: {  	[sflag:s29] =	ssyncset.done $0x0  }
0x41: {  	[sflag:s29] =	ssyncadd.s32 $0xFFFFF000  }
0x42: {  	_ =	swait.ge [sflag:s29], $0x1000  }
0x43: {  	[sflag:s29] =	ssyncset.done $0x0  }
0x44: {  	[sflag:s29] =	ssyncadd.s32 $0xFFFFF000  }
0x45: {  	_ =	swait.ge [sflag:s29], $0x1000  }
0x46: {  	[sflag:s29] =	ssyncset.done $0x0  }
0x47: {  	s1 =	simm.s32 $0x0;
	[sflag:s29] =	ssyncadd.s32 $0xFFFFF000  }
0x48: {  	v0 =	vld [tilespmem:s1+$0x5930];
	_ =	sdelay $0x4  }
0x49: {  	[tilespmem:$0x1FEA0] =	vst v0;
	v0 =	vld [tilespmem:s1+$0x5910];
	_ =	sdelay $0x4  }
0x4a: {  	[tilespmem:$0x1FEF0] =	vst v0;
	v0 =	vld [tilespmem:s1+$0x4930];
	_ =	sdelay $0x4  }
0x4b: {  	[tilespmem:$0x1FEB0] =	vst v0;
	v0 =	vld [tilespmem:s1+$0x4940];
	_ =	sdelay $0x4  }
0x4c: {  	[tilespmem:$0x1FEE0] =	vst v0;
	v0 =	vld [tilespmem:s1+$0x4910];
	_ =	sdelay $0x4  }
0x4d: {  	[tilespmem:$0x1FF00] =	vst v0;
	v0 =	vld [tilespmem:s1+$0x4920];
	_ =	sdelay $0x4  }
0x4e: {  	[tilespmem:$0x1FEC0] =	vst v0;
	v0 =	vld [tilespmem:s1+$0x5920];
	_ =	sdelay $0x3  }
0x4f: {  	v24 =	vld [tilespmem:s1+$0x59F0]  }
0x50: {  	[tilespmem:$0x1FED0] =	vst v0;
	v0 =	vld [tilespmem:s1+$0x58D0]  }
0x51: {  	v28 =	vld [tilespmem:s1+$0x59D0]  }
0x52: {  	v26 =	vld [tilespmem:s1+$0x49E0]  }
0x53: {  	v27 =	vld [tilespmem:s1+$0x49D0]  }
0x54: {  	v37 =	vld [tilespmem:s1+$0x5990]  }
0x55: {  	[tilespmem:$0x1FF40] =	vst v0;
	v0 =	vld [tilespmem:s1+$0x48F0]  }
0x56: {  	v34 =	vld [tilespmem:s1+$0x49B0]  }
0x57: {  	v30 =	vld [tilespmem:s1+$0x49C0]  }
0x58: {  	v31 =	vld [tilespmem:s1+$0x59C0]  }
0x59: {  	v41 =	vld [tilespmem:s1+$0x5970]  }
0x5a: {  	[tilespmem:$0x1FF30] =	vst v0;
	v0 =	vld [tilespmem:s1+$0x4900]  }
0x5b: {  	v35 =	vld [tilespmem:s1+$0x4990]  }
0x5c: {  	v58 =	vld [tilespmem:s1+$0x49A0]  }
0x5d: {  	v40 =	vld [tilespmem:s1+$0x4970]  }
0x5e: {  	v39 =	vld [tilespmem:s1+$0x4980]  }
0x5f: {  	[tilespmem:$0x1FF10] =	vst v0;
	v0 =	vld [tilespmem:s1+$0x5900]  }
0x60: {  	v38 =	vld [tilespmem:s1+$0x5980]  }
0x61: {  	v44 =	vld [tilespmem:s1+$0x4950]  }
0x62: {  	v42 =	vld [tilespmem:s1+$0x4960]  }
0x63: {  	v43 =	vld [tilespmem:s1+$0x5960]  }
0x64: {  	[tilespmem:$0x1FF20] =	vst v0;
	v0 =	vld [tilespmem:s1+$0x58B0]  }
0x65: {  	v12 =	vld [tilespmem:s1+$0x69F0]  }
0x66: {  	v19 =	vld [tilespmem:s1+$0x79F0]  }
0x67: {  	v29 =	vld [tilespmem:s1+$0x69E0]  }
0x68: {  	v32 =	vld [tilespmem:s1+$0x79E0]  }
0x69: {  	[tilespmem:$0x1FF90] =	vst v0;
	v0 =	vld [tilespmem:s1+$0x48D0]  }
0x6a: {  	v33 =	vld [tilespmem:s1+$0x69D0]  }
0x6b: {  	v45 =	vld [tilespmem:s1+$0x79D0]  }
0x6c: {  	v49 =	vld [tilespmem:s1+$0x29F0]  }
0x6d: {  	v50 =	vld [tilespmem:s1+$0x9F0]  }
0x6e: {  	[tilespmem:$0x1FF50] =	vst v0;
	v0 =	vld [tilespmem:s1+$0x48E0]  }
0x6f: {  	v52 =	vld [tilespmem:s1+$0x39F0]  }
0x70: {  	v53 =	vld [tilespmem:s1+$0x19F0]  }
0x71: {  	v57 =	vld [tilespmem:s1+$0x69B0]  }
0x72: {  	v59 =	vld [tilespmem:s1+$0x79B0]  }
0x73: {  	[tilespmem:$0x1FF80] =	vst v0;
	v0 =	vld [tilespmem:s1+$0x48B0]  }
0x74: {  	v60 =	vld [tilespmem:s1+$0x69C0]  }
0x75: {  	v61 =	vld [tilespmem:s1+$0x79C0]  }
0x76: {  	v62 =	vld [tilespmem:s1+$0x29E0]  }
0x77: {  	v63 =	vld [tilespmem:s1+$0x9E0]  }
0x78: {  	[tilespmem:$0x1FFA0] =	vst v0;
	v0 =	vld [tilespmem:s1+$0x48C0]  }
0x79: {  	v6 =	vld [tilespmem:s1+$0x39E0]  }
0x7a: {  	v3 =	vld [tilespmem:s1+$0x19E0]  }
0x7b: {  	v21 =	vld [tilespmem:s1+$0x6990]  }
0x7c: {  	v22 =	vld [tilespmem:s1+$0x7990]  }
0x7d: {  	[tilespmem:$0x1FF60] =	vst v0;
	v0 =	vld [tilespmem:s1+$0x58C0]  }
0x7e: {  	v36 =	vld [tilespmem:s1+$0x69A0]  }
0x7f: {  	v55 =	vld [tilespmem:s1+$0x79A0]  }
0x80: {  	v5 =	vld [tilespmem:s1+$0x29D0]  }
0x81: {  	v4 =	vld [tilespmem:s1+$0x9D0]  }
0x82: {  	[tilespmem:$0x1FF70] =	vst v0;
	v0 =	vld [tilespmem:s1+$0x5870]  }
0x83: {  	v7 =	vld [tilespmem:s1+$0x39D0]  }
0x84: {  	v2 =	vld [tilespmem:s1+$0x19D0]  }
0x85: {  	v54 =	vld [tilespmem:s1+$0x6970]  }
0x86: {  	v51 =	vld [tilespmem:s1+$0x7970]  }
0x87: {  	[tilespmem:$0x1FFE0] =	vst v0;
	v0 =	vld [tilespmem:s1+$0x4890]  }
0x88: {  	v23 =	vld [tilespmem:s1+$0x6980]  }
0x89: {  	v56 =	vld [tilespmem:s1+$0x7980]  }
0x8a: {  	v16 =	vld [tilespmem:s1+$0x29B0]  }
0x8b: {  	v15 =	vld [tilespmem:s1+$0x9B0]  }
0x8c: {  	[tilespmem:$0x1FFD0] =	vst v0;
	v0 =	vld [tilespmem:s1+$0x48A0]  }
0x8d: {  	v18 =	vld [tilespmem:s1+$0x39B0]  }
0x8e: {  	v17 =	vld [tilespmem:s1+$0x19B0]  }
0x8f: {  	v9 =	vld [tilespmem:s1+$0x29C0]  }
0x90: {  	v8 =	vld [tilespmem:s1+$0x9C0]  }
0x91: {  	[tilespmem:$0x1FFB0] =	vst v0;
	v0 =	vld [tilespmem:s1+$0x58A0]  }
0x92: {  	v11 =	vld [tilespmem:s1+$0x39C0]  }
0x93: {  	v10 =	vld [tilespmem:s1+$0x19C0]  }
0x94: {  	v25 =	vld [tilespmem:s1+$0x6950]  }
0x95: {  	v46 =	vld [tilespmem:s1+$0x7950];
	v1 =	vadd.f32 v49, v50  }
0x96: {  	v47 =	vld [tilespmem:s1+$0x6960];
	v49 =	vsub.f32 v50, v49;
	[tilespmem:$0x1FFC0] =	vst v0;
	v0 =	vadd.f32 v52, v53  }
0x97: {  	v48 =	vld [tilespmem:s1+$0x7960];
	v1 =	vmul.f32 v19, v1;
	v52 =	vsub.f32 v53, v52  }
0x98: {  	v14 =	vld [tilespmem:s1+$0x2990];
	v0 =	vmul.f32 v12, v0;
	v12 =	vmul.f32 v12, v49  }
0x99: {  	v13 =	vld [tilespmem:s1+$0x990];
	v19 =	vmul.f32 v19, v52;
	v52 =	vsub.f32 v63, v62;
	v62 =	vadd.f32 v62, v63  }
0x9a: {  	v20 =	vld [tilespmem:s1+$0x9A0];
	v63 =	vsub.f32 v3, v6;
	v3 =	vadd.f32 v6, v3  }
0x9b: {  	v50 =	vld [tilespmem:s1+$0x3990];
	v0 =	vadd.f32 v1, v0;
	v12 =	vsub.f32 v12, v19  }
0x9c: {  	v53 =	vld [tilespmem:s1+$0x1990];
	v6 =	vmul.f32 v32, v62;
	v32 =	vmul.f32 v32, v63;
	v19 =	vadd.f32 v5, v4  }
0x9d: {  	v49 =	vld [tilespmem:s1+$0x29A0];
	v62 =	vadd.f32 v7, v2;
	v3 =	vmul.f32 v29, v3;
	v4 =	vsub.f32 v4, v5  }
0x9e: {  	v1 =	vld [tilespmem:s1+$0x39A0];
	v52 =	vmul.f32 v29, v52;
	v2 =	vsub.f32 v2, v7;
	v0 =	vadd.f32 v24, v0  }
0x9f: {  	v63 =	vld [tilespmem:s1+$0x5850];
	[tilespmem:$0x1FE60] =	vst v12;
	v5 =	vmul.f32 v45, v19;
	v7 =	vmul.f32 v33, v62;
	v3 =	vadd.f32 v6, v3  }
0xa0: {  	v29 =	vld [tilespmem:s1+$0x4870];
	v24 =	vmul.f32 v33, v4;
	v6 =	vsub.f32 v8, v9;
	[tilespmem:$0x1FE70] =	vst v0;
	v0 =	vsub.f32 v52, v32  }
0xa1: {  	v12 =	vld [tilespmem:s1+$0x19A0];
	v5 =	vadd.f32 v5, v7;
	[tilespmem:$0x1FE80] =	vst v3;
	v3 =	vmul.f32 v45, v2;
	v7 =	vsub.f32 v10, v11  }
0xa2: {  	v19 =	vld [tilespmem:s1+$0x4880];
	v8 =	vadd.f32 v9, v8;
	v9 =	vadd.f32 v11, v10;
	v6 =	vmul.f32 v60, v6  }
0xa3: {  	v4 =	vld [tilespmem:s1+$0x6930];
	v3 =	vsub.f32 v24, v3;
	v7 =	vmul.f32 v61, v7;
	v0 =	vadd.f32 v0, v26  }
0xa4: {  	v62 =	vld [tilespmem:s1+$0x7940];
	v8 =	vmul.f32 v61, v8;
	v5 =	vadd.f32 v28, v5;
	v24 =	vadd.f32 v16, v15  }
0xa5: {  	v33 =	vld [tilespmem:s1+$0x4860];
	[tilespmem:$0x1FE90] =	vst v0;
	v0 =	vadd.f32 v3, v27;
	v3 =	vmul.f32 v60, v9;
	v6 =	vsub.f32 v6, v7  }
0xa6: {  	v2 =	vld [tilespmem:s1+$0x7930];
	v26 =	vadd.f32 v18, v17;
	v17 =	vsub.f32 v17, v18  }
0xa7: {  	v28 =	vld [tilespmem:s1+$0x2980];
	v3 =	vadd.f32 v8, v3;
	v8 =	vadd.f32 v6, v30  }
0xa8: {  	v7 =	vld [tilespmem:s1+$0x3970];
	v6 =	vsub.f32 v15, v16;
	v15 =	vmul.f32 v59, v24;
	v16 =	vmul.f32 v57, v26  }
0xa9: {  	v9 =	vld [tilespmem:s1+$0x1970];
	v30 =	vsub.f32 v53, v50;
	v3 =	vadd.f32 v31, v3  }
0xaa: {  	v17 =	vmul.f32 v59, v17;
	v24 =	vld [tilespmem:s1+$0x980];
	v60 =	vadd.f32 v15, v16;
	v16 =	vadd.f32 v14, v13  }
0xab: {  	v45 =	vld [tilespmem:s1+$0x6940];
	v26 =	vmul.f32 v57, v6;
	v13 =	vsub.f32 v13, v14;
	v14 =	vadd.f32 v50, v53  }
0xac: {  	v10 =	vld [tilespmem:s1+$0x2970];
	v0 =	vand.u32 $0x7FFFFFFF, v0;
	v8 =	vand.u32 $0x7FFFFFFF, v8;
	v3 =	vand.u32 $0x7FFFFFFF, v3  }
0xad: {  	v11 =	vld [tilespmem:s1+$0x970];
	v17 =	vsub.f32 v26, v17;
	v3 =	vadd.f32 v3, v8;
	v8 =	vmul.f32 v21, v14  }
0xae: {  	v32 =	vld [tilespmem:s1+$0x5860];
	v14 =	vmul.f32 v22, v16;
	v16 =	vmul.f32 v22, v30;
	v30 =	vsub.f32 v9, v7  }
0xaf: {  	v18 =	vld [tilespmem:s1+$0x3980];
	v13 =	vmul.f32 v21, v13;
	v59 =	vadd.f32 v17, v34;
	v17 =	vsub.f32 v24, v28  }
0xb0: {  	v15 =	vld [tilespmem:s1+$0x1980];
	v0 =	vadd.f32 v0, v3;
	v8 =	vadd.f32 v14, v8  }
0xb1: {  	v52 =	vld [tilespmem:s1+$0x6910];
	v13 =	vsub.f32 v13, v16;
	v3 =	vand.u32 $0x7FFFFFFF, v5;
	v5 =	vsub.f32 v20, v49  }
0xb2: {  	v27 =	vld [tilespmem:s1+$0x4850];
	v16 =	vsub.f32 v12, v1;
	v1 =	vadd.f32 v1, v12  }
0xb3: {  	v6 =	vld [tilespmem:s1+$0x5810];
	v21 =	vadd.f32 v0, v3;
	v0 =	vadd.f32 v37, v8  }
0xb4: {  	v53 =	vld [tilespmem:s1+$0x7910];
	v8 =	vadd.f32 v49, v20;
	v20 =	vadd.f32 v28, v24  }
0xb5: {  	v57 =	vld [tilespmem:s1+$0x7920];
	v17 =	vmul.f32 v23, v17;
	v24 =	vsub.f32 v15, v18;
	v15 =	vadd.f32 v18, v15  }
0xb6: {  	v22 =	vld [tilespmem:s1+$0x3950];
	v16 =	vmul.f32 v55, v16;
	v28 =	vadd.f32 v10, v11;
	v5 =	vmul.f32 v36, v5  }
0xb7: {  	v18 =	vld [tilespmem:s1+$0x1950];
	v10 =	vsub.f32 v11, v10;
	v1 =	vmul.f32 v36, v1;
	v8 =	vmul.f32 v55, v8  }
0xb8: {  	v26 =	vld [tilespmem:s1+$0x2960];
	v7 =	vadd.f32 v7, v9;
	v11 =	vmul.f32 v56, v20;
	v20 =	vmul.f32 v56, v24  }
0xb9: {  	v14 =	vld [tilespmem:s1+$0x2950];
	v13 =	vadd.f32 v13, v35;
	v15 =	vmul.f32 v23, v15;
	v10 =	vmul.f32 v54, v10  }
0xba: {  	v24 =	vld [tilespmem:s1+$0x960];
	v5 =	vsub.f32 v5, v16;
	v16 =	vmul.f32 v51, v28;
	v17 =	vsub.f32 v17, v20  }
0xbb: {  	v12 =	vld [tilespmem:s1+$0x950];
	v11 =	vadd.f32 v11, v15;
	v15 =	vmul.f32 v54, v7;
	v56 =	vadd.f32 v8, v1  }
0xbc: {  	v9 =	vld [tilespmem:s1+$0x1960];
	v20 =	vmul.f32 v51, v30;
	v31 =	vsub.f32 v18, v22;
	v18 =	vadd.f32 v22, v18  }
0xbd: {  	v23 =	vld [tilespmem:s1+$0x3960];
	v17 =	vadd.f32 v17, v39;
	v28 =	vadd.f32 v38, v11  }
0xbe: {  	v3 =	vld [tilespmem:s1+$0x6920];
	v15 =	vadd.f32 v16, v15;
	v1 =	vsub.f32 v10, v20  }
0xbf: {  	v36 =	vld [tilespmem:s1+$0x4810];
	v20 =	vadd.f32 v26, v24;
	v10 =	vand.u32 $0x7FFFFFFF, v17;
	v16 =	vand.u32 $0x7FFFFFFF, v28  }
0xc0: {  	v7 =	vld [tilespmem:s1+$0x4840];
	v28 =	vadd.f32 v14, v12;
	v10 =	vadd.f32 v16, v10  }
0xc1: {  	v51 =	vld [tilespmem:s1+$0x68F0];
	v16 =	vadd.f32 v1, v40;
	v1 =	vand.u32 $0x7FFFFFFF, v13;
	v13 =	vsub.f32 v24, v26  }
0xc2: {  	v24 =	vld [tilespmem:s1+$0x930];
	v26 =	vsub.f32 v9, v23;
	v9 =	vadd.f32 v23, v9  }
0xc3: {  	v12 =	vsub.f32 v12, v14;
	v23 =	vld [tilespmem:s1+$0x3930];
	v20 =	vmul.f32 v48, v20;
	v13 =	vmul.f32 v47, v13  }
0xc4: {  	v1 =	vadd.f32 v1, v10;
	v10 =	vld [tilespmem:s1+$0x2930];
	v14 =	vmul.f32 v48, v26;
	v9 =	vmul.f32 v47, v9  }
0xc5: {  	v18 =	vmul.f32 v25, v18;
	v26 =	vld [tilespmem:s1+$0x1930]  }
0xc6: {  	v54 =	vld [tilespmem:s1+$0x78F0];
	v12 =	vmul.f32 v25, v12;
	v13 =	vsub.f32 v13, v14;
	v9 =	vadd.f32 v20, v9  }
0xc7: {  	v61 =	vadd.f32 v5, v58;
	v58 =	vld [tilespmem:s1+$0x6900];
	v14 =	vmul.f32 v46, v28;
	v20 =	vmul.f32 v46, v31  }
0xc8: {  	v30 =	vld [tilespmem:s1+$0x2940];
	v25 =	vadd.f32 v13, v42;
	v43 =	vadd.f32 v43, v9  }
0xc9: {  	v5 =	vld [tilespmem:$0x1FEA0];
	v12 =	vsub.f32 v12, v20;
	v9 =	vadd.f32 v14, v18  }
0xca: {  	v0 =	vand.u32 $0x7FFFFFFF, v0;
	v22 =	vld [tilespmem:s1+$0x940];
	v14 =	vadd.f32 v10, v24;
	v20 =	vadd.f32 v23, v26  }
0xcb: {  	v28 =	vld [tilespmem:s1+$0x3940];
	v38 =	vadd.f32 v1, v0;
	v18 =	vsub.f32 v24, v10;
	v0 =	vand.u32 $0x7FFFFFFF, v25  }
0xcc: {  	v31 =	vld [tilespmem:s1+$0x1940];
	v10 =	vand.u32 $0x7FFFFFFF, v43;
	v14 =	vmul.f32 v2, v14;
	v20 =	vmul.f32 v4, v20  }
0xcd: {  	v16 =	vand.u32 $0x7FFFFFFF, v16;
	v25 =	vld [tilespmem:s1+$0x2910];
	v24 =	vadd.f32 v10, v0  }
0xce: {  	v23 =	vsub.f32 v26, v23;
	v4 =	vmul.f32 v4, v18;
	v18 =	vld [tilespmem:s1+$0x920];
	v14 =	vadd.f32 v14, v20  }
0xcf: {  	v10 =	vadd.f32 v12, v44;
	v12 =	vadd.f32 v16, v24;
	v16 =	vld [tilespmem:s1+$0x2920]  }
0xd0: {  	v15 =	vadd.f32 v41, v15;
	v2 =	vmul.f32 v2, v23;
	v26 =	vadd.f32 v5, v14;
	v5 =	vld [tilespmem:$0x1FEB0]  }
0xd1: {  	v20 =	vld [tilespmem:s1+$0x3920]  }
0xd2: {  	v15 =	vand.u32 $0x7FFFFFFF, v15;
	v2 =	vsub.f32 v4, v2;
	v4 =	vld [tilespmem:s1+$0x1920]  }
0xd3: {  	v23 =	vsub.f32 v22, v30;
	v40 =	vadd.f32 v12, v15;
	v15 =	vld [tilespmem:s1+$0x910]  }
0xd4: {  	v11 =	vld [tilespmem:s1+$0x5840]  }
0xd5: {  	v17 =	vld [tilespmem:s1+$0x7900];
	v12 =	vmul.f32 v45, v23;
	v23 =	vadd.f32 v2, v5  }
0xd6: {  	v41 =	vld [tilespmem:s1+$0x68A0];
	v2 =	vadd.f32 v30, v22;
	v30 =	vsub.f32 v18, v16  }
0xd7: {  	v47 =	vld [tilespmem:s1+$0x68D0];
	v16 =	vadd.f32 v16, v18;
	v18 =	vsub.f32 v4, v20  }
0xd8: {  	v24 =	vsub.f32 v31, v28;
	v44 =	vadd.f32 v25, v15;
	v5 =	vld [tilespmem:$0x1FEC0]  }
0xd9: {  	v48 =	vld [tilespmem:s1+$0x1900];
	v15 =	vsub.f32 v15, v25;
	v18 =	vmul.f32 v57, v18;
	v25 =	vmul.f32 v3, v30  }
0xda: {  	v14 =	vmul.f32 v62, v24;
	v24 =	vadd.f32 v28, v31;
	v28 =	vld [tilespmem:s1+$0x1910]  }
0xdb: {  	v22 =	vld [tilespmem:s1+$0x3910];
	v18 =	vsub.f32 v25, v18  }
0xdc: {  	v46 =	vld [tilespmem:s1+$0x78D0];
	v20 =	vadd.f32 v20, v4  }
0xdd: {  	v18 =	vadd.f32 v18, v5;
	v5 =	vld [tilespmem:$0x1FED0]  }
0xde: {  	v1 =	vld [tilespmem:s1+$0x68E0];
	v16 =	vmul.f32 v57, v16;
	v3 =	vmul.f32 v3, v20  }
0xdf: {  	v13 =	vld [tilespmem:s1+$0x4800];
	v24 =	vmul.f32 v45, v24  }
0xe0: {  	v43 =	vld [tilespmem:s1+$0x6870];
	v2 =	vmul.f32 v62, v2;
	v3 =	vadd.f32 v16, v3;
	v20 =	vsub.f32 v28, v22  }
0xe1: {  	v0 =	vld [tilespmem:s1+$0x78E0];
	v25 =	vmul.f32 v52, v15  }
0xe2: {  	v15 =	vadd.f32 v2, v24;
	v2 =	vmul.f32 v53, v20;
	v3 =	vadd.f32 v5, v3;
	v5 =	vld [tilespmem:$0x1FEE0]  }
0xe3: {  	v30 =	vld [tilespmem:s1+$0x2900];
	v22 =	vadd.f32 v22, v28  }
0xe4: {  	v24 =	vsub.f32 v25, v2;
	v2 =	vld [tilespmem:$0x1FEF0]  }
0xe5: {  	v14 =	vsub.f32 v12, v14;
	v28 =	vld [tilespmem:s1+$0x900];
	v16 =	vmul.f32 v52, v22;
	v22 =	vmul.f32 v53, v44  }
0xe6: {  	v45 =	vld [tilespmem:s1+$0x3900]  }
0xe7: {  	v16 =	vadd.f32 v22, v16;
	v14 =	vadd.f32 v14, v5;
	v5 =	vld [tilespmem:$0x1FF00]  }
0xe8: {  	v31 =	vld [tilespmem:s1+$0x68C0]  }
0xe9: {  	v12 =	vld [tilespmem:s1+$0x68B0];
	v18 =	vand.u32 $0x7FFFFFFF, v18;
	v50 =	vand.u32 $0x7FFFFFFF, v3;
	v37 =	vadd.f32 v2, v16  }
0xea: {  	v4 =	vld [tilespmem:s1+$0x78B0];
	v2 =	vadd.f32 v30, v28;
	v18 =	vadd.f32 v50, v18  }
0xeb: {  	v23 =	vand.u32 $0x7FFFFFFF, v23;
	v57 =	vld [tilespmem:s1+$0x38D0];
	v49 =	vsub.f32 v28, v30;
	v30 =	vsub.f32 v48, v45  }
0xec: {  	v52 =	vmul.f32 v17, v2;
	v18 =	vadd.f32 v23, v18;
	v23 =	vadd.f32 v24, v5;
	v5 =	vld [tilespmem:$0x1FF10]  }
0xed: {  	v22 =	vld [tilespmem:s1+$0x28F0];
	v17 =	vmul.f32 v17, v30;
	v30 =	vmul.f32 v58, v49  }
0xee: {  	v25 =	vld [tilespmem:s1+$0x8F0]  }
0xef: {  	v16 =	vld [tilespmem:s1+$0x38F0];
	v17 =	vsub.f32 v30, v17  }
0xf0: {  	v34 =	vadd.f32 v45, v48;
	v28 =	vld [tilespmem:s1+$0x18F0]  }
0xf1: {  	v17 =	vadd.f32 v17, v5;
	v5 =	vld [tilespmem:$0x1FF20]  }
0xf2: {  	v34 =	vmul.f32 v58, v34;
	v20 =	vld [tilespmem:s1+$0x78C0]  }
0xf3: {  	v53 =	vld [tilespmem:s1+$0x28D0];
	v55 =	vadd.f32 v22, v25  }
0xf4: {  	v22 =	vsub.f32 v25, v22;
	v25 =	vld [tilespmem:s1+$0x8D0];
	v30 =	vadd.f32 v52, v34  }
0xf5: {  	v58 =	vadd.f32 v16, v28;
	v16 =	vsub.f32 v28, v16;
	v28 =	vld [tilespmem:s1+$0x18D0]  }
0xf6: {  	v26 =	vand.u32 $0x7FFFFFFF, v26;
	v30 =	vadd.f32 v5, v30;
	v5 =	vld [tilespmem:$0x1FF30]  }
0xf7: {  	v48 =	vld [tilespmem:s1+$0x28E0];
	v39 =	vadd.f32 v18, v26;
	v18 =	vmul.f32 v51, v22;
	v22 =	vmul.f32 v54, v16  }
0xf8: {  	v45 =	vld [tilespmem:s1+$0x28C0];
	v17 =	vand.u32 $0x7FFFFFFF, v17;
	v30 =	vand.u32 $0x7FFFFFFF, v30  }
0xf9: {  	v49 =	vld [tilespmem:s1+$0x38E0];
	v18 =	vsub.f32 v18, v22;
	v17 =	vadd.f32 v30, v17  }
0xfa: {  	v26 =	vld [tilespmem:s1+$0x8E0];
	v23 =	vand.u32 $0x7FFFFFFF, v23;
	v50 =	vadd.f32 v57, v28;
	v30 =	vadd.f32 v53, v25  }
0xfb: {  	v62 =	vmul.f32 v51, v58;
	v23 =	vadd.f32 v23, v17;
	v17 =	vadd.f32 v18, v5;
	v5 =	vld [tilespmem:$0x1FF40]  }
0xfc: {  	v22 =	vld [tilespmem:s1+$0x18E0];
	v51 =	vmul.f32 v47, v50;
	v25 =	vsub.f32 v25, v53;
	v30 =	vmul.f32 v46, v30  }
0xfd: {  	v52 =	vld [tilespmem:s1+$0x38C0]  }
0xfe: {  	v18 =	vmul.f32 v47, v25;
	v25 =	vld [tilespmem:s1+$0x8C0];
	v30 =	vadd.f32 v30, v51  }
0xff: {  	v35 =	vmul.f32 v54, v55;
	v54 =	vld [tilespmem:s1+$0x18C0];
	v28 =	vsub.f32 v28, v57  }
0x100: {  	v30 =	vadd.f32 v5, v30;
	v5 =	vld [tilespmem:$0x1FF50]  }
0x101: {  	v3 =	vld [tilespmem:s1+$0x6890];
	v16 =	vadd.f32 v35, v62;
	v28 =	vmul.f32 v46, v28;
	v55 =	vsub.f32 v22, v49  }
0x102: {  	v2 =	vld [tilespmem:s1+$0x7890];
	v53 =	vsub.f32 v26, v48;
	v26 =	vadd.f32 v48, v26  }
0x103: {  	v34 =	vld [tilespmem:s1+$0x28B0];
	v44 =	vmul.f32 v0, v55;
	v18 =	vsub.f32 v18, v28;
	v62 =	vadd.f32 v45, v25  }
0x104: {  	v24 =	vld [tilespmem:s1+$0x78A0];
	v26 =	vmul.f32 v0, v26;
	v0 =	vsub.f32 v25, v45;
	v25 =	vsub.f32 v54, v52  }
0x105: {  	v42 =	vadd.f32 v52, v54;
	v52 =	vmul.f32 v20, v62;
	v18 =	vadd.f32 v18, v5;
	v5 =	vld [tilespmem:$0x1FF60]  }
0x106: {  	v58 =	vld [tilespmem:s1+$0x18B0];
	v20 =	vmul.f32 v20, v25;
	v25 =	vmul.f32 v31, v0  }
0x107: {  	v57 =	vld [tilespmem:s1+$0x38B0]  }
0x108: {  	v50 =	vld [tilespmem:s1+$0x7860];
	v25 =	vsub.f32 v25, v20  }
0x109: {  	v22 =	vadd.f32 v49, v22;
	v49 =	vld [tilespmem:s1+$0x3880]  }
0x10a: {  	v25 =	vadd.f32 v25, v5;
	v5 =	vld [tilespmem:$0x1FF70]  }
0x10b: {  	v55 =	vld [tilespmem:s1+$0x28A0];
	v31 =	vmul.f32 v31, v42  }
0x10c: {  	v48 =	vld [tilespmem:s1+$0x7870]  }
0x10d: {  	v46 =	vld [tilespmem:s1+$0x7880];
	v31 =	vadd.f32 v52, v31  }
0x10e: {  	v28 =	vld [tilespmem:s1+$0x8B0]  }
0x10f: {  	v37 =	vand.u32 $0x7FFFFFFF, v37;
	v31 =	vadd.f32 v5, v31;
	v5 =	vld [tilespmem:$0x1FF80]  }
0x110: {  	v47 =	vld [tilespmem:s1+$0x6860];
	v23 =	vadd.f32 v23, v37;
	v37 =	vmul.f32 v1, v53  }
0x111: {  	v51 =	vld [tilespmem:s1+$0x7810]  }
0x112: {  	v1 =	vmul.f32 v1, v22;
	v22 =	vsub.f32 v58, v57;
	v37 =	vsub.f32 v37, v44;
	v44 =	vld [tilespmem:s1+$0x7850]  }
0x113: {  	v45 =	vld [tilespmem:s1+$0x6880];
	v54 =	vadd.f32 v57, v58;
	v53 =	vadd.f32 v34, v28  }
0x114: {  	v20 =	vadd.f32 v26, v1;
	v26 =	vadd.f32 v37, v5;
	v5 =	vld [tilespmem:$0x1FF90]  }
0x115: {  	v57 =	vld [tilespmem:s1+$0x8A0];
	v28 =	vsub.f32 v28, v34;
	v34 =	vmul.f32 v12, v54;
	v1 =	vmul.f32 v4, v53  }
0x116: {  	v58 =	vld [tilespmem:s1+$0x890]  }
0x117: {  	v12 =	vmul.f32 v12, v28;
	v28 =	vld [tilespmem:s1+$0x38A0];
	v1 =	vadd.f32 v1, v34  }
0x118: {  	v4 =	vmul.f32 v4, v22;
	v22 =	vld [tilespmem:s1+$0x18A0]  }
0x119: {  	v1 =	vadd.f32 v5, v1;
	v5 =	vld [tilespmem:$0x1FFA0]  }
0x11a: {  	v0 =	vld [tilespmem:s1+$0x6850]  }
0x11b: {  	v53 =	vld [tilespmem:s1+$0x1890];
	v62 =	vsub.f32 v57, v55  }
0x11c: {  	v35 =	vadd.f32 v55, v57;
	v4 =	vsub.f32 v12, v4;
	v12 =	vld [tilespmem:s1+$0x2890]  }
0x11d: {  	v34 =	vld [tilespmem:s1+$0x1870];
	v52 =	vsub.f32 v22, v28;
	v22 =	vadd.f32 v28, v22  }
0x11e: {  	v25 =	vand.u32 $0x7FFFFFFF, v25;
	v31 =	vand.u32 $0x7FFFFFFF, v31;
	v4 =	vadd.f32 v4, v5;
	v5 =	vld [tilespmem:$0x1FFB0]  }
0x11f: {  	v28 =	vmul.f32 v41, v62;
	v54 =	vmul.f32 v24, v52;
	v25 =	vadd.f32 v31, v25;
	v31 =	vld [tilespmem:s1+$0x3890]  }
0x120: {  	v37 =	vld [tilespmem:s1+$0x3870]  }
0x121: {  	v55 =	vld [tilespmem:s1+$0x870];
	v18 =	vand.u32 $0x7FFFFFFF, v18;
	v24 =	vmul.f32 v24, v35;
	v28 =	vsub.f32 v28, v54  }
0x122: {  	v22 =	vmul.f32 v41, v22;
	v57 =	vadd.f32 v12, v58;
	v18 =	vadd.f32 v18, v25;
	v25 =	vld [tilespmem:s1+$0x2870]  }
0x123: {  	v12 =	vsub.f32 v58, v12;
	v58 =	vadd.f32 v28, v5;
	v5 =	vld [tilespmem:$0x1FFC0]  }
0x124: {  	v42 =	vld [tilespmem:s1+$0x6810];
	v22 =	vadd.f32 v24, v22;
	v24 =	vadd.f32 v31, v53  }
0x125: {  	v52 =	vld [tilespmem:s1+$0x2850];
	v41 =	vmul.f32 v2, v57;
	v31 =	vsub.f32 v53, v31;
	v62 =	vadd.f32 v37, v34  }
0x126: {  	v24 =	vmul.f32 v3, v24;
	v3 =	vmul.f32 v3, v12;
	v12 =	vld [tilespmem:s1+$0x2880]  }
0x127: {  	v2 =	vmul.f32 v2, v31;
	v57 =	vmul.f32 v43, v62;
	v62 =	vld [tilespmem:s1+$0x1860]  }
0x128: {  	v31 =	vadd.f32 v25, v55;
	v28 =	vand.u32 $0x7FFFFFFF, v30;
	v22 =	vadd.f32 v5, v22;
	v5 =	vld [tilespmem:$0x1FFD0]  }
0x129: {  	v34 =	vsub.f32 v34, v37;
	v30 =	vadd.f32 v18, v28;
	v18 =	vld [tilespmem:s1+$0x880]  }
0x12a: {  	v2 =	vsub.f32 v3, v2;
	v28 =	vadd.f32 v41, v24;
	v41 =	vld [tilespmem:s1+$0x2840]  }
0x12b: {  	v31 =	vmul.f32 v48, v31;
	v24 =	vand.u32 $0x7FFFFFFF, v58;
	v58 =	vld [tilespmem:s1+$0x3860];
	v22 =	vand.u32 $0x7FFFFFFF, v22  }
0x12c: {  	v3 =	vadd.f32 v22, v24;
	v22 =	vld [tilespmem:s1+$0x1880];
	v24 =	vsub.f32 v55, v25  }
0x12d: {  	v35 =	vadd.f32 v31, v57;
	v4 =	vand.u32 $0x7FFFFFFF, v4;
	v25 =	vadd.f32 v2, v5;
	v2 =	vld [tilespmem:s1+$0x2860]  }
0x12e: {  	v24 =	vmul.f32 v43, v24;
	v3 =	vadd.f32 v4, v3;
	v4 =	vmul.f32 v48, v34;
	v48 =	vld [tilespmem:s1+$0x860]  }
0x12f: {  	v31 =	vsub.f32 v18, v12;
	v12 =	vadd.f32 v12, v18;
	v5 =	vld [tilespmem:$0x1FFE0]  }
0x130: {  	v54 =	vsub.f32 v62, v58;
	v34 =	vld [tilespmem:s1+$0x7830];
	v4 =	vsub.f32 v24, v4  }
0x131: {  	v1 =	vand.u32 $0x7FFFFFFF, v1;
	v24 =	vld [tilespmem:s1+$0x850];
	v18 =	vsub.f32 v22, v49;
	v22 =	vadd.f32 v49, v22  }
0x132: {  	v53 =	vmul.f32 v45, v31;
	v12 =	vmul.f32 v46, v12;
	v31 =	vadd.f32 v3, v1;
	v1 =	vld [tilespmem:s1+$0x3850]  }
0x133: {  	v4 =	vadd.f32 v4, v29;
	v3 =	vmul.f32 v46, v18;
	v18 =	vld [tilespmem:s1+$0x1850];
	v22 =	vmul.f32 v45, v22  }
0x134: {  	v46 =	vadd.f32 v5, v35;
	v35 =	vld [tilespmem:s1+$0x6830];
	v55 =	vsub.f32 v48, v2  }
0x135: {  	v57 =	vmul.f32 v50, v54;
	v2 =	vadd.f32 v2, v48;
	v29 =	vadd.f32 v12, v22;
	v12 =	vld [tilespmem:s1+$0x2810]  }
0x136: {  	v3 =	vsub.f32 v53, v3;
	v22 =	vadd.f32 v58, v62;
	v58 =	vld [tilespmem:s1+$0x810];
	v45 =	vmul.f32 v47, v55  }
0x137: {  	v2 =	vmul.f32 v50, v2;
	v62 =	vadd.f32 v52, v24;
	v53 =	vld [tilespmem:s1+$0x3810];
	v24 =	vsub.f32 v24, v52  }
0x138: {  	v52 =	vld [tilespmem:s1+$0x3840];
	v22 =	vmul.f32 v47, v22;
	v37 =	vsub.f32 v45, v57;
	v19 =	vadd.f32 v3, v19  }
0x139: {  	v4 =	vand.u32 $0x7FFFFFFF, v4;
	v54 =	vadd.f32 v1, v18;
	v1 =	vsub.f32 v18, v1;
	v18 =	vld [tilespmem:s1+$0x1810]  }
0x13a: {  	v45 =	vld [tilespmem:s1+$0x6840];
	v2 =	vadd.f32 v2, v22;
	v22 =	vmul.f32 v44, v62;
	v33 =	vadd.f32 v37, v33  }
0x13b: {  	v3 =	vld [tilespmem:s1+$0x2830];
	v55 =	vmul.f32 v0, v54;
	v57 =	vsub.f32 v58, v12;
	v12 =	vadd.f32 v12, v58  }
0x13c: {  	v0 =	vmul.f32 v0, v24;
	v24 =	vld [tilespmem:s1+$0x830];
	v1 =	vmul.f32 v44, v1;
	v2 =	vadd.f32 v32, v2  }
0x13d: {  	v47 =	vld [tilespmem:s1+$0x3830];
	v33 =	vand.u32 $0x7FFFFFFF, v33;
	v22 =	vadd.f32 v22, v55;
	v12 =	vmul.f32 v51, v12  }
0x13e: {  	v37 =	vld [tilespmem:s1+$0x7840];
	v58 =	vsub.f32 v18, v53;
	v2 =	vand.u32 $0x7FFFFFFF, v2;
	v18 =	vadd.f32 v53, v18  }
0x13f: {  	v32 =	vmul.f32 v42, v57;
	v0 =	vsub.f32 v0, v1;
	v53 =	vld [tilespmem:s1+$0x1840];
	v2 =	vadd.f32 v2, v33  }
0x140: {  	v62 =	vld [tilespmem:s1+$0x840];
	v1 =	vadd.f32 v63, v22;
	v43 =	vmul.f32 v51, v58;
	v18 =	vmul.f32 v42, v18  }
0x141: {  	v55 =	vld [tilespmem:s1+$0x3800];
	v58 =	vadd.f32 v3, v24;
	v2 =	vadd.f32 v4, v2  }
0x142: {  	v57 =	vld [tilespmem:s1+$0x1800];
	v4 =	vsub.f32 v32, v43;
	v12 =	vadd.f32 v12, v18;
	v18 =	vand.u32 $0x7FFFFFFF, v46  }
0x143: {  	v22 =	vld [tilespmem:s1+$0x1830];
	v46 =	vadd.f32 v0, v27;
	v18 =	vadd.f32 v2, v18  }
0x144: {  	v54 =	vld [tilespmem:s1+$0x800];
	v27 =	vsub.f32 v53, v52;
	v2 =	vadd.f32 v4, v36  }
0x145: {  	s16 =	sadd.s32 $0x8800, s16;
	v43 =	vld [tilespmem:s1+$0x2800];
	v6 =	vadd.f32 v6, v12;
	v12 =	vsub.f32 v62, v41  }
0x146: {  	v5 =	vmov s16;
	v33 =	vld [tilespmem:s1+$0x820];
	v4 =	vsub.f32 v24, v3;
	v24 =	vadd.f32 v41, v62  }
0x147: {  	(xrf2) =	vadd.scan.msk.f32 $0xffff, v21;
	v0 =	vld [tilespmem:s1+$0x6800];
	v42 =	vsub.f32 v57, v55;
	v62 =	vadd.f32 v52, v53;
	v3 =	vmul.f32 v45, v12  }
0x148: {  	(xrf2) =	vadd.scan.msk.f32 $0xffff, v38;
	v63 =	vadd.f32 v47, v22;
	v36 =	vld [tilespmem:s1+$0x3820];
	v12 =	vmul.f32 v37, v27;
	v21 =	vmul.f32 v37, v24  }
0x149: {  	(xrf2) =	vadd.scan.msk.f32 $0xffff, v40;
	v22 =	vsub.f32 v22, v47;
	v27 =	vld [tilespmem:s1+$0x7800];
	v44 =	vmul.f32 v45, v62;
	v37 =	vmul.f32 v34, v58  }
0x14a: {  	(xrf2) =	vadd.scan.msk.f32 $0xffff, v39;
	v24 =	vld [tilespmem:s1+$0x2820];
	v39 =	vmul.f32 v35, v63;
	v38 =	vsub.f32 v54, v43;
	v41 =	vadd.f32 v43, v54  }
0x14b: {  	s17 =	simm.s32 $0x1;
	s16 =	simm.s32 $0x0;
	[tilespmem:$0x1FFF0] =	vst v5;
	v43 =	vadd.f32 v55, v57;
	v32 =	vsub.f32 v3, v12;
	v12 =	vld [tilespmem:s1+$0x6820];
	v3 =	vand.u32 $0x7FFFFFFF, v46  }
.LBB2_3:
0x14c: {  	v63 =	vld [tilespmem:s1+$0x1820];
	_ =	sdelay $0x2  }
0x14d: {  	v44 =	vadd.f32 v21, v44;
	v37 =	vadd.f32 v37, v39;
	v38 =	vmul.f32 v0, v38  }
0x14e: {  	v45 =	vld [tilespmem:s1+$0x7820];
	v40 =	vmul.f32 v27, v41;
	v27 =	vmul.f32 v27, v42;
	v7 =	vadd.f32 v32, v7  }
0x14f: {  	v46 =	vld [tilespmem:s1+$0x5800];
	v0 =	vmul.f32 v0, v43;
	v11 =	vadd.f32 v11, v44;
	v47 =	vsub.f32 v63, v36  }
0x150: {  	v35 =	vmul.f32 v35, v4;
	v49 =	vadd.f32 v36, v63;
	v21, _, _ =	vpop (xrf2);
	(xrf2) =	vadd.scan.msk.f32 $0xffff, v23;
	v23 =	vsub.f32 v38, v27  }
0x151: {  	v22 =	vmul.f32 v34, v22;
	v0 =	vadd.f32 v40, v0;
	v27 =	vsub.f32 v33, v24  }
0x152: {  	v48 =	vld [tilespmem:s1+$0x4820];
	v24 =	vadd.f32 v24, v33;
	v7 =	vand.u32 $0x7FFFFFFF, v7;
	v50 =	vand.u32 $0x7FFFFFFF, v11  }
0x153: {  	v4, _, _ =	vpop (xrf2);
	(xrf2) =	vadd.scan.msk.f32 $0xffff, v30;
	v30 =	vmul.f32 v45, v47;
	v13 =	vadd.f32 v23, v13;
	v23 =	vmul.f32 v12, v27;
	v27 =	vld [tilespmem:s1+$0x5820]  }
0x154: {  	v51 =	vld [tilespmem:s1+$0x4830];
	v24 =	vmul.f32 v45, v24;
	v5 =	vadd.f32 v46, v0;
	v12 =	vmul.f32 v12, v49  }
0x155: {  	v22 =	vsub.f32 v35, v22;
	v7 =	vadd.f32 v50, v7;
	v13 =	vand.u32 $0x7FFFFFFF, v13  }
0x156: {  	v11, _, _ =	vpop (xrf2);
	(xrf2) =	vadd.scan.msk.f32 $0xffff, v31;
	v31 =	vand.u32 $0x7FFFFFFF, v5;
	v23 =	vsub.f32 v23, v30;
	v12 =	vadd.f32 v24, v12;
	v24 =	vld [tilespmem:s1+$0x5880]  }
0x157: {  	v3 =	vadd.f32 v3, v7;
	v30 =	vld [tilespmem:s1+$0x5830];
	v13 =	vadd.f32 v31, v13  }
0x158: {  	v1 =	vand.u32 $0x7FFFFFFF, v1;
	v7 =	vadd.f32 v23, v48;
	v12 =	vadd.f32 v27, v12  }
0x159: {  	v2 =	vand.u32 $0x7FFFFFFF, v2;
	v0, _, _ =	vpop (xrf2);
	(xrf2) =	vadd.scan.msk.f32 $0xffff, v18;
	v18 =	vadd.f32 v22, v51;
	v1 =	vadd.f32 v3, v1;
	v3 =	vld [tilespmem:s1+$0x58E0]  }
0x15a: {  	v2 =	vadd.f32 v2, v13;
	v13 =	vld [tilespmem:s1+$0x5890];
	v7 =	vand.u32 $0x7FFFFFFF, v7;
	v12 =	vand.u32 $0x7FFFFFFF, v12  }
0x15b: {  	v6 =	vand.u32 $0x7FFFFFFF, v6;
	v7 =	vadd.f32 v12, v7;
	v12 =	vadd.f32 v24, v29  }
0x15c: {  	v22, _, _ =	vpop (xrf2);
	(xrf2) =	vadd.scan.msk.f32 $0xffff, v1;
	v1 =	vadd.f32 v2, v6;
	v2 =	vadd.f32 v30, v37;
	v6 =	vand.u32 $0x7FFFFFFF, v18;
	v18 =	vld [tilespmem:s1+$0x5940]  }
0x15d: {  	v6 =	vadd.f32 v6, v7;
	v7 =	vand.u32 $0x7FFFFFFF, v19;
	v12 =	vand.u32 $0x7FFFFFFF, v12;
	v19 =	vld [tilespmem:s1+$0x58F0]  }
0x15e: {  	v3 =	vadd.f32 v3, v20;
	v2 =	vand.u32 $0x7FFFFFFF, v2;
	v7 =	vadd.f32 v12, v7  }
0x15f: {  	v23, _, _ =	vpop (xrf2);
	(xrf2) =	vadd.scan.msk.f32 $0xffff, v1;
	v12 =	vld [tilespmem:s1+$0x59A0];
	v1 =	vadd.f32 v6, v2;
	v2 =	vadd.f32 v13, v28;
	v6 =	vand.u32 $0x7FFFFFFF, v25  }
0x160: {  	v20 =	vld [tilespmem:s1+$0x5950];
	v3 =	vand.u32 $0x7FFFFFFF, v3;
	v6 =	vadd.f32 v6, v7;
	v7 =	vand.u32 $0x7FFFFFFF, v26  }
0x161: {  	v2 =	vand.u32 $0x7FFFFFFF, v2;
	v3 =	vadd.f32 v3, v7;
	v7 =	vadd.f32 v18, v15  }
0x162: {  	v13, _, _ =	vpop (xrf2);
	(xrf2) =	vadd.scan.msk.f32 $0xffff, v1;
	v1 =	vadd.f32 v6, v2;
	v2 =	vadd.f32 v19, v16;
	v6 =	vand.u32 $0x7FFFFFFF, v17  }
0x163: {  	v3 =	vadd.f32 v6, v3;
	v6 =	vand.u32 $0x7FFFFFFF, v14;
	v7 =	vand.u32 $0x7FFFFFFF, v7  }
0x164: {  	v2 =	vand.u32 $0x7FFFFFFF, v2;
	v6 =	vadd.f32 v7, v6;
	v7 =	vadd.f32 v12, v56  }
0x165: {  	v16, _, _ =	vpop (xrf2);
	(xrf2) =	vadd.scan.msk.f32 $0xffff, v1;
	v1 =	vadd.f32 v3, v2;
	v2 =	vadd.f32 v20, v9;
	v3 =	vand.u32 $0x7FFFFFFF, v10  }
0x166: {  	v5 =	vand.u32 $0x7FFFFFFF, v61;
	v3 =	vadd.f32 v3, v6;
	v6 =	vand.u32 $0x7FFFFFFF, v7  }
0x167: {  	v2 =	vand.u32 $0x7FFFFFFF, v2;
	v5 =	vadd.f32 v6, v5  }
0x168: {  	v8 =	vld [tilespmem:s1+$0x49F0];
	v9, _, _ =	vpop (xrf2);
	(xrf2) =	vadd.scan.msk.f32 $0xffff, v1;
	v1 =	vadd.f32 v3, v2;
	v3 =	vand.u32 $0x7FFFFFFF, v59  }
0x169: {  	v10 =	vadd.f32 v3, v5;
	v5 =	vld [tilespmem:$0x1FE60]  }
0x16a: {  	v15 =	vld [tilespmem:s1+$0x59E0]  }
0x16b: {  	v14 =	vld [tilespmem:s1+$0x59B0]  }
0x16c: {  	v6 =	vld [tilespmem:$0x1FE80];
	_ =	sdelay $0x1  }
0x16d: {  	v5 =	vadd.f32 v5, v8;
	v8 =	vld [tilespmem:$0x1FE90];
	_ =	sdelay $0x2  }
0x16e: {  	v2 =	vadd.f32 v14, v60;
	v6 =	vadd.f32 v15, v6;
	_ =	sdelay $0x1  }
0x16f: {  	v2 =	vand.u32 $0x7FFFFFFF, v2;
	v6 =	vand.u32 $0x7FFFFFFF, v6;
	v8 =	vand.u32 $0x7FFFFFFF, v8  }
0x170: {  	v7, _, _ =	vpop (xrf2);
	(xrf2) =	vadd.scan.msk.f32 $0xffff, v1;
	v1 =	vadd.f32 v10, v2;
	v2 =	vadd.f32 v6, v8  }
0x171: {  	v5 =	vand.u32 $0x7FFFFFFF, v5  }
0x172: {  	v2 =	vadd.f32 v5, v2;
	v5 =	vld [tilespmem:$0x1FE70];
	_ =	sdelay $0x1  }
0x173: {  	v3, _, _ =	vpop (xrf2)  }
0x174: {  	v3 =	vbroadcast v3, $0xF;
	v8 =	vbroadcast v7, $0xF  }
0x175: {  	(xrf2) =	vadd.scan.msk.f32 $0xffff, v1;
	v7 =	vbroadcast v9, $0xF  }
0x176: {  	v6, _, _ =	vpop (xrf2);
	v1 =	vsel vm0, v8, v3;
	v3 =	vbroadcast v16, $0xF;
	v5 =	vand.u32 $0x7FFFFFFF, v5  }
0x177: {  	v1 =	vsel vm1, v1, v7;
	v7 =	vbroadcast v6, $0xF;
	v2 =	vadd.f32 v2, v5  }
0x178: {  	v1 =	vsel vm2, v1, v3;
	v3 =	vbroadcast v13, $0xF  }
0x179: {  	v6, _, _ =	vpop (xrf2);
	v1 =	vsel vm3, v1, v7;
	v5 =	vbroadcast v23, $0xF;
	(xrf2) =	vadd.scan.msk.f32 $0xffff, v2  }
0x17a: {  	v6 =	vbroadcast v6, $0xF;
	v1 =	vsel vm4, v1, v3  }
0x17b: {  	v3 =	vbroadcast v22, $0xF;
	v1 =	vsel vm5, v1, v5  }
0x17c: {  	v0 =	vbroadcast v0, $0xF;
	v1 =	vsel vm6, v1, v6;
	v2, _, _ =	vpop (xrf2)  }
0x17d: {  	v1 =	vsel vm7, v1, v3;
	v2 =	vbroadcast v2, $0xF  }
0x17e: {  	v0 =	vsel vm8, v1, v0;
	v1 =	vbroadcast v11, $0xF  }
0x17f: {  	v3, _, _ =	vpop (xrf2);
	v0 =	vsel vm9, v0, v2;
	v2 =	vbroadcast v4, $0xF  }
0x180: {  	v3 =	vbroadcast v3, $0xF;
	v0 =	vsel vm10, v0, v1  }
0x181: {  	v0 =	vsel vm11, v0, v2;
	v2 =	vbroadcast v21, $0xF  }
0x182: {  	v0 =	vsel vm12, v0, v3  }
0x183: {  	v0 =	vsel vm13, v0, v2;
	v1, _, _ =	vpop (xrf2)  }
0x184: {  	v0 =	vsel vm14, v0, v1;
	v1 =	vld [tilespmem:$0x1FFF0];
	_ =	sdelay $0x5  }
0x185: {  	s18 =	sshll.u32 s16, $0x4  }
0x186: {  	s18 =	sand.u32 $0x3FFFFFF0, s18  }
0x187: {  	s1 =	sshll.u32 s17, $0x9;
	[tilespmem:v1+s18+$0x0 ss:$0x1] =	vst.idx.msk $0xffff, v0  }
0x188: {  	v0 =	vld [tilespmem:s1+$0x5970];
	_ =	sdelay $0x4  }
0x189: {  	[tilespmem:$0x1FC90] =	vst v0;
	v0 =	vld [tilespmem:s1+$0x49A0];
	_ =	sdelay $0x4  }
0x18a: {  	[tilespmem:$0x1FC70] =	vst v0;
	v0 =	vld [tilespmem:s1+$0x4970];
	_ =	sdelay $0x4  }
0x18b: {  	[tilespmem:$0x1FC80] =	vst v0;
	v0 =	vld [tilespmem:s1+$0x5930];
	_ =	sdelay $0x4  }
0x18c: {  	[tilespmem:$0x1FCD0] =	vst v0;
	v0 =	vld [tilespmem:s1+$0x4950];
	_ =	sdelay $0x4  }
0x18d: {  	[tilespmem:$0x1FCC0] =	vst v0;
	v0 =	vld [tilespmem:s1+$0x4960];
	_ =	sdelay $0x4  }
0x18e: {  	[tilespmem:$0x1FCA0] =	vst v0;
	v0 =	vld [tilespmem:s1+$0x5960];
	_ =	sdelay $0x4  }
0x18f: {  	[tilespmem:$0x1FCB0] =	vst v0;
	v0 =	vld [tilespmem:s1+$0x5910];
	_ =	sdelay $0x4  }
0x190: {  	[tilespmem:$0x1FD20] =	vst v0;
	v0 =	vld [tilespmem:s1+$0x4930];
	_ =	sdelay $0x4  }
0x191: {  	[tilespmem:$0x1FCE0] =	vst v0;
	v0 =	vld [tilespmem:s1+$0x4940];
	_ =	sdelay $0x4  }
0x192: {  	[tilespmem:$0x1FD10] =	vst v0;
	v0 =	vld [tilespmem:s1+$0x4910];
	_ =	sdelay $0x4  }
0x193: {  	[tilespmem:$0x1FD30] =	vst v0;
	v0 =	vld [tilespmem:s1+$0x4920];
	_ =	sdelay $0x4  }
0x194: {  	[tilespmem:$0x1FCF0] =	vst v0;
	v0 =	vld [tilespmem:s1+$0x5920];
	_ =	sdelay $0x4  }
0x195: {  	[tilespmem:$0x1FD00] =	vst v0;
	v0 =	vld [tilespmem:s1+$0x58D0];
	_ =	sdelay $0x4  }
0x196: {  	[tilespmem:$0x1FD70] =	vst v0;
	v0 =	vld [tilespmem:s1+$0x48F0];
	_ =	sdelay $0x4  }
0x197: {  	[tilespmem:$0x1FD60] =	vst v0;
	v0 =	vld [tilespmem:s1+$0x4900];
	_ =	sdelay $0x4  }
0x198: {  	[tilespmem:$0x1FD40] =	vst v0;
	v0 =	vld [tilespmem:s1+$0x5900];
	_ =	sdelay $0x4  }
0x199: {  	[tilespmem:$0x1FD50] =	vst v0;
	v0 =	vld [tilespmem:s1+$0x58B0];
	_ =	sdelay $0x4  }
0x19a: {  	[tilespmem:$0x1FDC0] =	vst v0;
	v0 =	vld [tilespmem:s1+$0x48D0];
	_ =	sdelay $0x4  }
0x19b: {  	[tilespmem:$0x1FD80] =	vst v0;
	v0 =	vld [tilespmem:s1+$0x48E0];
	_ =	sdelay $0x4  }
0x19c: {  	[tilespmem:$0x1FDB0] =	vst v0;
	v0 =	vld [tilespmem:s1+$0x48B0];
	_ =	sdelay $0x2  }
0x19d: {  	v35 =	vld [tilespmem:s1+$0x59F0]  }
0x19e: {  	v40 =	vld [tilespmem:s1+$0x59D0]  }
0x19f: {  	[tilespmem:$0x1FDD0] =	vst v0;
	v0 =	vld [tilespmem:s1+$0x48C0]  }
0x1a0: {  	v36 =	vld [tilespmem:s1+$0x49E0]  }
0x1a1: {  	v38 =	vld [tilespmem:s1+$0x49D0]  }
0x1a2: {  	v44 =	vld [tilespmem:s1+$0x5990]  }
0x1a3: {  	v42 =	vld [tilespmem:s1+$0x49B0]  }
0x1a4: {  	[tilespmem:$0x1FD90] =	vst v0;
	v0 =	vld [tilespmem:s1+$0x58C0]  }
0x1a5: {  	v41 =	vld [tilespmem:s1+$0x49C0]  }
0x1a6: {  	v39 =	vld [tilespmem:s1+$0x59C0]  }
0x1a7: {  	v43 =	vld [tilespmem:s1+$0x4990]  }
0x1a8: {  	v47 =	vld [tilespmem:s1+$0x69F0]  }
0x1a9: {  	[tilespmem:$0x1FDA0] =	vst v0;
	v0 =	vld [tilespmem:s1+$0x5870]  }
0x1aa: {  	v48 =	vld [tilespmem:s1+$0x79F0]  }
0x1ab: {  	v54 =	vld [tilespmem:s1+$0x69E0]  }
0x1ac: {  	v62 =	vld [tilespmem:s1+$0x79E0]  }
0x1ad: {  	v29 =	vld [tilespmem:s1+$0x69D0]  }
0x1ae: {  	[tilespmem:$0x1FE20] =	vst v0;
	v0 =	vld [tilespmem:s1+$0x4890]  }
0x1af: {  	v30 =	vld [tilespmem:s1+$0x79D0]  }
0x1b0: {  	v16 =	vld [tilespmem:s1+$0x29F0]  }
0x1b1: {  	v51 =	vld [tilespmem:s1+$0x9F0]  }
0x1b2: {  	v52 =	vld [tilespmem:s1+$0x39F0]  }
0x1b3: {  	[tilespmem:$0x1FE00] =	vst v0;
	v0 =	vld [tilespmem:s1+$0x48A0]  }
0x1b4: {  	v14 =	vld [tilespmem:s1+$0x19F0]  }
0x1b5: {  	v60 =	vld [tilespmem:s1+$0x69B0]  }
0x1b6: {  	v37 =	vld [tilespmem:s1+$0x79B0]  }
0x1b7: {  	v55 =	vld [tilespmem:s1+$0x69C0]  }
0x1b8: {  	[tilespmem:$0x1FDE0] =	vst v0;
	v0 =	vld [tilespmem:s1+$0x58A0]  }
0x1b9: {  	v28 =	vld [tilespmem:s1+$0x79C0]  }
0x1ba: {  	v11 =	vld [tilespmem:s1+$0x29E0]  }
0x1bb: {  	v10 =	vld [tilespmem:s1+$0x9E0]  }
0x1bc: {  	v13 =	vld [tilespmem:s1+$0x39E0]  }
0x1bd: {  	[tilespmem:$0x1FDF0] =	vst v0;
	v0 =	vld [tilespmem:s1+$0x5850]  }
0x1be: {  	v12 =	vld [tilespmem:s1+$0x19E0]  }
0x1bf: {  	v32 =	vld [tilespmem:s1+$0x6990]  }
0x1c0: {  	v56 =	vld [tilespmem:s1+$0x69A0]  }
0x1c1: {  	v8 =	vld [tilespmem:s1+$0x29D0];
	v1 =	vadd.f32 v52, v14;
	v14 =	vsub.f32 v14, v52  }
0x1c2: {  	v6 =	vld [tilespmem:s1+$0x9D0];
	[tilespmem:$0x1FE40] =	vst v0;
	v0 =	vadd.f32 v16, v51;
	v16 =	vsub.f32 v51, v16  }
0x1c3: {  	v9 =	vld [tilespmem:s1+$0x39D0];
	v1 =	vmul.f32 v47, v1;
	v14 =	vmul.f32 v48, v14  }
0x1c4: {  	v7 =	vld [tilespmem:s1+$0x19D0];
	v0 =	vmul.f32 v48, v0;
	v16 =	vmul.f32 v47, v16  }
0x1c5: {  	v63 =	vld [tilespmem:s1+$0x6980];
	v48 =	vsub.f32 v10, v11;
	v10 =	vadd.f32 v11, v10  }
0x1c6: {  	v4 =	vld [tilespmem:s1+$0x29C0];
	v1 =	vadd.f32 v0, v1;
	v0 =	vsub.f32 v16, v14  }
0x1c7: {  	v2 =	vld [tilespmem:s1+$0x9C0];
	v16 =	vsub.f32 v12, v13;
	v12 =	vadd.f32 v13, v12  }
0x1c8: {  	v33 =	vld [tilespmem:s1+$0x7980];
	v13 =	vadd.f32 v8, v6  }
0x1c9: {  	v22 =	vld [tilespmem:s1+$0x29B0];
	v10 =	vmul.f32 v62, v10;
	v6 =	vsub.f32 v6, v8;
	v12 =	vmul.f32 v54, v12  }
0x1ca: {  	v5 =	vld [tilespmem:s1+$0x39C0];
	v11 =	vmul.f32 v54, v48;
	v48 =	vadd.f32 v9, v7;
	v7 =	vsub.f32 v7, v9  }
0x1cb: {  	v3 =	vld [tilespmem:s1+$0x19C0];
	v6 =	vmul.f32 v29, v6;
	v10 =	vadd.f32 v10, v12  }
0x1cc: {  	v20 =	vld [tilespmem:s1+$0x9B0];
	v12 =	vsub.f32 v2, v4;
	v2 =	vadd.f32 v4, v2;
	v4 =	vmul.f32 v30, v7  }
0x1cd: {  	v23 =	vld [tilespmem:s1+$0x39B0]  }
0x1ce: {  	v4 =	vsub.f32 v6, v4;
	v6 =	vld [tilespmem:s1+$0x5810]  }
0x1cf: {  	v21 =	vld [tilespmem:s1+$0x19B0]  }
0x1d0: {  	v19 =	vld [tilespmem:s1+$0x2990];
	v16 =	vmul.f32 v62, v16;
	v7 =	vsub.f32 v3, v5;
	v3 =	vadd.f32 v5, v3  }
0x1d1: {  	v18 =	vld [tilespmem:s1+$0x990];
	v8 =	vmul.f32 v30, v13;
	v13 =	vmul.f32 v29, v48  }
0x1d2: {  	v17 =	vld [tilespmem:s1+$0x3990];
	v9 =	vsub.f32 v11, v16;
	v2 =	vmul.f32 v28, v2;
	v3 =	vmul.f32 v55, v3  }
0x1d3: {  	v15 =	vld [tilespmem:s1+$0x1990];
	v8 =	vadd.f32 v8, v13;
	v5 =	vmul.f32 v55, v12;
	[tilespmem:$0x1FE50] =	vst v6;
	v6 =	vmul.f32 v28, v7  }
0x1d4: {  	v26 =	vld [tilespmem:s1+$0x29A0];
	v4 =	vadd.f32 v4, v38;
	v2 =	vadd.f32 v2, v3  }
0x1d5: {  	v24 =	vld [tilespmem:s1+$0x9A0];
	v3 =	vadd.f32 v22, v20;
	v6 =	vsub.f32 v5, v6  }
0x1d6: {  	v27 =	vld [tilespmem:s1+$0x39A0];
	v7 =	vadd.f32 v9, v36;
	v9 =	vadd.f32 v23, v21  }
0x1d7: {  	v25 =	vld [tilespmem:s1+$0x19A0];
	v2 =	vadd.f32 v39, v2;
	v6 =	vadd.f32 v6, v41  }
0x1d8: {  	v14 =	vld [tilespmem:s1+$0x2970];
	v20 =	vsub.f32 v20, v22;
	v22 =	vmul.f32 v37, v3;
	v9 =	vmul.f32 v60, v9  }
0x1d9: {  	v11 =	vld [tilespmem:s1+$0x2980];
	v2 =	vand.u32 $0x7FFFFFFF, v2;
	[tilespmem:$0x1FE90] =	vst v7;
	v7 =	vadd.f32 v40, v8;
	v6 =	vand.u32 $0x7FFFFFFF, v6  }
0x1da: {  	[tilespmem:$0x1FE80] =	vst v10;
	v10 =	vld [tilespmem:s1+$0x980];
	v38 =	vadd.f32 v22, v9;
	v2 =	vadd.f32 v2, v6  }
0x1db: {  	v13 =	vld [tilespmem:s1+$0x3980];
	v4 =	vand.u32 $0x7FFFFFFF, v4;
	v9 =	vadd.f32 v19, v18;
	v22 =	vadd.f32 v17, v15  }
0x1dc: {  	v16 =	vld [tilespmem:s1+$0x1980];
	v18 =	vsub.f32 v18, v19;
	v2 =	vadd.f32 v4, v2  }
0x1dd: {  	[tilespmem:$0x1FE60] =	vst v0;
	v0 =	vld [tilespmem:s1+$0x970];
	v7 =	vand.u32 $0x7FFFFFFF, v7;
	v19 =	vmul.f32 v32, v22;
	v22 =	vadd.f32 v26, v24  }
0x1de: {  	v45 =	vld [tilespmem:s1+$0x4980];
	v36 =	vadd.f32 v2, v7;
	v2 =	vsub.f32 v24, v26  }
0x1df: {  	v46 =	vld [tilespmem:s1+$0x5980];
	v26 =	vsub.f32 v10, v11;
	v10 =	vadd.f32 v11, v10  }
0x1e0: {  	v31 =	vld [tilespmem:s1+$0x7990];
	v24 =	vmul.f32 v56, v2;
	v2 =	vsub.f32 v25, v27;
	v25 =	vadd.f32 v27, v25  }
0x1e1: {  	v59 =	vld [tilespmem:s1+$0x79A0];
	v27 =	vsub.f32 v16, v13;
	v13 =	vadd.f32 v13, v16  }
0x1e2: {  	v61 =	vld [tilespmem:s1+$0x6970];
	v28 =	vadd.f32 v14, v0;
	v26 =	vmul.f32 v63, v26;
	v10 =	vmul.f32 v33, v10  }
0x1e3: {  	v58 =	vld [tilespmem:s1+$0x7970];
	v0 =	vsub.f32 v0, v14;
	v14 =	vmul.f32 v33, v27;
	v13 =	vmul.f32 v63, v13  }
0x1e4: {  	v49 =	vld [tilespmem:s1+$0x6950];
	v1 =	vadd.f32 v35, v1  }
0x1e5: {  	v50 =	vld [tilespmem:s1+$0x7950];
	v14 =	vsub.f32 v26, v14;
	v10 =	vadd.f32 v10, v13  }
0x1e6: {  	v48 =	vld [tilespmem:s1+$0x1970]  }
0x1e7: {  	[tilespmem:$0x1FE70] =	vst v1;
	v1 =	vld [tilespmem:s1+$0x3970];
	v14 =	vadd.f32 v14, v45;
	v10 =	vadd.f32 v46, v10  }
0x1e8: {  	v53 =	vld [tilespmem:s1+$0x6960]  }
0x1e9: {  	v57 =	vld [tilespmem:s1+$0x7960];
	v14 =	vand.u32 $0x7FFFFFFF, v14;
	v10 =	vand.u32 $0x7FFFFFFF, v10  }
0x1ea: {  	v21 =	vsub.f32 v21, v23;
	v10 =	vadd.f32 v10, v14;
	v14 =	vld [tilespmem:$0x1FC70]  }
0x1eb: {  	v34 =	vld [tilespmem:s1+$0x4870];
	v20 =	vmul.f32 v60, v20;
	v16 =	vmul.f32 v59, v2  }
0x1ec: {  	v52 =	vld [tilespmem:s1+$0x4880];
	v21 =	vmul.f32 v37, v21;
	v15 =	vsub.f32 v15, v17;
	v27 =	vsub.f32 v48, v1  }
0x1ed: {  	v23 =	vld [tilespmem:s1+$0x950];
	v1 =	vadd.f32 v1, v48;
	v13 =	vsub.f32 v24, v16  }
0x1ee: {  	v0 =	vmul.f32 v61, v0;
	v17 =	vld [tilespmem:s1+$0x3950];
	v20 =	vsub.f32 v20, v21;
	v18 =	vmul.f32 v32, v18  }
0x1ef: {  	v15 =	vmul.f32 v31, v15;
	v1 =	vmul.f32 v61, v1;
	v61 =	vadd.f32 v13, v14;
	v13 =	vld [tilespmem:$0x1FC80]  }
0x1f0: {  	v9 =	vmul.f32 v31, v9;
	v31 =	vadd.f32 v20, v42;
	v20 =	vld [tilespmem:s1+$0x1960];
	v24 =	vmul.f32 v58, v27  }
0x1f1: {  	v15 =	vsub.f32 v18, v15;
	v18 =	vld [tilespmem:s1+$0x3960]  }
0x1f2: {  	v21 =	vld [tilespmem:s1+$0x1950];
	v0 =	vsub.f32 v0, v24  }
0x1f3: {  	v6 =	vld [tilespmem:s1+$0x2950]  }
0x1f4: {  	v0 =	vadd.f32 v0, v13;
	v13 =	vld [tilespmem:$0x1FC90]  }
0x1f5: {  	v28 =	vmul.f32 v58, v28;
	v9 =	vadd.f32 v9, v19;
	v19 =	vld [tilespmem:s1+$0x960];
	v22 =	vmul.f32 v59, v22  }
0x1f6: {  	v4 =	vld [tilespmem:s1+$0x2960];
	v15 =	vadd.f32 v15, v43;
	v30 =	vsub.f32 v20, v18;
	v25 =	vmul.f32 v56, v25  }
0x1f7: {  	[tilespmem:$0x1FE10] =	vst v34;
	v34 =	vld [tilespmem:s1+$0x7940];
	v18 =	vadd.f32 v18, v20;
	v1 =	vadd.f32 v28, v1  }
0x1f8: {  	[tilespmem:$0x1FE30] =	vst v52;
	v52 =	vld [tilespmem:s1+$0x7930];
	v20 =	vadd.f32 v17, v21;
	v32 =	vadd.f32 v22, v25  }
0x1f9: {  	v51 =	vld [tilespmem:s1+$0x6930];
	v28 =	vadd.f32 v6, v23;
	v25 =	vadd.f32 v13, v1;
	v1 =	vand.u32 $0x7FFFFFFF, v15  }
0x1fa: {  	v26 =	vld [tilespmem:s1+$0x2930];
	v6 =	vsub.f32 v23, v6;
	v10 =	vadd.f32 v1, v10  }
0x1fb: {  	v18 =	vmul.f32 v53, v18;
	v23 =	vld [tilespmem:$0x1FCA0];
	v1 =	vsub.f32 v19, v4;
	v4 =	vadd.f32 v4, v19  }
0x1fc: {  	v17 =	vsub.f32 v21, v17;
	v21 =	vmul.f32 v50, v28;
	v28 =	vld [tilespmem:$0x1FCB0];
	v19 =	vmul.f32 v57, v30  }
0x1fd: {  	v27 =	vld [tilespmem:s1+$0x3930];
	v1 =	vmul.f32 v53, v1;
	v4 =	vmul.f32 v57, v4  }
0x1fe: {  	v9 =	vadd.f32 v44, v9;
	v22 =	vld [tilespmem:s1+$0x1930]  }
0x1ff: {  	v16 =	vld [tilespmem:s1+$0x930];
	v19 =	vsub.f32 v1, v19;
	v4 =	vadd.f32 v4, v18  }
0x200: {  	v47 =	vld [tilespmem:s1+$0x6940];
	v9 =	vand.u32 $0x7FFFFFFF, v9;
	v20 =	vmul.f32 v49, v20  }
0x201: {  	v62 =	vld [tilespmem:s1+$0x6920];
	v17 =	vmul.f32 v50, v17;
	v19 =	vadd.f32 v19, v23;
	v4 =	vadd.f32 v28, v4  }
0x202: {  	v24 =	vld [tilespmem:s1+$0x2940];
	v6 =	vmul.f32 v49, v6;
	v43 =	vadd.f32 v10, v9;
	v9 =	vadd.f32 v21, v20  }
0x203: {  	v14 =	vld [tilespmem:s1+$0x940];
	v20 =	vadd.f32 v27, v22;
	v10 =	vand.u32 $0x7FFFFFFF, v19;
	v4 =	vand.u32 $0x7FFFFFFF, v4  }
0x204: {  	v19 =	vadd.f32 v26, v16;
	v4 =	vadd.f32 v4, v10;
	v10 =	vld [tilespmem:$0x1FCC0]  }
0x205: {  	v29 =	vld [tilespmem:s1+$0x1940];
	v6 =	vsub.f32 v6, v17;
	v0 =	vand.u32 $0x7FFFFFFF, v0  }
0x206: {  	v3 =	vld [tilespmem:s1+$0x7920];
	v22 =	vsub.f32 v22, v27;
	v20 =	vmul.f32 v51, v20;
	v19 =	vmul.f32 v52, v19  }
0x207: {  	v15 =	vld [tilespmem:s1+$0x3940];
	v16 =	vsub.f32 v16, v26;
	v0 =	vadd.f32 v0, v4  }
0x208: {  	v25 =	vand.u32 $0x7FFFFFFF, v25;
	v27 =	vld [tilespmem:s1+$0x3920];
	v19 =	vadd.f32 v19, v20;
	v20 =	vsub.f32 v14, v24  }
0x209: {  	v4 =	vld [tilespmem:s1+$0x1920];
	v10 =	vadd.f32 v6, v10;
	v6 =	vmul.f32 v51, v16;
	v16 =	vmul.f32 v52, v22  }
0x20a: {  	v45 =	vadd.f32 v0, v25;
	v0 =	vld [tilespmem:$0x1FCD0]  }
0x20b: {  	v6 =	vsub.f32 v6, v16;
	v16 =	vmul.f32 v47, v20;
	v20 =	vld [tilespmem:$0x1FCE0]  }
0x20c: {  	v21 =	vld [tilespmem:s1+$0x2920]  }
0x20d: {  	v26 =	vld [tilespmem:s1+$0x920];
	v22 =	vsub.f32 v29, v15  }
0x20e: {  	v17 =	vld [tilespmem:s1+$0x1910]  }
0x20f: {  	v28 =	vld [tilespmem:s1+$0x3910];
	v25 =	vsub.f32 v4, v27;
	v0 =	vadd.f32 v0, v19;
	v19 =	vmul.f32 v34, v22  }
0x210: {  	v4 =	vadd.f32 v27, v4;
	v20 =	vadd.f32 v6, v20  }
0x211: {  	v55 =	vld [tilespmem:s1+$0x7910];
	v6 =	vadd.f32 v24, v14;
	v14 =	vsub.f32 v16, v19  }
0x212: {  	v19 =	vsub.f32 v26, v21;
	v21 =	vadd.f32 v21, v26  }
0x213: {  	v4 =	vmul.f32 v62, v4  }
0x214: {  	v21 =	vmul.f32 v3, v21;
	v3 =	vmul.f32 v3, v25;
	v25 =	vsub.f32 v17, v28  }
0x215: {  	v54 =	vld [tilespmem:s1+$0x6910]  }
0x216: {  	v4 =	vadd.f32 v21, v4;
	v21 =	vmul.f32 v55, v25;
	v25 =	vld [tilespmem:$0x1FCF0]  }
0x217: {  	v18 =	vld [tilespmem:s1+$0x2910];
	v19 =	vmul.f32 v62, v19  }
0x218: {  	v23 =	vld [tilespmem:s1+$0x910]  }
0x219: {  	v35 =	vld [tilespmem:s1+$0x68E0];
	v3 =	vsub.f32 v19, v3  }
0x21a: {  	v12 =	vld [tilespmem:s1+$0x4850]  }
0x21b: {  	v3 =	vadd.f32 v3, v25;
	v25 =	vld [tilespmem:$0x1FD00]  }
0x21c: {  	v17 =	vadd.f32 v28, v17;
	v28 =	vld [tilespmem:s1+$0x3900]  }
0x21d: {  	v27 =	vadd.f32 v18, v23;
	v19 =	vld [tilespmem:s1+$0x1900]  }
0x21e: {  	v15 =	vadd.f32 v15, v29;
	v29 =	vld [tilespmem:s1+$0x2900]  }
0x21f: {  	v18 =	vsub.f32 v23, v18;
	v23 =	vld [tilespmem:s1+$0x900];
	v27 =	vmul.f32 v55, v27;
	v17 =	vmul.f32 v54, v17  }
0x220: {  	v63 =	vld [tilespmem:s1+$0x6900];
	v4 =	vadd.f32 v25, v4  }
0x221: {  	v2 =	vld [tilespmem:s1+$0x7900];
	v17 =	vadd.f32 v27, v17  }
0x222: {  	v60 =	vld [tilespmem:s1+$0x78F0];
	v27 =	vsub.f32 v19, v28;
	v3 =	vand.u32 $0x7FFFFFFF, v3;
	v4 =	vand.u32 $0x7FFFFFFF, v4  }
0x223: {  	v59 =	vld [tilespmem:s1+$0x68F0];
	v19 =	vadd.f32 v28, v19;
	v3 =	vadd.f32 v4, v3  }
0x224: {  	v56 =	vld [tilespmem:s1+$0x68D0];
	v4 =	vsub.f32 v23, v29;
	v23 =	vadd.f32 v29, v23  }
0x225: {  	v22 =	vld [tilespmem:s1+$0x28F0];
	v20 =	vand.u32 $0x7FFFFFFF, v20  }
0x226: {  	v16 =	vld [tilespmem:s1+$0x8F0];
	v19 =	vmul.f32 v63, v19;
	v23 =	vmul.f32 v2, v23;
	v3 =	vadd.f32 v20, v3  }
0x227: {  	v0 =	vand.u32 $0x7FFFFFFF, v0;
	v24 =	vld [tilespmem:s1+$0x38F0]  }
0x228: {  	v18 =	vmul.f32 v54, v18;
	v40 =	vadd.f32 v3, v0;
	v3 =	vadd.f32 v23, v19;
	v23 =	vld [tilespmem:$0x1FD40]  }
0x229: {  	v26 =	vld [tilespmem:s1+$0x18F0];
	v4 =	vmul.f32 v63, v4;
	v2 =	vmul.f32 v2, v27  }
0x22a: {  	v18 =	vsub.f32 v18, v21;
	v21 =	vld [tilespmem:$0x1FD20]  }
0x22b: {  	v28 =	vld [tilespmem:s1+$0x38D0];
	v2 =	vsub.f32 v4, v2  }
0x22c: {  	v25 =	vld [tilespmem:$0x1FD10]  }
0x22d: {  	v2 =	vadd.f32 v2, v23;
	v23 =	vld [tilespmem:$0x1FD50]  }
0x22e: {  	v27 =	vld [tilespmem:$0x1FD30]  }
0x22f: {  	v21 =	vadd.f32 v21, v17;
	v17 =	vld [tilespmem:s1+$0x28D0];
	v29 =	vadd.f32 v22, v16  }
0x230: {  	v20 =	vld [tilespmem:s1+$0x18D0];
	v4 =	vsub.f32 v16, v22;
	v16 =	vadd.f32 v24, v26  }
0x231: {  	v14 =	vadd.f32 v14, v25;
	v25 =	vld [tilespmem:s1+$0x8D0]  }
0x232: {  	v33 =	vld [tilespmem:s1+$0x78D0];
	v16 =	vmul.f32 v59, v16;
	v3 =	vadd.f32 v23, v3  }
0x233: {  	v30 =	vld [tilespmem:s1+$0x28B0];
	v18 =	vadd.f32 v18, v27;
	v23 =	vsub.f32 v26, v24;
	v24 =	vmul.f32 v60, v29  }
0x234: {  	v0 =	vld [tilespmem:s1+$0x8E0];
	v26 =	vmul.f32 v59, v4;
	v4 =	vand.u32 $0x7FFFFFFF, v2;
	v3 =	vand.u32 $0x7FFFFFFF, v3  }
0x235: {  	v19 =	vld [tilespmem:s1+$0x38E0];
	v29 =	vadd.f32 v28, v20;
	v3 =	vadd.f32 v3, v4  }
0x236: {  	v22 =	vld [tilespmem:s1+$0x18E0];
	v18 =	vand.u32 $0x7FFFFFFF, v18;
	v16 =	vadd.f32 v24, v16;
	v24 =	vadd.f32 v17, v25  }
0x237: {  	v3 =	vadd.f32 v18, v3;
	v18 =	vsub.f32 v25, v17;
	v17 =	vld [tilespmem:$0x1FD60]  }
0x238: {  	v27 =	vld [tilespmem:s1+$0x28E0];
	v23 =	vmul.f32 v60, v23  }
0x239: {  	v1 =	vld [tilespmem:s1+$0x78E0];
	v24 =	vmul.f32 v33, v24;
	v25 =	vmul.f32 v56, v29  }
0x23a: {  	v51 =	vld [tilespmem:s1+$0x68C0];
	v20 =	vsub.f32 v20, v28;
	v23 =	vsub.f32 v26, v23  }
0x23b: {  	v52 =	vld [tilespmem:s1+$0x78C0];
	v21 =	vand.u32 $0x7FFFFFFF, v21;
	v24 =	vadd.f32 v24, v25;
	v25 =	vsub.f32 v22, v19  }
0x23c: {  	v28 =	vld [tilespmem:s1+$0x28C0];
	v20 =	vmul.f32 v33, v20;
	v19 =	vadd.f32 v19, v22;
	v17 =	vadd.f32 v23, v17  }
0x23d: {  	v59 =	vmovc v31;
	v31 =	vld [tilespmem:s1+$0x38C0];
	v18 =	vmul.f32 v56, v18;
	v23 =	vadd.f32 v3, v21;
	v21 =	vsub.f32 v0, v27  }
0x23e: {  	v22 =	vld [tilespmem:s1+$0x18C0];
	v0 =	vadd.f32 v27, v0  }
0x23f: {  	v18 =	vsub.f32 v18, v20;
	v19 =	vmul.f32 v35, v19;
	v3 =	vld [tilespmem:s1+$0x8C0];
	v20 =	vmul.f32 v35, v21  }
0x240: {  	v26 =	vld [tilespmem:s1+$0x8B0];
	v21 =	vmul.f32 v1, v25;
	v0 =	vmul.f32 v1, v0  }
0x241: {  	v29 =	vld [tilespmem:s1+$0x38B0]  }
0x242: {  	v25 =	vld [tilespmem:s1+$0x18B0];
	v21 =	vsub.f32 v20, v21;
	v20 =	vadd.f32 v0, v19  }
0x243: {  	v49 =	vld [tilespmem:s1+$0x68B0];
	v19 =	vsub.f32 v22, v31;
	v22 =	vadd.f32 v31, v22  }
0x244: {  	v39 =	vld [tilespmem:s1+$0x6850];
	v0 =	vsub.f32 v3, v28;
	v3 =	vadd.f32 v28, v3  }
0x245: {  	v50 =	vld [tilespmem:s1+$0x78B0];
	v58 =	vadd.f32 v30, v26  }
0x246: {  	v8 =	vld [tilespmem:s1+$0x4860];
	v26 =	vsub.f32 v26, v30;
	v22 =	vmul.f32 v51, v22;
	v3 =	vmul.f32 v52, v3  }
0x247: {  	v5 =	vld [tilespmem:s1+$0x5860];
	v31 =	vadd.f32 v29, v25  }
0x248: {  	v25 =	vsub.f32 v25, v29;
	v3 =	vadd.f32 v3, v22;
	v22 =	vmul.f32 v49, v26;
	v26 =	vld [tilespmem:$0x1FD90]  }
0x249: {  	v37 =	vld [tilespmem:s1+$0x4810];
	v19 =	vmul.f32 v52, v19;
	v0 =	vmul.f32 v51, v0  }
0x24a: {  	v41 =	vld [tilespmem:s1+$0x7890];
	v25 =	vmul.f32 v50, v25  }
0x24b: {  	v42 =	vld [tilespmem:s1+$0x6870];
	v0 =	vsub.f32 v0, v19  }
0x24c: {  	v22 =	vsub.f32 v22, v25;
	v25 =	vld [tilespmem:$0x1FDB0]  }
0x24d: {  	v0 =	vadd.f32 v0, v26;
	v26 =	vld [tilespmem:$0x1FDA0]  }
0x24e: {  	v48 =	vld [tilespmem:s1+$0x78A0]  }
0x24f: {  	v15 =	vmul.f32 v47, v15;
	v47 =	vld [tilespmem:s1+$0x68A0]  }
0x250: {  	v62 =	vld [tilespmem:s1+$0x28A0]  }
0x251: {  	v54 =	vld [tilespmem:s1+$0x3890]  }
0x252: {  	v3 =	vadd.f32 v26, v3;
	v26 =	vadd.f32 v21, v25;
	v25 =	vld [tilespmem:$0x1FDC0]  }
0x253: {  	v63 =	vld [tilespmem:s1+$0x38A0];
	v29 =	vmul.f32 v50, v58;
	v31 =	vmul.f32 v49, v31  }
0x254: {  	v30 =	vld [tilespmem:s1+$0x8A0]  }
0x255: {  	v27 =	vld [tilespmem:$0x1FD70];
	v29 =	vadd.f32 v29, v31  }
0x256: {  	v19 =	vld [tilespmem:s1+$0x18A0]  }
0x257: {  	v29 =	vadd.f32 v25, v29;
	v25 =	vld [tilespmem:$0x1FDD0]  }
0x258: {  	v6 =	vmul.f32 v34, v6;
	v1 =	vld [tilespmem:$0x1FD80]  }
0x259: {  	v28 =	vld [tilespmem:s1+$0x2890]  }
0x25a: {  	v15 =	vadd.f32 v6, v15;
	v0 =	vand.u32 $0x7FFFFFFF, v0;
	v21 =	vld [tilespmem:s1+$0x1890];
	v3 =	vand.u32 $0x7FFFFFFF, v3  }
0x25b: {  	v31 =	vld [tilespmem:s1+$0x890];
	v0 =	vadd.f32 v3, v0;
	v3 =	vsub.f32 v30, v62  }
0x25c: {  	v44 =	vld [tilespmem:s1+$0x7870];
	v22 =	vadd.f32 v22, v25;
	v25 =	vsub.f32 v19, v63  }
0x25d: {  	v6 =	vld [tilespmem:s1+$0x6890];
	v24 =	vadd.f32 v27, v24;
	v27 =	vadd.f32 v18, v1  }
0x25e: {  	v7 =	vld [tilespmem:s1+$0x4840];
	v30 =	vadd.f32 v62, v30;
	v3 =	vmul.f32 v47, v3;
	v25 =	vmul.f32 v48, v25  }
0x25f: {  	v11 =	vld [tilespmem:s1+$0x5840];
	v19 =	vadd.f32 v63, v19;
	v63 =	vadd.f32 v54, v21  }
0x260: {  	v27 =	vand.u32 $0x7FFFFFFF, v27;
	v62 =	vld [tilespmem:s1+$0x1870];
	v3 =	vsub.f32 v3, v25;
	v25 =	vsub.f32 v31, v28  }
0x261: {  	v0 =	vadd.f32 v27, v0;
	v27 =	vld [tilespmem:s1+$0x3870];
	v30 =	vmul.f32 v48, v30;
	v19 =	vmul.f32 v47, v19  }
0x262: {  	v58 =	vadd.f32 v28, v31;
	v31 =	vmul.f32 v6, v63;
	v6 =	vmul.f32 v6, v25;
	v25 =	vld [tilespmem:$0x1FDF0]  }
0x263: {  	v57 =	vld [tilespmem:s1+$0x870]  }
0x264: {  	v28 =	vmul.f32 v41, v58;
	v19 =	vadd.f32 v30, v19;
	v30 =	vld [tilespmem:$0x1FDE0]  }
0x265: {  	v53 =	vld [tilespmem:s1+$0x1880]  }
0x266: {  	v55 =	vld [tilespmem:s1+$0x2870];
	v21 =	vsub.f32 v21, v54;
	v28 =	vadd.f32 v28, v31  }
0x267: {  	v31 =	vld [tilespmem:s1+$0x3880];
	v19 =	vadd.f32 v25, v19;
	v25 =	vadd.f32 v27, v62  }
0x268: {  	v52 =	vld [tilespmem:s1+$0x2880];
	v21 =	vmul.f32 v41, v21  }
0x269: {  	v24 =	vand.u32 $0x7FFFFFFF, v24;
	v3 =	vadd.f32 v3, v30;
	v54 =	vmul.f32 v42, v25;
	v25 =	vld [tilespmem:$0x1FE00]  }
0x26a: {  	v6 =	vsub.f32 v6, v21;
	v30 =	vadd.f32 v0, v24;
	v0 =	vld [tilespmem:s1+$0x880]  }
0x26b: {  	(xrf2) =	vadd.scan.msk.f32 $0xffff, v36;
	v36 =	vld [tilespmem:s1+$0x3820];
	v21 =	vsub.f32 v57, v55;
	v24 =	vadd.f32 v55, v57;
	v3 =	vand.u32 $0x7FFFFFFF, v3  }
0x26c: {  	v2 =	vld [tilespmem:s1+$0x6880];
	v27 =	vsub.f32 v62, v27;
	v62 =	vsub.f32 v53, v31;
	v19 =	vand.u32 $0x7FFFFFFF, v19  }
0x26d: {  	v46 =	vld [tilespmem:s1+$0x6810];
	v21 =	vmul.f32 v42, v21;
	v31 =	vadd.f32 v31, v53;
	v3 =	vadd.f32 v19, v3  }
0x26e: {  	v34 =	vld [tilespmem:s1+$0x7830];
	v27 =	vmul.f32 v44, v27;
	v25 =	vadd.f32 v6, v25;
	v6 =	vand.u32 $0x7FFFFFFF, v22  }
0x26f: {  	v60 =	vmov v38;
	v38 =	vld [tilespmem:s1+$0x6860];
	v57 =	vsub.f32 v0, v52;
	v3 =	vadd.f32 v6, v3  }
0x270: {  	v4 =	vld [tilespmem:s1+$0x7880];
	v29 =	vand.u32 $0x7FFFFFFF, v29;
	v21 =	vsub.f32 v21, v27  }
0x271: {  	v27 =	vmul.f32 v2, v57;
	v2 =	vmul.f32 v2, v31;
	v31 =	vadd.f32 v3, v29;
	v29 =	vld [tilespmem:$0x1FE10]  }
0x272: {  	v33 =	vld [tilespmem:s1+$0x840]  }
0x273: {  	v58 =	vld [tilespmem:s1+$0x1860]  }
0x274: {  	v55 =	vld [tilespmem:s1+$0x2860]  }
0x275: {  	v22 =	vld [tilespmem:s1+$0x860]  }
0x276: {  	v21 =	vadd.f32 v21, v29;
	v29 =	vld [tilespmem:$0x1FE20]  }
0x277: {  	v24 =	vmul.f32 v44, v24;
	v0 =	vadd.f32 v52, v0;
	v6 =	vld [tilespmem:s1+$0x3860]  }
0x278: {  	v18 =	vld [tilespmem:s1+$0x7860]  }
0x279: {  	v63 =	vld [tilespmem:s1+$0x850];
	v24 =	vadd.f32 v24, v54;
	v0 =	vmul.f32 v4, v0  }
0x27a: {  	v19 =	vld [tilespmem:s1+$0x2850]  }
0x27b: {  	v56 =	vmov v32;
	v32 =	vld [tilespmem:s1+$0x2840];
	v24 =	vadd.f32 v29, v24;
	v29 =	vadd.f32 v0, v2  }
0x27c: {  	v52 =	vld [tilespmem:s1+$0x3850];
	v0 =	vsub.f32 v22, v55;
	v2 =	vsub.f32 v58, v6  }
0x27d: {  	v4 =	vmul.f32 v4, v62;
	v3 =	vld [tilespmem:s1+$0x1850]  }
0x27e: {  	v1 =	vld [tilespmem:s1+$0x7850];
	v0 =	vmul.f32 v38, v0;
	v2 =	vmul.f32 v18, v2  }
0x27f: {  	v49 =	vld [tilespmem:s1+$0x7810];
	v4 =	vsub.f32 v27, v4;
	v54 =	vadd.f32 v19, v63  }
0x280: {  	v53 =	vld [tilespmem:s1+$0x810];
	v19 =	vsub.f32 v63, v19;
	v2 =	vsub.f32 v0, v2  }
0x281: {  	v27 =	vld [tilespmem:s1+$0x2810];
	v22 =	vadd.f32 v55, v22;
	v6 =	vadd.f32 v6, v58  }
0x282: {  	v57 =	vadd.f32 v52, v3;
	v2 =	vadd.f32 v2, v8;
	v8 =	vld [tilespmem:$0x1FE30]  }
0x283: {  	v3 =	vsub.f32 v3, v52;
	v55 =	vld [tilespmem:s1+$0x3810];
	v18 =	vmul.f32 v18, v22;
	v6 =	vmul.f32 v38, v6  }
0x284: {  	v62 =	vmul.f32 v39, v57;
	v58 =	vmul.f32 v1, v54;
	v22 =	vld [tilespmem:s1+$0x1810]  }
0x285: {  	v42 =	vld [tilespmem:s1+$0x6840];
	v1 =	vmul.f32 v1, v3;
	v6 =	vadd.f32 v18, v6;
	v18 =	vmul.f32 v39, v19  }
0x286: {  	v44 =	vld [tilespmem:s1+$0x7840];
	v3 =	vadd.f32 v58, v62  }
0x287: {  	v18 =	vsub.f32 v18, v1;
	v1 =	vld [tilespmem:$0x1FE40];
	v19 =	vadd.f32 v4, v8  }
0x288: {  	v63 =	vld [tilespmem:s1+$0x2830];
	v4 =	vadd.f32 v5, v6;
	v5 =	vsub.f32 v53, v27  }
0x289: {  	v52 =	vld [tilespmem:s1+$0x3840];
	v21 =	vand.u32 $0x7FFFFFFF, v21;
	v6 =	vadd.f32 v27, v53;
	v27 =	vsub.f32 v22, v55  }
0x28a: {  	v57 =	vld [tilespmem:s1+$0x800];
	v2 =	vand.u32 $0x7FFFFFFF, v2;
	v22 =	vadd.f32 v55, v22;
	v4 =	vand.u32 $0x7FFFFFFF, v4  }
0x28b: {  	v58 =	vld [tilespmem:s1+$0x3800];
	v5 =	vmul.f32 v46, v5;
	v2 =	vadd.f32 v4, v2;
	v4 =	vmul.f32 v49, v27  }
0x28c: {  	v62 =	vld [tilespmem:s1+$0x1800];
	v1 =	vadd.f32 v1, v3;
	v6 =	vmul.f32 v49, v6;
	v22 =	vmul.f32 v46, v22  }
0x28d: {  	v53 =	vld [tilespmem:s1+$0x1840];
	v2 =	vadd.f32 v21, v2;
	v3 =	vsub.f32 v5, v4  }
0x28e: {  	v12 =	vadd.f32 v18, v12;
	v55 =	vld [tilespmem:s1+$0x2800];
	v4 =	vadd.f32 v6, v22;
	v6 =	vand.u32 $0x7FFFFFFF, v24  }
0x28f: {  	v18 =	vadd.f32 v2, v6;
	v2 =	vadd.f32 v3, v37;
	v3 =	vld [tilespmem:$0x1FE50]  }
0x290: {  	v8 =	vld [tilespmem:s1+$0x830]  }
0x291: {  	(xrf2) =	vadd.scan.msk.f32 $0xffff, v43;
	v54 =	vld [tilespmem:s1+$0x3830];
	v43 =	vadd.f32 v58, v62  }
0x292: {  	v5 =	vld [tilespmem:s1+$0x1830];
	v21 =	vsub.f32 v33, v32;
	v22 =	vsub.f32 v53, v52  }
0x293: {  	v13 =	vld [tilespmem:s1+$0x4800];
	v33 =	vadd.f32 v32, v33;
	v39 =	vadd.f32 v52, v53  }
0x294: {  	p0 =	sne.s32 s17, $0x7;
	v35 =	vld [tilespmem:s1+$0x6830];
	v38 =	vsub.f32 v57, v55;
	v6 =	vadd.f32 v3, v4  }
.Ltmp0:
0x295: {  	v0 =	vld [tilespmem:s1+$0x6800];
	v4 =	vsub.f32 v8, v63;
	v8 =	vadd.f32 v63, v8;
	(pc) =	sbr.rel @p0 .LBB2_3-.Ltmp0, $4  }
0x296: {  	v27 =	vld [tilespmem:s1+$0x7800];
	v41 =	vadd.f32 v55, v57;
	v21 =	vmul.f32 v42, v21;
	v63 =	vmul.f32 v44, v22  }
0x297: {  	v24 =	vld [tilespmem:s1+$0x2820];
	v3 =	vand.u32 $0x7FFFFFFF, v12;
	v37 =	vmul.f32 v34, v8;
	v8 =	vadd.f32 v54, v5  }
0x298: {  	(xrf2) =	vadd.scan.msk.f32 $0xffff, v45;
	v12 =	vld [tilespmem:s1+$0x6820];
	v22 =	vsub.f32 v5, v54;
	v32 =	vsub.f32 v21, v63;
	v21 =	vmul.f32 v44, v33  }
0x299: {  	s16 =	smov.u32 s17;
	s17 =	sadd.s32 $0x1, s17;
	(xrf2) =	vadd.scan.msk.f32 $0xffff, v40;
	v33 =	vld [tilespmem:s1+$0x820];
	v44 =	vmul.f32 v42, v39;
	v42 =	vsub.f32 v62, v58;
	v39 =	vmul.f32 v35, v8  }
0x29a: {  	v5 =	vmul.f32 v0, v38;
	v47 =	vld [tilespmem:s1+$0x1820];
	v4 =	vmul.f32 v35, v4  }
0x29b: {  	v40 =	vld [tilespmem:s1+$0x7820];
	v7 =	vadd.f32 v32, v7;
	v51 =	vmul.f32 v34, v22;
	v48 =	vmul.f32 v27, v42  }
0x29c: {  	v49 =	vmul.f32 v0, v43;
	v21 =	vadd.f32 v21, v44;
	v37 =	vadd.f32 v37, v39  }
0x29d: {  	v50 =	vld [tilespmem:s1+$0x5800];
	v1 =	vand.u32 $0x7FFFFFFF, v1;
	v4 =	vsub.f32 v4, v51;
	v5 =	vsub.f32 v5, v48  }
0x29e: {  	v55 =	vld [tilespmem:s1+$0x4820];
	v8 =	vmul.f32 v27, v41;
	v52 =	vsub.f32 v33, v24;
	v53 =	vadd.f32 v24, v33  }
0x29f: {  	v38 =	vld [tilespmem:s1+$0x4830];
	v2 =	vand.u32 $0x7FFFFFFF, v2;
	v54 =	vsub.f32 v47, v36;
	v57 =	vadd.f32 v36, v47  }
0x2a0: {  	v63 =	vld [tilespmem:s1+$0x5820];
	v0 =	vadd.f32 v8, v49;
	v58 =	vmul.f32 v12, v52;
	v62 =	vmul.f32 v40, v53  }
0x2a1: {  	v41 =	vld [tilespmem:s1+$0x5880];
	v11 =	vadd.f32 v11, v21;
	v24 =	vmul.f32 v40, v54;
	v36 =	vmul.f32 v12, v57  }
0x2a2: {  	v7 =	vand.u32 $0x7FFFFFFF, v7;
	v5 =	vadd.f32 v5, v13;
	v0 =	vadd.f32 v50, v0  }
0x2a3: {  	v11 =	vand.u32 $0x7FFFFFFF, v11;
	v39 =	vsub.f32 v58, v24;
	v40 =	vadd.f32 v62, v36  }
0x2a4: {  	v42 =	vld [tilespmem:s1+$0x5830];
	v4 =	vadd.f32 v4, v38;
	v7 =	vadd.f32 v11, v7;
	v5 =	vand.u32 $0x7FFFFFFF, v5  }
0x2a5: {  	v45 =	vld [tilespmem:s1+$0x58E0];
	v0 =	vand.u32 $0x7FFFFFFF, v0;
	v43 =	vadd.f32 v39, v55;
	v44 =	vadd.f32 v63, v40  }
0x2a6: {  	v6 =	vand.u32 $0x7FFFFFFF, v6;
	v49 =	vadd.f32 v41, v29;
	v0 =	vadd.f32 v0, v5  }
0x2a7: {  	v48 =	vld [tilespmem:s1+$0x5890];
	v3 =	vadd.f32 v3, v7;
	v46 =	vand.u32 $0x7FFFFFFF, v43;
	v47 =	vand.u32 $0x7FFFFFFF, v44  }
0x2a8: {  	(xrf2) =	vadd.scan.msk.f32 $0xffff, v23;
	v51 =	vand.u32 $0x7FFFFFFF, v19;
	v0 =	vadd.f32 v2, v0;
	v2 =	vadd.f32 v47, v46  }
0x2a9: {  	(xrf2) =	vadd.scan.msk.f32 $0xffff, v30;
	v50 =	vld [tilespmem:s1+$0x5940];
	v4 =	vand.u32 $0x7FFFFFFF, v4;
	v5 =	vadd.f32 v42, v37;
	v1 =	vadd.f32 v3, v1  }
0x2aa: {  	(xrf2) =	vadd.scan.msk.f32 $0xffff, v31;
	v52 =	vld [tilespmem:s1+$0x58F0];
	v7 =	vand.u32 $0x7FFFFFFF, v49;
	v3 =	vadd.f32 v45, v20;
	v2 =	vadd.f32 v4, v2  }
0x2ab: {  	v23 =	vld [tilespmem:s1+$0x59E0];
	(xrf2) =	vadd.scan.msk.f32 $0xffff, v18;
	v5 =	vand.u32 $0x7FFFFFFF, v5;
	v0 =	vadd.f32 v0, v6;
	v4 =	vadd.f32 v7, v51  }
0x2ac: {  	v57 =	vld [tilespmem:s1+$0x59A0];
	v54 =	vadd.f32 v48, v28;
	v55 =	vand.u32 $0x7FFFFFFF, v25;
	(xrf2) =	vadd.scan.msk.f32 $0xffff, v1;
	v53 =	vadd.f32 v2, v5  }
0x2ad: {  	v62 =	vand.u32 $0x7FFFFFFF, v26;
	v63 =	vld [tilespmem:s1+$0x5950];
	v3 =	vand.u32 $0x7FFFFFFF, v3;
	(xrf2) =	vadd.scan.msk.f32 $0xffff, v0;
	v58 =	vadd.f32 v55, v4  }
0x2ae: {  	v18, _, _ =	vpop (xrf2);
	v29 =	vld [tilespmem:s1+$0x49F0];
	v19 =	vadd.f32 v50, v15;
	v3 =	vadd.f32 v3, v62;
	v2 =	vand.u32 $0x7FFFFFFF, v54;
	(xrf2) =	vadd.scan.msk.f32 $0xffff, v53  }
0x2af: {  	v22 =	vand.u32 $0x7FFFFFFF, v17;
	v26 =	vld [tilespmem:s1+$0x59B0];
	v20, _, _ =	vpop (xrf2);
	v21 =	vadd.f32 v52, v16;
	v0 =	vadd.f32 v58, v2  }
0x2b0: {  	v36 =	vld [tilespmem:$0x1FE80];
	v24, _, _ =	vpop (xrf2);
	v25 =	vand.u32 $0x7FFFFFFF, v14;
	v3 =	vadd.f32 v22, v3;
	v4 =	vand.u32 $0x7FFFFFFF, v19  }
0x2b1: {  	v41 =	vld [tilespmem:$0x1FE60];
	v27, _, _ =	vpop (xrf2);
	v28 =	vadd.f32 v57, v56;
	v4 =	vadd.f32 v4, v25;
	v2 =	vand.u32 $0x7FFFFFFF, v21;
	(xrf2) =	vadd.scan.msk.f32 $0xffff, v0  }
0x2b2: {  	v32 =	vand.u32 $0x7FFFFFFF, v10;
	v30, _, _ =	vpop (xrf2);
	v43 =	vld [tilespmem:$0x1FE90];
	v31 =	vadd.f32 v63, v9;
	v2 =	vadd.f32 v3, v2  }
0x2b3: {  	v34 =	vand.u32 $0x7FFFFFFF, v61;
	v33, _, _ =	vpop (xrf2);
	v6 =	vand.u32 $0x7FFFFFFF, v28;
	v4 =	vadd.f32 v32, v4  }
0x2b4: {  	v38 =	vadd.f32 v26, v60;
	v35, _, _ =	vpop (xrf2);
	v5 =	vadd.f32 v6, v34;
	v3 =	vand.u32 $0x7FFFFFFF, v31;
	(xrf2) =	vadd.scan.msk.f32 $0xffff, v2  }
0x2b5: {  	v39 =	vand.u32 $0x7FFFFFFF, v59;
	v37, _, _ =	vpop (xrf2);
	v6 =	vadd.f32 v23, v36;
	v3 =	vadd.f32 v4, v3  }
0x2b6: {  	v50 =	vld [tilespmem:$0x1FE70];
	v7 =	vadd.f32 v41, v29;
	v5 =	vadd.f32 v39, v5;
	v40, _, _ =	vpop (xrf2)  }
0x2b7: {  	v15 =	vand.u32 $0x7FFFFFFF, v43;
	v6 =	vand.u32 $0x7FFFFFFF, v6;
	v4 =	vand.u32 $0x7FFFFFFF, v38;
	v42, _, _ =	vpop (xrf2);
	(xrf2) =	vadd.scan.msk.f32 $0xffff, v3  }
0x2b8: {  	v45 =	vadd.f32 v6, v15;
	v44 =	vadd.f32 v5, v4;
	v46, _, _ =	vpop (xrf2)  }
0x2b9: {  	v7 =	vand.u32 $0x7FFFFFFF, v7;
	v47 =	vbroadcast v42, $0xF;
	v5 =	vbroadcast v46, $0xF  }
0x2ba: {  	v48 =	vbroadcast v40, $0xF;
	v4 =	vadd.f32 v7, v45;
	(xrf2) =	vadd.scan.msk.f32 $0xffff, v44  }
0x2bb: {  	v2 =	vbroadcast v37, $0xF;
	v51, _, _ =	vpop (xrf2);
	v49 =	vsel vm0, v47, v5;
	v5 =	vand.u32 $0x7FFFFFFF, v50  }
0x2bc: {  	v6 =	vbroadcast v51, $0xF;
	v3 =	vsel vm1, v49, v48;
	v4 =	vadd.f32 v4, v5  }
0x2bd: {  	v52 =	vbroadcast v35, $0xF;
	v2 =	vsel vm2, v3, v2  }
0x2be: {  	v53 =	vbroadcast v33, $0xF;
	v54, _, _ =	vpop (xrf2);
	v2 =	vsel vm3, v2, v6;
	(xrf2) =	vadd.scan.msk.f32 $0xffff, v4  }
0x2bf: {  	v55 =	vbroadcast v54, $0xF;
	v2 =	vsel vm4, v2, v52  }
0x2c0: {  	v0 =	vbroadcast v30, $0xF;
	v2 =	vsel vm5, v2, v53  }
0x2c1: {  	v56 =	vbroadcast v27, $0xF;
	v57, _, _ =	vpop (xrf2);
	v2 =	vsel vm6, v2, v55  }
0x2c2: {  	v63 =	vld [tilespmem:$0x1FFF0];
	v58 =	vbroadcast v57, $0xF;
	v0 =	vsel vm7, v2, v0  }
0x2c3: {  	v59 =	vbroadcast v24, $0xF;
	v0 =	vsel vm8, v0, v56  }
0x2c4: {  	s0 =	sadd.s32 $0x1, s0;
	v1 =	vbroadcast v20, $0xF;
	v60, _, _ =	vpop (xrf2);
	v0 =	vsel vm9, v0, v58  }
0x2c5: {  	p0 =	sne.s32 s0, $0x4;
	v2 =	vbroadcast v60, $0xF;
	v0 =	vsel vm10, v0, v59  }
.Ltmp1:
0x2c6: {  	v61 =	vbroadcast v18, $0xF;
	v0 =	vsel vm11, v0, v1;
	(pc) =	sbr.rel @p0 .LBB2_2-.Ltmp1, $4  }
0x2c7: {  	v0 =	vsel vm12, v0, v2  }
0x2c8: {  	s18 =	sshll.u32 s16, $0x4;
	v0 =	vsel vm13, v0, v61;
	v62, _, _ =	vpop (xrf2)  }
0x2c9: {  	s1 =	sand.u32 $0x3FFFFFF0, s18;
	v0 =	vsel vm14, v0, v62  }
0x2ca: {  	[tilespmem:v63+s1+$0x0 ss:$0x1] =	vst.idx.msk $0xffff, v0  }
0x2cb: {  	s31 =	sadd.s32 $0x1, s31  }
0x2cc: {  	p0 =	sne.s32 s31, s14  }
.Ltmp2:
0x2cd: {  	_ = 	snop;
	(pc) =	sbr.rel @p0 .LBB2_1-.Ltmp2, $4  }
0x2ce: {  	[hbm4b:s13+s2] =	stream.linear.scatter [tilespmem:s30], [sflag:$0x2], $0x200, $0x38;
	[tilespmem:$0x8A00] =	vst v63  }
0x2cf: {  	_ =	swait.ge [sflag:s15], $0x200  }
0x2d0: {  	[sflag:s15] =	ssyncset.done $0x0  }
0x2d1: {  	[sflag:s15] =	ssyncadd.s32 $0xFFFFFE00  }
0x2d2: {  	_ =	sfence.sel $0x180000  }
0x2d3: {  	[bflag:$0x0] =	sbarrier.arrive $0xFFFF  }
0x2d4: {  	_ =	strace $0x90000047  }
0x2d5: {  	s0 =	stileid.u32;
	[bflag:$0x2] =	sbarrier.arrive $0xFFFF  }
0x2d6: {  	p0 =	sne.s32 s0, $0x0;
	s0 =	rddreg [dreg:$0x2]  }
0x2d7: {  	s0 =	sadd.s32 @!p0 $0x100000, s0  }
0x2d8: {  	[sflag:s0] =	ssyncadd.tile.s32 @!p0 $0x1;
	_ =	shalt  }
.Lfunc_end2:
_tile_overlayer_lowered:
.L_overlay_start_2:
0x2d9: {  	(tag) =	ssettag $0x2  }
0x2da: {  	s0 =	rddreg [dreg:$0x0];
	s2 =	stileid.u32  }
0x2db: {  	s1 =	rddreg [dreg:$0x1];
	p0 =	sne.s32 s2, $0x0  }
0x2dc: {  	s3 =	rddreg [dreg:$0x2];
	[bflag:$0x3] =	sbarrier.arrive $0xFFFF;
	s2 =	simm.s32 @!p0 $0x1C02  }
0x2dd: {  	[timem:s3], [sflag:s2] =	dma.local @!p0 [hbm:s0], s1  }
0x2de: {  	s0 =	simm.s32 @!p0 $0x2  }
0x2df: {  	_ =	swait.ge @!p0 [sflag:s0], s1  }
0x2e0: {  	s1 =	ssub.s32 @!p0 $0x0, s1;
	[sflag:s0] =	ssyncset.done @!p0 $0x0  }
0x2e1: {  	[sflag:s0] =	ssyncadd.s32 @!p0 s1  }
0x2e2: {  	[bflag:$0x3] =	sbarrier.arrive $0xFFFF  }
0x2e3: {  	_ =	shalt  }

</sc_bundles>
